<compile_context>
chip_gen: v7x
topology: tpu7x:2x2x1
jax: 0.10.2.dev20260603
libtpu: 0.0.44.dev20260713+nightly
codegen_flags: <defaults>
</compile_context>

<pallas_src>
import functools

import jax
import jax.numpy as jnp
from jax import lax
from jax.experimental import pallas as pl
from jax.experimental.pallas import tpu as pltpu
from jax.experimental.pallas import tpu_sc as plsc

B, N, C, H, W = 2, 4, 16, 512, 512
W_SPARSE, W_DENSE, W_SEM = 1.0, 0.05, 1.0

BN = B * N
HB = 128
LOG2E = 1.4426950408889634

NC, NS, L = 2, 16, 16
NW = NC * NS


ROWS = BN * H
RPW = ROWS // NW
CHR = 16
NCHUNK = RPW // CHR


def _sc_depth_kernel(dp_hbm, sg_hbm, dg_hbm, gt_hbm, out_hbm,
                     dp_v, sg_v, dg_v, gt_v, acc_v, sem0, sem1):
    wid = lax.axis_index("s") * NC + lax.axis_index("c")
    base = wid * RPW
    sems = (sem0, sem1)

    def issue(k, slot):
        r0 = base + k * CHR
        pltpu.async_copy(dp_hbm.at[pl.ds(r0, CHR)], dp_v.at[slot], sems[slot])
        pltpu.async_copy(sg_hbm.at[pl.ds(r0, CHR)], sg_v.at[slot], sems[slot])
        pltpu.async_copy(dg_hbm.at[pl.ds(r0, CHR)], dg_v.at[slot], sems[slot])
        pltpu.async_copy(gt_hbm.at[pl.ds(r0, CHR)], gt_v.at[slot], sems[slot])

    def drain(slot):
        pltpu.make_async_copy(dp_hbm.at[pl.ds(0, CHR)], dp_v.at[slot], sems[slot]).wait()
        pltpu.make_async_copy(sg_hbm.at[pl.ds(0, CHR)], sg_v.at[slot], sems[slot]).wait()
        pltpu.make_async_copy(dg_hbm.at[pl.ds(0, CHR)], dg_v.at[slot], sems[slot]).wait()
        pltpu.make_async_copy(gt_hbm.at[pl.ds(0, CHR)], gt_v.at[slot], sems[slot]).wait()

    def compute(slot, accs):
        for rg in range(0, CHR, 4):
            def vec_body(j, accs, rg=rg):
                l1s, cs, l1d, cd = accs
                o = j * L
                for r in range(rg, rg + 4):
                    d = dp_v[slot, r, pl.ds(o, L)]
                    s = sg_v[slot, r, pl.ds(o, L)]
                    de = dg_v[slot, r, pl.ds(o, L)]
                    g = gt_v[slot, r, pl.ds(o, L)]
                    m0 = g > 0
                    mss = jnp.logical_and(m0, s > 0.0)
                    msd = jnp.logical_and(m0, de > 0.0)
                    l1s = l1s + jnp.where(mss, jnp.abs(d - s), 0.0)
                    cs = cs + jnp.where(mss, 1.0, 0.0)
                    l1d = l1d + jnp.where(msd, jnp.abs(d - de), 0.0)
                    cd = cd + jnp.where(msd, 1.0, 0.0)
                return l1s, cs, l1d, cd

            accs = lax.fori_loop(0, W // L, vec_body, accs)
        return accs

    issue(0, 0)

    def pair_body(i, accs):
        k0 = 2 * i
        issue(k0 + 1, 1)
        drain(0)
        accs = compute(0, accs)

        @pl.when(k0 + 2 < NCHUNK)
        def _prefetch():
            issue(k0 + 2, 0)

        drain(1)
        return compute(1, accs)

    z = jnp.zeros((L,), jnp.float32)
    l1s, cs, l1d, cd = lax.fori_loop(0, NCHUNK // 2, pair_body, (z, z, z, z))
    acc_v[0] = l1s
    acc_v[1] = cs
    acc_v[2] = l1d
    acc_v[3] = cd
    pltpu.sync_copy(acc_v, out_hbm.at[wid])


@functools.cache
def _sc_depth():
    return functools.partial(
        pl.kernel,
        out_type=jax.ShapeDtypeStruct((NW, 4, L), jnp.float32),
        mesh=plsc.VectorSubcoreMesh(
            core_axis_name="c", subcore_axis_name="s", num_cores=NC,
            num_subcores=NS),
        compiler_params=pltpu.CompilerParams(use_tc_tiling_on_sc=True),
        scratch_types=[
            pltpu.VMEM((2, CHR, W), jnp.float32),
            pltpu.VMEM((2, CHR, W), jnp.float32),
            pltpu.VMEM((2, CHR, W), jnp.float32),
            pltpu.VMEM((2, CHR, W), jnp.int32),
            pltpu.VMEM((4, L), jnp.float32),
            pltpu.SemaphoreType.DMA,
            pltpu.SemaphoreType.DMA,
        ],
    )(_sc_depth_kernel)


def _ce_kernel(sp_ref, gt_ref, out_ref):
    gt = gt_ref[0]

    x = sp_ref[0]
    xb = x.astype(jnp.bfloat16)
    mb = jnp.max(xb, axis=0)
    t = jnp.exp2((xb - mb[None]) * jnp.bfloat16(LOG2E))
    eb = t[0]
    for c in range(1, C):
        eb = eb + t[c]
    e = eb.astype(jnp.float32)
    m = mb.astype(jnp.float32)

    b0 = (gt & 1) != 0
    b1 = (gt & 2) != 0
    b2 = (gt & 4) != 0
    b3 = (gt & 8) != 0
    lvl = [jnp.where(b0, xb[2 * i + 1], xb[2 * i]) for i in range(8)]
    lvl = [jnp.where(b1, lvl[2 * i + 1], lvl[2 * i]) for i in range(4)]
    lvl = [jnp.where(b2, lvl[2 * i + 1], lvl[2 * i]) for i in range(2)]
    logit_gt = jnp.where(b3, lvl[1], lvl[0]).astype(jnp.float32)
    nll = jnp.log(e) + m - logit_gt

    mf = (gt > 0).astype(jnp.float32)
    nll_sum = jnp.sum(nll * mf)
    cnt = jnp.sum(mf)

    lane = lax.broadcasted_iota(jnp.int32, (1, 128), 1)
    vec = (jnp.where(lane == 0, nll_sum, 0.0)
           + jnp.where(lane == 1, cnt, 0.0))

    first = jnp.logical_and(pl.program_id(0) == 0, pl.program_id(1) == 0)

    @pl.when(first)
    def _init():
        out_ref[...] = vec

    @pl.when(jnp.logical_not(first))
    def _acc():
        out_ref[...] += vec


def kernel(depth_pred, semantic_pred, sparse_depth_gt, dense_depth_gt, semantic_gt):
    sp = semantic_pred.reshape(BN, C, H, W)
    gt = semantic_gt.reshape(BN, H, W).astype(jnp.int32)
    dp = depth_pred.reshape(ROWS, W)
    sg = sparse_depth_gt.reshape(ROWS, W)
    dg = dense_depth_gt.reshape(ROWS, W)
    gt2 = gt.reshape(ROWS, W)

    sc_part = _sc_depth()(dp, sg, dg, gt2)

    nh = H // HB
    acc = pl.pallas_call(
        _ce_kernel,
        grid=(BN, nh),
        in_specs=[
            pl.BlockSpec((1, C, HB, W), lambda b, h: (b, 0, h, 0)),
            pl.BlockSpec((1, HB, W), lambda b, h: (b, h, 0)),
        ],
        out_specs=pl.BlockSpec((1, 128), lambda b, h: (0, 0)),
        out_shape=jax.ShapeDtypeStruct((1, 128), jnp.float32),
    )(sp, gt)

    depth_sums = jnp.sum(sc_part, axis=(0, 2))
    l1s, cnt_s, l1d, cnt_d = (depth_sums[0], depth_sums[1],
                              depth_sums[2], depth_sums[3])
    nll_sum, cnt = acc[0, 0], acc[0, 1]

    l_d = jnp.where(cnt_s > 0, l1s / jnp.maximum(cnt_s, 1.0), 0.0)
    l_pd = jnp.where(cnt_d > 0, l1d / jnp.maximum(cnt_d, 1.0), 0.0)
    l_sem = jnp.where(cnt > 0, nll_sum / jnp.maximum(cnt, 1.0), 0.0)
    return W_SPARSE * l_d + W_DENSE * l_pd + W_SEM * l_sem

# --- scband reference (transcript-rebuilt; emitter-appended) ---
"""Pipeline reference for scband-dlwmloss-41008347742668 (READ-ONLY COPY).

The authoritative reference and input builder live on the scoring server;
editing this copy changes nothing except your own understanding.
"""

import jax, jax.numpy as jnp
import numpy as np

B, N, C, H, W = 2, 4, 16, 512, 512
W_SPARSE, W_DENSE, W_SEM = 1.0, 0.05, 1.0
DEPTH_IGNORE = 0.0


def setup_inputs(seed: int = 0) -> dict:
    key = jax.random.key(seed)
    k1, k2, k3, k4, k5 = jax.random.split(key, 5)
    depth_pred = jax.random.normal(k1, (B, N, 1, H, W), dtype=jnp.float32)
    semantic_pred = jax.random.normal(k2, (B, N, C, H, W), dtype=jnp.float32)
    sparse_depth_gt = jax.random.uniform(k3, (B, N, 1, H, W), dtype=jnp.float32)
    dense_depth_gt = jax.random.uniform(k4, (B, N, 1, H, W), dtype=jnp.float32)
    semantic_gt = jax.random.randint(k5, (B, N, H, W), 0, C).astype(jnp.int64)
    return {
        "depth_pred": depth_pred,
        "semantic_pred": semantic_pred,
        "sparse_depth_gt": sparse_depth_gt,
        "dense_depth_gt": dense_depth_gt,
        "semantic_gt": semantic_gt,
    }


def _masked_l1(pred, gt, class_mask):
    # valid pixels: gt depth > ignore AND class_mask
    valid = (gt > DEPTH_IGNORE)[:, :, 0]  # squeeze channel dim
    m = jnp.logical_and(valid, class_mask)
    mf = m.astype(jnp.float32)
    cnt = jnp.sum(mf)
    diff = jnp.abs(pred[:, :, 0] - gt[:, :, 0]) * mf
    return jnp.where(cnt > 0, jnp.sum(diff) / jnp.maximum(cnt, 1.0), 0.0)


def reference(depth_pred, semantic_pred, sparse_depth_gt, dense_depth_gt, semantic_gt):
    # train_classes=None -> all non-background (id>0) pixels participate
    class_mask = semantic_gt > 0  # [B,N,H,W]

    l_d = _masked_l1(depth_pred, sparse_depth_gt, class_mask)
    l_pd = _masked_l1(depth_pred, dense_depth_gt, class_mask)

    # masked cross-entropy over class dim (axis=2)
    logp = jax.nn.log_softmax(semantic_pred, axis=2)  # [B,N,C,H,W]
    gt_idx = semantic_gt[:, :, None, :, :]  # [B,N,1,H,W]
    nll = -jnp.take_along_axis(logp, gt_idx, axis=2)[:, :, 0]  # [B,N,H,W]
    mf = class_mask.astype(jnp.float32)
    cnt = jnp.sum(mf)
    l_sem = jnp.where(cnt > 0, jnp.sum(nll * mf) / jnp.maximum(cnt, 1.0), 0.0)

    total = W_SPARSE * l_d + W_DENSE * l_pd + W_SEM * l_sem
    return total

if __name__ == "__main__":
    import jax
    _d = setup_inputs()
    print(jax.jit(kernel)(*tuple(_d.values())))

</pallas_src>

<mosaic_0001>
#map = affine_map<(d0, d1) -> (0, 0)>
#map1 = affine_map<(d0, d1) -> (0, 0, 0)>
module attributes {stable_mosaic.version = 14 : i64} {
  func.func @_sc_depth_kernel(%arg0: i32, %arg1: i32, %arg2: memref<4096x512xf32, #tpu.memory_space<hbm>>, %arg3: memref<4096x512xf32, #tpu.memory_space<hbm>>, %arg4: memref<4096x512xf32, #tpu.memory_space<hbm>>, %arg5: memref<4096x512xi32, #tpu.memory_space<hbm>>, %arg6: memref<32x4x16xf32, #tpu.memory_space<hbm>>, %arg7: memref<2x16x512xf32, #tpu.memory_space<vmem>>, %arg8: memref<2x16x512xf32, #tpu.memory_space<vmem>>, %arg9: memref<2x16x512xf32, #tpu.memory_space<vmem>>, %arg10: memref<2x16x512xi32, #tpu.memory_space<vmem>>, %arg11: memref<4x16xf32, #tpu.memory_space<vmem>>, %arg12: memref<!tpu.dma_semaphore, #tpu.memory_space<semaphore_mem>>, %arg13: memref<!tpu.dma_semaphore, #tpu.memory_space<semaphore_mem>>) attributes {dimension_semantics = [#tpu.dimension_semantics<core_parallel>, #tpu.dimension_semantics<subcore_parallel>], iteration_bounds = array<i64: 2, 16>, scalar_prefetch = 0 : i64, scratch_operands = 7 : i64, tpu.core_type = #tpu.core_type<sc_vector_subcore>, window_params = [{transform_indices = #map}, {transform_indices = #map}, {transform_indices = #map}, {transform_indices = #map}, {transform_indices = #map1}]} {
    %mul3A = arith.constant 2 : i32
    %mul3A_0 = arith.muli %arg1, %mul3A : i32
    %add3A = arith.addi %mul3A_0, %arg0 : i32
    %mul3A_1 = arith.constant 128 : i32
    %mul3A_2 = arith.muli %add3A, %mul3A_1 : i32
    %add3A_3 = arith.constant 0 : i32
    %add3A_4 = arith.addi %mul3A_2, %add3A_3 : i32
    %dma_start3A = arith.constant 0 : i32
    %dma_start3A_5 = arith.constant 0 : i32
    %dma_start3A_6 = arith.constant 0 : i32
    %dma_start3A_7 = tpu.memref_slice %arg7[%dma_start3A, %dma_start3A_5, %dma_start3A_6] : memref<2x16x512xf32, #tpu.memory_space<vmem>> -> memref<1x16x512xf32, #tpu.memory_space<vmem>>
    %dma_start3A_8 = tpu.memref_squeeze %dma_start3A_7 : memref<1x16x512xf32, #tpu.memory_space<vmem>> -> memref<16x512xf32, #tpu.memory_space<vmem>>
    %dma_start3A_9 = arith.constant 0 : i32
    %dma_start3A_10 = tpu.memref_slice %arg2[%add3A_4, %dma_start3A_9] : memref<4096x512xf32, #tpu.memory_space<hbm>> -> memref<16x512xf32, #tpu.memory_space<hbm>>
    %dma_start3A_11 = arith.constant 0 : i32
    %dma_start3A_12 = arith.constant 0 : i32
    %dma_start3A_13 = tpu.memref_slice %arg7[%dma_start3A, %dma_start3A_11, %dma_start3A_12] : memref<2x16x512xf32, #tpu.memory_space<vmem>> -> memref<1x16x512xf32, #tpu.memory_space<vmem>>
    %dma_start3A_14 = tpu.memref_squeeze %dma_start3A_13 : memref<1x16x512xf32, #tpu.memory_space<vmem>> -> memref<16x512xf32, #tpu.memory_space<vmem>>
    %dma_start3A_15 = arith.constant 0 : i32
    %dma_start3A_16 = tpu.memref_slice %arg2[%add3A_4, %dma_start3A_15] : memref<4096x512xf32, #tpu.memory_space<hbm>> -> memref<16x512xf32, #tpu.memory_space<hbm>>
    tpu.enqueue_dma source(%dma_start3A_16 : memref<16x512xf32, #tpu.memory_space<hbm>>) target(%dma_start3A_14 : memref<16x512xf32, #tpu.memory_space<vmem>>) target_semaphore(%arg12 : memref<!tpu.dma_semaphore, #tpu.memory_space<semaphore_mem>>)
    %dma_start3A_17 = arith.constant 0 : i32
    %dma_start3A_18 = arith.constant 0 : i32
    %dma_start3A_19 = arith.constant 0 : i32
    %dma_start3A_20 = tpu.memref_slice %arg8[%dma_start3A_17, %dma_start3A_18, %dma_start3A_19] : memref<2x16x512xf32, #tpu.memory_space<vmem>> -> memref<1x16x512xf32, #tpu.memory_space<vmem>>
    %dma_start3A_21 = tpu.memref_squeeze %dma_start3A_20 : memref<1x16x512xf32, #tpu.memory_space<vmem>> -> memref<16x512xf32, #tpu.memory_space<vmem>>
    %dma_start3A_22 = arith.constant 0 : i32
    %dma_start3A_23 = tpu.memref_slice %arg3[%add3A_4, %dma_start3A_22] : memref<4096x512xf32, #tpu.memory_space<hbm>> -> memref<16x512xf32, #tpu.memory_space<hbm>>
    %dma_start3A_24 = arith.constant 0 : i32
    %dma_start3A_25 = arith.constant 0 : i32
    %dma_start3A_26 = tpu.memref_slice %arg8[%dma_start3A_17, %dma_start3A_24, %dma_start3A_25] : memref<2x16x512xf32, #tpu.memory_space<vmem>> -> memref<1x16x512xf32, #tpu.memory_space<vmem>>
    %dma_start3A_27 = tpu.memref_squeeze %dma_start3A_26 : memref<1x16x512xf32, #tpu.memory_space<vmem>> -> memref<16x512xf32, #tpu.memory_space<vmem>>
    %dma_start3A_28 = arith.constant 0 : i32
    %dma_start3A_29 = tpu.memref_slice %arg3[%add3A_4, %dma_start3A_28] : memref<4096x512xf32, #tpu.memory_space<hbm>> -> memref<16x512xf32, #tpu.memory_space<hbm>>
    tpu.enqueue_dma source(%dma_start3A_29 : memref<16x512xf32, #tpu.memory_space<hbm>>) target(%dma_start3A_27 : memref<16x512xf32, #tpu.memory_space<vmem>>) target_semaphore(%arg12 : memref<!tpu.dma_semaphore, #tpu.memory_space<semaphore_mem>>)
    %dma_start3A_30 = arith.constant 0 : i32
    %dma_start3A_31 = arith.constant 0 : i32
    %dma_start3A_32 = arith.constant 0 : i32
    %dma_start3A_33 = tpu.memref_slice %arg9[%dma_start3A_30, %dma_start3A_31, %dma_start3A_32] : memref<2x16x512xf32, #tpu.memory_space<vmem>> -> memref<1x16x512xf32, #tpu.memory_space<vmem>>
    %dma_start3A_34 = tpu.memref_squeeze %dma_start3A_33 : memref<1x16x512xf32, #tpu.memory_space<vmem>> -> memref<16x512xf32, #tpu.memory_space<vmem>>
    %dma_start3A_35 = arith.constant 0 : i32
    %dma_start3A_36 = tpu.memref_slice %arg4[%add3A_4, %dma_start3A_35] : memref<4096x512xf32, #tpu.memory_space<hbm>> -> memref<16x512xf32, #tpu.memory_space<hbm>>
    %dma_start3A_37 = arith.constant 0 : i32
    %dma_start3A_38 = arith.constant 0 : i32
    %dma_start3A_39 = tpu.memref_slice %arg9[%dma_start3A_30, %dma_start3A_37, %dma_start3A_38] : memref<2x16x512xf32, #tpu.memory_space<vmem>> -> memref<1x16x512xf32, #tpu.memory_space<vmem>>
    %dma_start3A_40 = tpu.memref_squeeze %dma_start3A_39 : memref<1x16x512xf32, #tpu.memory_space<vmem>> -> memref<16x512xf32, #tpu.memory_space<vmem>>
    %dma_start3A_41 = arith.constant 0 : i32
    %dma_start3A_42 = tpu.memref_slice %arg4[%add3A_4, %dma_start3A_41] : memref<4096x512xf32, #tpu.memory_space<hbm>> -> memref<16x512xf32, #tpu.memory_space<hbm>>
    tpu.enqueue_dma source(%dma_start3A_42 : memref<16x512xf32, #tpu.memory_space<hbm>>) target(%dma_start3A_40 : memref<16x512xf32, #tpu.memory_space<vmem>>) target_semaphore(%arg12 : memref<!tpu.dma_semaphore, #tpu.memory_space<semaphore_mem>>)
    %dma_start3A_43 = arith.constant 0 : i32
    %dma_start3A_44 = arith.constant 0 : i32
    %dma_start3A_45 = arith.constant 0 : i32
    %dma_start3A_46 = tpu.memref_slice %arg10[%dma_start3A_43, %dma_start3A_44, %dma_start3A_45] : memref<2x16x512xi32, #tpu.memory_space<vmem>> -> memref<1x16x512xi32, #tpu.memory_space<vmem>>
    %dma_start3A_47 = tpu.memref_squeeze %dma_start3A_46 : memref<1x16x512xi32, #tpu.memory_space<vmem>> -> memref<16x512xi32, #tpu.memory_space<vmem>>
    %dma_start3A_48 = arith.constant 0 : i32
    %dma_start3A_49 = tpu.memref_slice %arg5[%add3A_4, %dma_start3A_48] : memref<4096x512xi32, #tpu.memory_space<hbm>> -> memref<16x512xi32, #tpu.memory_space<hbm>>
    %dma_start3A_50 = arith.constant 0 : i32
    %dma_start3A_51 = arith.constant 0 : i32
    %dma_start3A_52 = tpu.memref_slice %arg10[%dma_start3A_43, %dma_start3A_50, %dma_start3A_51] : memref<2x16x512xi32, #tpu.memory_space<vmem>> -> memref<1x16x512xi32, #tpu.memory_space<vmem>>
    %dma_start3A_53 = tpu.memref_squeeze %dma_start3A_52 : memref<1x16x512xi32, #tpu.memory_space<vmem>> -> memref<16x512xi32, #tpu.memory_space<vmem>>
    %dma_start3A_54 = arith.constant 0 : i32
    %dma_start3A_55 = tpu.memref_slice %arg5[%add3A_4, %dma_start3A_54] : memref<4096x512xi32, #tpu.memory_space<hbm>> -> memref<16x512xi32, #tpu.memory_space<hbm>>
    tpu.enqueue_dma source(%dma_start3A_55 : memref<16x512xi32, #tpu.memory_space<hbm>>) target(%dma_start3A_53 : memref<16x512xi32, #tpu.memory_space<vmem>>) target_semaphore(%arg12 : memref<!tpu.dma_semaphore, #tpu.memory_space<semaphore_mem>>)
    %broadcast_in_dim3A = arith.constant 0.000000e+00 : f32
    %broadcast_in_dim3A_56 = vector.broadcast %broadcast_in_dim3A : f32 to vector<16xf32>
    %scan3A = arith.constant 0 : i32
    %scan3A_57 = arith.constant 4 : i32
    %scan3A_58 = arith.addi %scan3A, %scan3A_57 : i32
    %scan3A_59 = arith.constant 1 : i32
    %scan3A_60:4 = scf.for %scan3A_85 = %scan3A to %scan3A_58 step %scan3A_59 iter_args(%scan3A_86 = %broadcast_in_dim3A_56, %scan3A_87 = %broadcast_in_dim3A_56, %scan3A_88 = %broadcast_in_dim3A_56, %scan3A_89 = %broadcast_in_dim3A_56) -> (vector<16xf32>, vector<16xf32>, vector<16xf32>, vector<16xf32>)  : i32 {
      %mul3A_90 = arith.constant 2 : i32
      %mul3A_91 = arith.muli %mul3A_90, %scan3A_85 : i32
      %add3A_92 = arith.constant 1 : i32
      %add3A_93 = arith.addi %mul3A_91, %add3A_92 : i32
      %mul3A_94 = arith.constant 16 : i32
      %mul3A_95 = arith.muli %add3A_93, %mul3A_94 : i32
      %add3A_96 = arith.addi %mul3A_2, %mul3A_95 : i32
      %dma_start3A_97 = arith.constant 1 : i32
      %dma_start3A_98 = arith.constant 0 : i32
      %dma_start3A_99 = arith.constant 0 : i32
      %dma_start3A_100 = tpu.memref_slice %arg7[%dma_start3A_97, %dma_start3A_98, %dma_start3A_99] : memref<2x16x512xf32, #tpu.memory_space<vmem>> -> memref<1x16x512xf32, #tpu.memory_space<vmem>>
      %dma_start3A_101 = tpu.memref_squeeze %dma_start3A_100 : memref<1x16x512xf32, #tpu.memory_space<vmem>> -> memref<16x512xf32, #tpu.memory_space<vmem>>
      %dma_start3A_102 = arith.constant 0 : i32
      %dma_start3A_103 = tpu.memref_slice %arg2[%add3A_96, %dma_start3A_102] : memref<4096x512xf32, #tpu.memory_space<hbm>> -> memref<16x512xf32, #tpu.memory_space<hbm>>
      %dma_start3A_104 = arith.constant 0 : i32
      %dma_start3A_105 = arith.constant 0 : i32
      %dma_start3A_106 = tpu.memref_slice %arg7[%dma_start3A_97, %dma_start3A_104, %dma_start3A_105] : memref<2x16x512xf32, #tpu.memory_space<vmem>> -> memref<1x16x512xf32, #tpu.memory_space<vmem>>
      %dma_start3A_107 = tpu.memref_squeeze %dma_start3A_106 : memref<1x16x512xf32, #tpu.memory_space<vmem>> -> memref<16x512xf32, #tpu.memory_space<vmem>>
      %dma_start3A_108 = arith.constant 0 : i32
      %dma_start3A_109 = tpu.memref_slice %arg2[%add3A_96, %dma_start3A_108] : memref<4096x512xf32, #tpu.memory_space<hbm>> -> memref<16x512xf32, #tpu.memory_space<hbm>>
      tpu.enqueue_dma source(%dma_start3A_109 : memref<16x512xf32, #tpu.memory_space<hbm>>) target(%dma_start3A_107 : memref<16x512xf32, #tpu.memory_space<vmem>>) target_semaphore(%arg13 : memref<!tpu.dma_semaphore, #tpu.memory_space<semaphore_mem>>)
      %dma_start3A_110 = arith.constant 1 : i32
      %dma_start3A_111 = arith.constant 0 : i32
      %dma_start3A_112 = arith.constant 0 : i32
      %dma_start3A_113 = tpu.memref_slice %arg8[%dma_start3A_110, %dma_start3A_111, %dma_start3A_112] : memref<2x16x512xf32, #tpu.memory_space<vmem>> -> memref<1x16x512xf32, #tpu.memory_space<vmem>>
      %dma_start3A_114 = tpu.memref_squeeze %dma_start3A_113 : memref<1x16x512xf32, #tpu.memory_space<vmem>> -> memref<16x512xf32, #tpu.memory_space<vmem>>
      %dma_start3A_115 = arith.constant 0 : i32
      %dma_start3A_116 = tpu.memref_slice %arg3[%add3A_96, %dma_start3A_115] : memref<4096x512xf32, #tpu.memory_space<hbm>> -> memref<16x512xf32, #tpu.memory_space<hbm>>
      %dma_start3A_117 = arith.constant 0 : i32
      %dma_start3A_118 = arith.constant 0 : i32
      %dma_start3A_119 = tpu.memref_slice %arg8[%dma_start3A_110, %dma_start3A_117, %dma_start3A_118] : memref<2x16x512xf32, #tpu.memory_space<vmem>> -> memref<1x16x512xf32, #tpu.memory_space<vmem>>
      %dma_start3A_120 = tpu.memref_squeeze %dma_start3A_119 : memref<1x16x512xf32, #tpu.memory_space<vmem>> -> memref<16x512xf32, #tpu.memory_space<vmem>>
      %dma_start3A_121 = arith.constant 0 : i32
      %dma_start3A_122 = tpu.memref_slice %arg3[%add3A_96, %dma_start3A_121] : memref<4096x512xf32, #tpu.memory_space<hbm>> -> memref<16x512xf32, #tpu.memory_space<hbm>>
      tpu.enqueue_dma source(%dma_start3A_122 : memref<16x512xf32, #tpu.memory_space<hbm>>) target(%dma_start3A_120 : memref<16x512xf32, #tpu.memory_space<vmem>>) target_semaphore(%arg13 : memref<!tpu.dma_semaphore, #tpu.memory_space<semaphore_mem>>)
      %dma_start3A_123 = arith.constant 1 : i32
      %dma_start3A_124 = arith.constant 0 : i32
      %dma_start3A_125 = arith.constant 0 : i32
      %dma_start3A_126 = tpu.memref_slice %arg9[%dma_start3A_123, %dma_start3A_124, %dma_start3A_125] : memref<2x16x512xf32, #tpu.memory_space<vmem>> -> memref<1x16x512xf32, #tpu.memory_space<vmem>>
      %dma_start3A_127 = tpu.memref_squeeze %dma_start3A_126 : memref<1x16x512xf32, #tpu.memory_space<vmem>> -> memref<16x512xf32, #tpu.memory_space<vmem>>
      %dma_start3A_128 = arith.constant 0 : i32
      %dma_start3A_129 = tpu.memref_slice %arg4[%add3A_96, %dma_start3A_128] : memref<4096x512xf32, #tpu.memory_space<hbm>> -> memref<16x512xf32, #tpu.memory_space<hbm>>
      %dma_start3A_130 = arith.constant 0 : i32
      %dma_start3A_131 = arith.constant 0 : i32
      %dma_start3A_132 = tpu.memref_slice %arg9[%dma_start3A_123, %dma_start3A_130, %dma_start3A_131] : memref<2x16x512xf32, #tpu.memory_space<vmem>> -> memref<1x16x512xf32, #tpu.memory_space<vmem>>
      %dma_start3A_133 = tpu.memref_squeeze %dma_start3A_132 : memref<1x16x512xf32, #tpu.memory_space<vmem>> -> memref<16x512xf32, #tpu.memory_space<vmem>>
      %dma_start3A_134 = arith.constant 0 : i32
      %dma_start3A_135 = tpu.memref_slice %arg4[%add3A_96, %dma_start3A_134] : memref<4096x512xf32, #tpu.memory_space<hbm>> -> memref<16x512xf32, #tpu.memory_space<hbm>>
      tpu.enqueue_dma source(%dma_start3A_135 : memref<16x512xf32, #tpu.memory_space<hbm>>) target(%dma_start3A_133 : memref<16x512xf32, #tpu.memory_space<vmem>>) target_semaphore(%arg13 : memref<!tpu.dma_semaphore, #tpu.memory_space<semaphore_mem>>)
      %dma_start3A_136 = arith.constant 1 : i32
      %dma_start3A_137 = arith.constant 0 : i32
      %dma_start3A_138 = arith.constant 0 : i32
      %dma_start3A_139 = tpu.memref_slice %arg10[%dma_start3A_136, %dma_start3A_137, %dma_start3A_138] : memref<2x16x512xi32, #tpu.memory_space<vmem>> -> memref<1x16x512xi32, #tpu.memory_space<vmem>>
      %dma_start3A_140 = tpu.memref_squeeze %dma_start3A_139 : memref<1x16x512xi32, #tpu.memory_space<vmem>> -> memref<16x512xi32, #tpu.memory_space<vmem>>
      %dma_start3A_141 = arith.constant 0 : i32
      %dma_start3A_142 = tpu.memref_slice %arg5[%add3A_96, %dma_start3A_141] : memref<4096x512xi32, #tpu.memory_space<hbm>> -> memref<16x512xi32, #tpu.memory_space<hbm>>
      %dma_start3A_143 = arith.constant 0 : i32
      %dma_start3A_144 = arith.constant 0 : i32
      %dma_start3A_145 = tpu.memref_slice %arg10[%dma_start3A_136, %dma_start3A_143, %dma_start3A_144] : memref<2x16x512xi32, #tpu.memory_space<vmem>> -> memref<1x16x512xi32, #tpu.memory_space<vmem>>
      %dma_start3A_146 = tpu.memref_squeeze %dma_start3A_145 : memref<1x16x512xi32, #tpu.memory_space<vmem>> -> memref<16x512xi32, #tpu.memory_space<vmem>>
      %dma_start3A_147 = arith.constant 0 : i32
      %dma_start3A_148 = tpu.memref_slice %arg5[%add3A_96, %dma_start3A_147] : memref<4096x512xi32, #tpu.memory_space<hbm>> -> memref<16x512xi32, #tpu.memory_space<hbm>>
      tpu.enqueue_dma source(%dma_start3A_148 : memref<16x512xi32, #tpu.memory_space<hbm>>) target(%dma_start3A_146 : memref<16x512xi32, #tpu.memory_space<vmem>>) target_semaphore(%arg13 : memref<!tpu.dma_semaphore, #tpu.memory_space<semaphore_mem>>)
      %dma_wait3A = arith.constant 0 : i32
      %dma_wait3A_149 = arith.constant 0 : i32
      %dma_wait3A_150 = arith.constant 0 : i32
      %dma_wait3A_151 = tpu.memref_slice %arg7[%dma_wait3A, %dma_wait3A_149, %dma_wait3A_150] : memref<2x16x512xf32, #tpu.memory_space<vmem>> -> memref<1x16x512xf32, #tpu.memory_space<vmem>>
      %dma_wait3A_152 = tpu.memref_squeeze %dma_wait3A_151 : memref<1x16x512xf32, #tpu.memory_space<vmem>> -> memref<16x512xf32, #tpu.memory_space<vmem>>
      %dma_wait3A_153 = arith.constant 0 : i32
      %dma_wait3A_154 = arith.constant 0 : i32
      %dma_wait3A_155 = tpu.memref_slice %arg2[%dma_wait3A_153, %dma_wait3A_154] : memref<4096x512xf32, #tpu.memory_space<hbm>> -> memref<16x512xf32, #tpu.memory_space<hbm>>
      %dma_wait3A_156 = arith.constant 0 : i32
      %dma_wait3A_157 = arith.constant 0 : i32
      %dma_wait3A_158 = tpu.memref_slice %arg7[%dma_wait3A, %dma_wait3A_156, %dma_wait3A_157] : memref<2x16x512xf32, #tpu.memory_space<vmem>> -> memref<1x16x512xf32, #tpu.memory_space<vmem>>
      %dma_wait3A_159 = tpu.memref_squeeze %dma_wait3A_158 : memref<1x16x512xf32, #tpu.memory_space<vmem>> -> memref<16x512xf32, #tpu.memory_space<vmem>>
      %dma_wait3A_160 = arith.constant 0 : i32
      %dma_wait3A_161 = arith.constant 0 : i32
      %dma_wait3A_162 = tpu.memref_slice %arg2[%dma_wait3A_160, %dma_wait3A_161] : memref<4096x512xf32, #tpu.memory_space<hbm>> -> memref<16x512xf32, #tpu.memory_space<hbm>>
      tpu.wait_dma2 semaphore(%arg12 : memref<!tpu.dma_semaphore, #tpu.memory_space<semaphore_mem>>) src(%dma_wait3A_162 : memref<16x512xf32, #tpu.memory_space<hbm>>) dst(%dma_wait3A_159 : memref<16x512xf32, #tpu.memory_space<vmem>>)
      %dma_wait3A_163 = arith.constant 0 : i32
      %dma_wait3A_164 = arith.constant 0 : i32
      %dma_wait3A_165 = arith.constant 0 : i32
      %dma_wait3A_166 = tpu.memref_slice %arg8[%dma_wait3A_163, %dma_wait3A_164, %dma_wait3A_165] : memref<2x16x512xf32, #tpu.memory_space<vmem>> -> memref<1x16x512xf32, #tpu.memory_space<vmem>>
      %dma_wait3A_167 = tpu.memref_squeeze %dma_wait3A_166 : memref<1x16x512xf32, #tpu.memory_space<vmem>> -> memref<16x512xf32, #tpu.memory_space<vmem>>
      %dma_wait3A_168 = arith.constant 0 : i32
      %dma_wait3A_169 = arith.constant 0 : i32
      %dma_wait3A_170 = tpu.memref_slice %arg3[%dma_wait3A_168, %dma_wait3A_169] : memref<4096x512xf32, #tpu.memory_space<hbm>> -> memref<16x512xf32, #tpu.memory_space<hbm>>
      %dma_wait3A_171 = arith.constant 0 : i32
      %dma_wait3A_172 = arith.constant 0 : i32
      %dma_wait3A_173 = tpu.memref_slice %arg8[%dma_wait3A_163, %dma_wait3A_171, %dma_wait3A_172] : memref<2x16x512xf32, #tpu.memory_space<vmem>> -> memref<1x16x512xf32, #tpu.memory_space<vmem>>
      %dma_wait3A_174 = tpu.memref_squeeze %dma_wait3A_173 : memref<1x16x512xf32, #tpu.memory_space<vmem>> -> memref<16x512xf32, #tpu.memory_space<vmem>>
      %dma_wait3A_175 = arith.constant 0 : i32
      %dma_wait3A_176 = arith.constant 0 : i32
      %dma_wait3A_177 = tpu.memref_slice %arg3[%dma_wait3A_175, %dma_wait3A_176] : memref<4096x512xf32, #tpu.memory_space<hbm>> -> memref<16x512xf32, #tpu.memory_space<hbm>>
      tpu.wait_dma2 semaphore(%arg12 : memref<!tpu.dma_semaphore, #tpu.memory_space<semaphore_mem>>) src(%dma_wait3A_177 : memref<16x512xf32, #tpu.memory_space<hbm>>) dst(%dma_wait3A_174 : memref<16x512xf32, #tpu.memory_space<vmem>>)
      %dma_wait3A_178 = arith.constant 0 : i32
      %dma_wait3A_179 = arith.constant 0 : i32
      %dma_wait3A_180 = arith.constant 0 : i32
      %dma_wait3A_181 = tpu.memref_slice %arg9[%dma_wait3A_178, %dma_wait3A_179, %dma_wait3A_180] : memref<2x16x512xf32, #tpu.memory_space<vmem>> -> memref<1x16x512xf32, #tpu.memory_space<vmem>>
      %dma_wait3A_182 = tpu.memref_squeeze %dma_wait3A_181 : memref<1x16x512xf32, #tpu.memory_space<vmem>> -> memref<16x512xf32, #tpu.memory_space<vmem>>
      %dma_wait3A_183 = arith.constant 0 : i32
      %dma_wait3A_184 = arith.constant 0 : i32
      %dma_wait3A_185 = tpu.memref_slice %arg4[%dma_wait3A_183, %dma_wait3A_184] : memref<4096x512xf32, #tpu.memory_space<hbm>> -> memref<16x512xf32, #tpu.memory_space<hbm>>
      %dma_wait3A_186 = arith.constant 0 : i32
      %dma_wait3A_187 = arith.constant 0 : i32
      %dma_wait3A_188 = tpu.memref_slice %arg9[%dma_wait3A_178, %dma_wait3A_186, %dma_wait3A_187] : memref<2x16x512xf32, #tpu.memory_space<vmem>> -> memref<1x16x512xf32, #tpu.memory_space<vmem>>
      %dma_wait3A_189 = tpu.memref_squeeze %dma_wait3A_188 : memref<1x16x512xf32, #tpu.memory_space<vmem>> -> memref<16x512xf32, #tpu.memory_space<vmem>>
      %dma_wait3A_190 = arith.constant 0 : i32
      %dma_wait3A_191 = arith.constant 0 : i32
      %dma_wait3A_192 = tpu.memref_slice %arg4[%dma_wait3A_190, %dma_wait3A_191] : memref<4096x512xf32, #tpu.memory_space<hbm>> -> memref<16x512xf32, #tpu.memory_space<hbm>>
      tpu.wait_dma2 semaphore(%arg12 : memref<!tpu.dma_semaphore, #tpu.memory_space<semaphore_mem>>) src(%dma_wait3A_192 : memref<16x512xf32, #tpu.memory_space<hbm>>) dst(%dma_wait3A_189 : memref<16x512xf32, #tpu.memory_space<vmem>>)
      %dma_wait3A_193 = arith.constant 0 : i32
      %dma_wait3A_194 = arith.constant 0 : i32
      %dma_wait3A_195 = arith.constant 0 : i32
      %dma_wait3A_196 = tpu.memref_slice %arg10[%dma_wait3A_193, %dma_wait3A_194, %dma_wait3A_195] : memref<2x16x512xi32, #tpu.memory_space<vmem>> -> memref<1x16x512xi32, #tpu.memory_space<vmem>>
      %dma_wait3A_197 = tpu.memref_squeeze %dma_wait3A_196 : memref<1x16x512xi32, #tpu.memory_space<vmem>> -> memref<16x512xi32, #tpu.memory_space<vmem>>
      %dma_wait3A_198 = arith.constant 0 : i32
      %dma_wait3A_199 = arith.constant 0 : i32
      %dma_wait3A_200 = tpu.memref_slice %arg5[%dma_wait3A_198, %dma_wait3A_199] : memref<4096x512xi32, #tpu.memory_space<hbm>> -> memref<16x512xi32, #tpu.memory_space<hbm>>
      %dma_wait3A_201 = arith.constant 0 : i32
      %dma_wait3A_202 = arith.constant 0 : i32
      %dma_wait3A_203 = tpu.memref_slice %arg10[%dma_wait3A_193, %dma_wait3A_201, %dma_wait3A_202] : memref<2x16x512xi32, #tpu.memory_space<vmem>> -> memref<1x16x512xi32, #tpu.memory_space<vmem>>
      %dma_wait3A_204 = tpu.memref_squeeze %dma_wait3A_203 : memref<1x16x512xi32, #tpu.memory_space<vmem>> -> memref<16x512xi32, #tpu.memory_space<vmem>>
      %dma_wait3A_205 = arith.constant 0 : i32
      %dma_wait3A_206 = arith.constant 0 : i32
      %dma_wait3A_207 = tpu.memref_slice %arg5[%dma_wait3A_205, %dma_wait3A_206] : memref<4096x512xi32, #tpu.memory_space<hbm>> -> memref<16x512xi32, #tpu.memory_space<hbm>>
      tpu.wait_dma2 semaphore(%arg12 : memref<!tpu.dma_semaphore, #tpu.memory_space<semaphore_mem>>) src(%dma_wait3A_207 : memref<16x512xi32, #tpu.memory_space<hbm>>) dst(%dma_wait3A_204 : memref<16x512xi32, #tpu.memory_space<vmem>>)
      %scan3A_208 = arith.constant 0 : i32
      %scan3A_209 = arith.constant 32 : i32
      %scan3A_210 = arith.addi %scan3A_208, %scan3A_209 : i32
      %scan3A_211 = arith.constant 1 : i32
      %scan3A_212:4 = scf.for %scan3A_320 = %scan3A_208 to %scan3A_210 step %scan3A_211 iter_args(%scan3A_321 = %scan3A_86, %scan3A_322 = %scan3A_87, %scan3A_323 = %scan3A_88, %scan3A_324 = %scan3A_89) -> (vector<16xf32>, vector<16xf32>, vector<16xf32>, vector<16xf32>)  : i32 {
        %mul3A_325 = arith.constant 16 : i32
        %mul3A_326 = arith.muli %scan3A_320, %mul3A_325 : i32
        %get3A = arith.constant 0 : i32
        %get3A_327 = arith.constant 0 : i32
        %get3A_328 = arith.index_cast %get3A : i32 to index
        %get3A_329 = arith.index_cast %get3A_327 : i32 to index
        %get3A_330 = arith.index_cast %mul3A_326 : i32 to index
        %get3A_331 = tpu.vector_load %arg7[%get3A_328, %get3A_329, %get3A_330] {strides = array<i32>} : memref<2x16x512xf32, #tpu.memory_space<vmem>>, vector<1x1x16xf32>,
        %get3A_332 = vector.shape_cast %get3A_331 : vector<1x1x16xf32> to vector<16xf32>
        %get3A_333 = arith.constant 0 : i32
        %get3A_334 = arith.constant 0 : i32
        %get3A_335 = arith.index_cast %get3A_333 : i32 to index
        %get3A_336 = arith.index_cast %get3A_334 : i32 to index
        %get3A_337 = arith.index_cast %mul3A_326 : i32 to index
        %get3A_338 = tpu.vector_load %arg8[%get3A_335, %get3A_336, %get3A_337] {strides = array<i32>} : memref<2x16x512xf32, #tpu.memory_space<vmem>>, vector<1x1x16xf32>,
        %get3A_339 = vector.shape_cast %get3A_338 : vector<1x1x16xf32> to vector<16xf32>
        %get3A_340 = arith.constant 0 : i32
        %get3A_341 = arith.constant 0 : i32
        %get3A_342 = arith.index_cast %get3A_340 : i32 to index
        %get3A_343 = arith.index_cast %get3A_341 : i32 to index
        %get3A_344 = arith.index_cast %mul3A_326 : i32 to index
        %get3A_345 = tpu.vector_load %arg9[%get3A_342, %get3A_343, %get3A_344] {strides = array<i32>} : memref<2x16x512xf32, #tpu.memory_space<vmem>>, vector<1x1x16xf32>,
        %get3A_346 = vector.shape_cast %get3A_345 : vector<1x1x16xf32> to vector<16xf32>
        %get3A_347 = arith.constant 0 : i32
        %get3A_348 = arith.constant 0 : i32
        %get3A_349 = arith.index_cast %get3A_347 : i32 to index
        %get3A_350 = arith.index_cast %get3A_348 : i32 to index
        %get3A_351 = arith.index_cast %mul3A_326 : i32 to index
        %get3A_352 = tpu.vector_load %arg10[%get3A_349, %get3A_350, %get3A_351] {strides = array<i32>} : memref<2x16x512xi32, #tpu.memory_space<vmem>>, vector<1x1x16xi32>,
        %get3A_353 = vector.shape_cast %get3A_352 : vector<1x1x16xi32> to vector<16xi32>
        %gt3A = arith.constant 0 : i32
        %gt3A_354 = vector.broadcast %gt3A : i32 to vector<16xi32>
        %gt3A_355 = arith.cmpi sgt, %get3A_353, %gt3A_354 : vector<16xi32>
        %gt3A_356 = arith.constant 0.000000e+00 : f32
        %gt3A_357 = vector.broadcast %gt3A_356 : f32 to vector<16xf32>
        %gt3A_358 = arith.cmpf ogt, %get3A_339, %gt3A_357 : vector<16xf32>
        %and3A = arith.andi %gt3A_355, %gt3A_358 : vector<16xi1>
        %gt3A_359 = arith.constant 0.000000e+00 : f32
        %gt3A_360 = vector.broadcast %gt3A_359 : f32 to vector<16xf32>
        %gt3A_361 = arith.cmpf ogt, %get3A_346, %gt3A_360 : vector<16xf32>
        %and3A_362 = arith.andi %gt3A_355, %gt3A_361 : vector<16xi1>
        %sub3A = arith.subf %get3A_332, %get3A_339 : vector<16xf32>
        %abs3A = math.absf %sub3A : vector<16xf32>
        %jit3A = arith.constant 0.000000e+00 : f32
        %broadcast_in_dim3A_363 = vector.broadcast %jit3A : f32 to vector<16xf32>
        %select_n3A = arith.select %and3A, %abs3A, %broadcast_in_dim3A_363 : vector<16xi1>, vector<16xf32>
        %add3A_364 = arith.addf %scan3A_321, %select_n3A : vector<16xf32>
        %jit3A_365 = arith.constant 1.000000e+00 : f32
        %jit3A_366 = arith.constant 0.000000e+00 : f32
        %broadcast_in_dim3A_367 = vector.broadcast %jit3A_365 : f32 to vector<16xf32>
        %broadcast_in_dim3A_368 = vector.broadcast %jit3A_366 : f32 to vector<16xf32>
        %select_n3A_369 = arith.select %and3A, %broadcast_in_dim3A_367, %broadcast_in_dim3A_368 : vector<16xi1>, vector<16xf32>
        %add3A_370 = arith.addf %scan3A_322, %select_n3A_369 : vector<16xf32>
        %sub3A_371 = arith.subf %get3A_332, %get3A_346 : vector<16xf32>
        %abs3A_372 = math.absf %sub3A_371 : vector<16xf32>
        %jit3A_373 = arith.constant 0.000000e+00 : f32
        %broadcast_in_dim3A_374 = vector.broadcast %jit3A_373 : f32 to vector<16xf32>
        %select_n3A_375 = arith.select %and3A_362, %abs3A_372, %broadcast_in_dim3A_374 : vector<16xi1>, vector<16xf32>
        %add3A_376 = arith.addf %scan3A_323, %select_n3A_375 : vector<16xf32>
        %jit3A_377 = arith.constant 1.000000e+00 : f32
        %jit3A_378 = arith.constant 0.000000e+00 : f32
        %broadcast_in_dim3A_379 = vector.broadcast %jit3A_377 : f32 to vector<16xf32>
        %broadcast_in_dim3A_380 = vector.broadcast %jit3A_378 : f32 to vector<16xf32>
        %select_n3A_381 = arith.select %and3A_362, %broadcast_in_dim3A_379, %broadcast_in_dim3A_380 : vector<16xi1>, vector<16xf32>
        %add3A_382 = arith.addf %scan3A_324, %select_n3A_381 : vector<16xf32>
        %get3A_383 = arith.constant 0 : i32
        %get3A_384 = arith.constant 1 : i32
        %get3A_385 = arith.index_cast %get3A_383 : i32 to index
        %get3A_386 = arith.index_cast %get3A_384 : i32 to index
        %get3A_387 = arith.index_cast %mul3A_326 : i32 to index
        %get3A_388 = tpu.vector_load %arg7[%get3A_385, %get3A_386, %get3A_387] {strides = array<i32>} : memref<2x16x512xf32, #tpu.memory_space<vmem>>, vector<1x1x16xf32>,
        %get3A_389 = vector.shape_cast %get3A_388 : vector<1x1x16xf32> to vector<16xf32>
        %get3A_390 = arith.constant 0 : i32
        %get3A_391 = arith.constant 1 : i32
        %get3A_392 = arith.index_cast %get3A_390 : i32 to index
        %get3A_393 = arith.index_cast %get3A_391 : i32 to index
        %get3A_394 = arith.index_cast %mul3A_326 : i32 to index
        %get3A_395 = tpu.vector_load %arg8[%get3A_392, %get3A_393, %get3A_394] {strides = array<i32>} : memref<2x16x512xf32, #tpu.memory_space<vmem>>, vector<1x1x16xf32>,
        %get3A_396 = vector.shape_cast %get3A_395 : vector<1x1x16xf32> to vector<16xf32>
        %get3A_397 = arith.constant 0 : i32
        %get3A_398 = arith.constant 1 : i32
        %get3A_399 = arith.index_cast %get3A_397 : i32 to index
        %get3A_400 = arith.index_cast %get3A_398 : i32 to index
        %get3A_401 = arith.index_cast %mul3A_326 : i32 to index
        %get3A_402 = tpu.vector_load %arg9[%get3A_399, %get3A_400, %get3A_401] {strides = array<i32>} : memref<2x16x512xf32, #tpu.memory_space<vmem>>, vector<1x1x16xf32>,
        %get3A_403 = vector.shape_cast %get3A_402 : vector<1x1x16xf32> to vector<16xf32>
        %get3A_404 = arith.constant 0 : i32
        %get3A_405 = arith.constant 1 : i32
        %get3A_406 = arith.index_cast %get3A_404 : i32 to index
        %get3A_407 = arith.index_cast %get3A_405 : i32 to index
        %get3A_408 = arith.index_cast %mul3A_326 : i32 to index
        %get3A_409 = tpu.vector_load %arg10[%get3A_406, %get3A_407, %get3A_408] {strides = array<i32>} : memref<2x16x512xi32, #tpu.memory_space<vmem>>, vector<1x1x16xi32>,
        %get3A_410 = vector.shape_cast %get3A_409 : vector<1x1x16xi32> to vector<16xi32>
        %gt3A_411 = arith.constant 0 : i32
        %gt3A_412 = vector.broadcast %gt3A_411 : i32 to vector<16xi32>
        %gt3A_413 = arith.cmpi sgt, %get3A_410, %gt3A_412 : vector<16xi32>
        %gt3A_414 = arith.constant 0.000000e+00 : f32
        %gt3A_415 = vector.broadcast %gt3A_414 : f32 to vector<16xf32>
        %gt3A_416 = arith.cmpf ogt, %get3A_396, %gt3A_415 : vector<16xf32>
        %and3A_417 = arith.andi %gt3A_413, %gt3A_416 : vector<16xi1>
        %gt3A_418 = arith.constant 0.000000e+00 : f32
        %gt3A_419 = vector.broadcast %gt3A_418 : f32 to vector<16xf32>
        %gt3A_420 = arith.cmpf ogt, %get3A_403, %gt3A_419 : vector<16xf32>
        %and3A_421 = arith.andi %gt3A_413, %gt3A_420 : vector<16xi1>
        %sub3A_422 = arith.subf %get3A_389, %get3A_396 : vector<16xf32>
        %abs3A_423 = math.absf %sub3A_422 : vector<16xf32>
        %jit3A_424 = arith.constant 0.000000e+00 : f32
        %broadcast_in_dim3A_425 = vector.broadcast %jit3A_424 : f32 to vector<16xf32>
        %select_n3A_426 = arith.select %and3A_417, %abs3A_423, %broadcast_in_dim3A_425 : vector<16xi1>, vector<16xf32>
        %add3A_427 = arith.addf %add3A_364, %select_n3A_426 : vector<16xf32>
        %jit3A_428 = arith.constant 1.000000e+00 : f32
        %jit3A_429 = arith.constant 0.000000e+00 : f32
        %broadcast_in_dim3A_430 = vector.broadcast %jit3A_428 : f32 to vector<16xf32>
        %broadcast_in_dim3A_431 = vector.broadcast %jit3A_429 : f32 to vector<16xf32>
        %select_n3A_432 = arith.select %and3A_417, %broadcast_in_dim3A_430, %broadcast_in_dim3A_431 : vector<16xi1>, vector<16xf32>
        %add3A_433 = arith.addf %add3A_370, %select_n3A_432 : vector<16xf32>
        %sub3A_434 = arith.subf %get3A_389, %get3A_403 : vector<16xf32>
        %abs3A_435 = math.absf %sub3A_434 : vector<16xf32>
        %jit3A_436 = arith.constant 0.000000e+00 : f32
        %broadcast_in_dim3A_437 = vector.broadcast %jit3A_436 : f32 to vector<16xf32>
        %select_n3A_438 = arith.select %and3A_421, %abs3A_435, %broadcast_in_dim3A_437 : vector<16xi1>, vector<16xf32>
        %add3A_439 = arith.addf %add3A_376, %select_n3A_438 : vector<16xf32>
        %jit3A_440 = arith.constant 1.000000e+00 : f32
        %jit3A_441 = arith.constant 0.000000e+00 : f32
        %broadcast_in_dim3A_442 = vector.broadcast %jit3A_440 : f32 to vector<16xf32>
        %broadcast_in_dim3A_443 = vector.broadcast %jit3A_441 : f32 to vector<16xf32>
        %select_n3A_444 = arith.select %and3A_421, %broadcast_in_dim3A_442, %broadcast_in_dim3A_443 : vector<16xi1>, vector<16xf32>
        %add3A_445 = arith.addf %add3A_382, %select_n3A_444 : vector<16xf32>
        %get3A_446 = arith.constant 0 : i32
        %get3A_447 = arith.constant 2 : i32
        %get3A_448 = arith.index_cast %get3A_446 : i32 to index
        %get3A_449 = arith.index_cast %get3A_447 : i32 to index
        %get3A_450 = arith.index_cast %mul3A_326 : i32 to index
        %get3A_451 = tpu.vector_load %arg7[%get3A_448, %get3A_449, %get3A_450] {strides = array<i32>} : memref<2x16x512xf32, #tpu.memory_space<vmem>>, vector<1x1x16xf32>,
        %get3A_452 = vector.shape_cast %get3A_451 : vector<1x1x16xf32> to vector<16xf32>
        %get3A_453 = arith.constant 0 : i32
        %get3A_454 = arith.constant 2 : i32
        %get3A_455 = arith.index_cast %get3A_453 : i32 to index
        %get3A_456 = arith.index_cast %get3A_454 : i32 to index
        %get3A_457 = arith.index_cast %mul3A_326 : i32 to index
        %get3A_458 = tpu.vector_load %arg8[%get3A_455, %get3A_456, %get3A_457] {strides = array<i32>} : memref<2x16x512xf32, #tpu.memory_space<vmem>>, vector<1x1x16xf32>,
        %get3A_459 = vector.shape_cast %get3A_458 : vector<1x1x16xf32> to vector<16xf32>
        %get3A_460 = arith.constant 0 : i32
        %get3A_461 = arith.constant 2 : i32
        %get3A_462 = arith.index_cast %get3A_460 : i32 to index
        %get3A_463 = arith.index_cast %get3A_461 : i32 to index
        %get3A_464 = arith.index_cast %mul3A_326 : i32 to index
        %get3A_465 = tpu.vector_load %arg9[%get3A_462, %get3A_463, %get3A_464] {strides = array<i32>} : memref<2x16x512xf32, #tpu.memory_space<vmem>>, vector<1x1x16xf32>,
        %get3A_466 = vector.shape_cast %get3A_465 : vector<1x1x16xf32> to vector<16xf32>
        %get3A_467 = arith.constant 0 : i32
        %get3A_468 = arith.constant 2 : i32
        %get3A_469 = arith.index_cast %get3A_467 : i32 to index
        %get3A_470 = arith.index_cast %get3A_468 : i32 to index
        %get3A_471 = arith.index_cast %mul3A_326 : i32 to index
        %get3A_472 = tpu.vector_load %arg10[%get3A_469, %get3A_470, %get3A_471] {strides = array<i32>} : memref<2x16x512xi32, #tpu.memory_space<vmem>>, vector<1x1x16xi32>,
        %get3A_473 = vector.shape_cast %get3A_472 : vector<1x1x16xi32> to vector<16xi32>
        %gt3A_474 = arith.constant 0 : i32
        %gt3A_475 = vector.broadcast %gt3A_474 : i32 to vector<16xi32>
        %gt3A_476 = arith.cmpi sgt, %get3A_473, %gt3A_475 : vector<16xi32>
        %gt3A_477 = arith.constant 0.000000e+00 : f32
        %gt3A_478 = vector.broadcast %gt3A_477 : f32 to vector<16xf32>
        %gt3A_479 = arith.cmpf ogt, %get3A_459, %gt3A_478 : vector<16xf32>
        %and3A_480 = arith.andi %gt3A_476, %gt3A_479 : vector<16xi1>
        %gt3A_481 = arith.constant 0.000000e+00 : f32
        %gt3A_482 = vector.broadcast %gt3A_481 : f32 to vector<16xf32>
        %gt3A_483 = arith.cmpf ogt, %get3A_466, %gt3A_482 : vector<16xf32>
        %and3A_484 = arith.andi %gt3A_476, %gt3A_483 : vector<16xi1>
        %sub3A_485 = arith.subf %get3A_452, %get3A_459 : vector<16xf32>
        %abs3A_486 = math.absf %sub3A_485 : vector<16xf32>
        %jit3A_487 = arith.constant 0.000000e+00 : f32
        %broadcast_in_dim3A_488 = vector.broadcast %jit3A_487 : f32 to vector<16xf32>
        %select_n3A_489 = arith.select %and3A_480, %abs3A_486, %broadcast_in_dim3A_488 : vector<16xi1>, vector<16xf32>
        %add3A_490 = arith.addf %add3A_427, %select_n3A_489 : vector<16xf32>
        %jit3A_491 = arith.constant 1.000000e+00 : f32
        %jit3A_492 = arith.constant 0.000000e+00 : f32
        %broadcast_in_dim3A_493 = vector.broadcast %jit3A_491 : f32 to vector<16xf32>
        %broadcast_in_dim3A_494 = vector.broadcast %jit3A_492 : f32 to vector<16xf32>
        %select_n3A_495 = arith.select %and3A_480, %broadcast_in_dim3A_493, %broadcast_in_dim3A_494 : vector<16xi1>, vector<16xf32>
        %add3A_496 = arith.addf %add3A_433, %select_n3A_495 : vector<16xf32>
        %sub3A_497 = arith.subf %get3A_452, %get3A_466 : vector<16xf32>
        %abs3A_498 = math.absf %sub3A_497 : vector<16xf32>
        %jit3A_499 = arith.constant 0.000000e+00 : f32
        %broadcast_in_dim3A_500 = vector.broadcast %jit3A_499 : f32 to vector<16xf32>
        %select_n3A_501 = arith.select %and3A_484, %abs3A_498, %broadcast_in_dim3A_500 : vector<16xi1>, vector<16xf32>
        %add3A_502 = arith.addf %add3A_439, %select_n3A_501 : vector<16xf32>
        %jit3A_503 = arith.constant 1.000000e+00 : f32
        %jit3A_504 = arith.constant 0.000000e+00 : f32
        %broadcast_in_dim3A_505 = vector.broadcast %jit3A_503 : f32 to vector<16xf32>
        %broadcast_in_dim3A_506 = vector.broadcast %jit3A_504 : f32 to vector<16xf32>
        %select_n3A_507 = arith.select %and3A_484, %broadcast_in_dim3A_505, %broadcast_in_dim3A_506 : vector<16xi1>, vector<16xf32>
        %add3A_508 = arith.addf %add3A_445, %select_n3A_507 : vector<16xf32>
        %get3A_509 = arith.constant 0 : i32
        %get3A_510 = arith.constant 3 : i32
        %get3A_511 = arith.index_cast %get3A_509 : i32 to index
        %get3A_512 = arith.index_cast %get3A_510 : i32 to index
        %get3A_513 = arith.index_cast %mul3A_326 : i32 to index
        %get3A_514 = tpu.vector_load %arg7[%get3A_511, %get3A_512, %get3A_513] {strides = array<i32>} : memref<2x16x512xf32, #tpu.memory_space<vmem>>, vector<1x1x16xf32>,
        %get3A_515 = vector.shape_cast %get3A_514 : vector<1x1x16xf32> to vector<16xf32>
        %get3A_516 = arith.constant 0 : i32
        %get3A_517 = arith.constant 3 : i32
        %get3A_518 = arith.index_cast %get3A_516 : i32 to index
        %get3A_519 = arith.index_cast %get3A_517 : i32 to index
        %get3A_520 = arith.index_cast %mul3A_326 : i32 to index
        %get3A_521 = tpu.vector_load %arg8[%get3A_518, %get3A_519, %get3A_520] {strides = array<i32>} : memref<2x16x512xf32, #tpu.memory_space<vmem>>, vector<1x1x16xf32>,
        %get3A_522 = vector.shape_cast %get3A_521 : vector<1x1x16xf32> to vector<16xf32>
        %get3A_523 = arith.constant 0 : i32
        %get3A_524 = arith.constant 3 : i32
        %get3A_525 = arith.index_cast %get3A_523 : i32 to index
        %get3A_526 = arith.index_cast %get3A_524 : i32 to index
        %get3A_527 = arith.index_cast %mul3A_326 : i32 to index
        %get3A_528 = tpu.vector_load %arg9[%get3A_525, %get3A_526, %get3A_527] {strides = array<i32>} : memref<2x16x512xf32, #tpu.memory_space<vmem>>, vector<1x1x16xf32>,
        %get3A_529 = vector.shape_cast %get3A_528 : vector<1x1x16xf32> to vector<16xf32>
        %get3A_530 = arith.constant 0 : i32
        %get3A_531 = arith.constant 3 : i32
        %get3A_532 = arith.index_cast %get3A_530 : i32 to index
        %get3A_533 = arith.index_cast %get3A_531 : i32 to index
        %get3A_534 = arith.index_cast %mul3A_326 : i32 to index
        %get3A_535 = tpu.vector_load %arg10[%get3A_532, %get3A_533, %get3A_534] {strides = array<i32>} : memref<2x16x512xi32, #tpu.memory_space<vmem>>, vector<1x1x16xi32>,
        %get3A_536 = vector.shape_cast %get3A_535 : vector<1x1x16xi32> to vector<16xi32>
        %gt3A_537 = arith.constant 0 : i32
        %gt3A_538 = vector.broadcast %gt3A_537 : i32 to vector<16xi32>
        %gt3A_539 = arith.cmpi sgt, %get3A_536, %gt3A_538 : vector<16xi32>
        %gt3A_540 = arith.constant 0.000000e+00 : f32
        %gt3A_541 = vector.broadcast %gt3A_540 : f32 to vector<16xf32>
        %gt3A_542 = arith.cmpf ogt, %get3A_522, %gt3A_541 : vector<16xf32>
        %and3A_543 = arith.andi %gt3A_539, %gt3A_542 : vector<16xi1>
        %gt3A_544 = arith.constant 0.000000e+00 : f32
        %gt3A_545 = vector.broadcast %gt3A_544 : f32 to vector<16xf32>
        %gt3A_546 = arith.cmpf ogt, %get3A_529, %gt3A_545 : vector<16xf32>
        %and3A_547 = arith.andi %gt3A_539, %gt3A_546 : vector<16xi1>
        %sub3A_548 = arith.subf %get3A_515, %get3A_522 : vector<16xf32>
        %abs3A_549 = math.absf %sub3A_548 : vector<16xf32>
        %jit3A_550 = arith.constant 0.000000e+00 : f32
        %broadcast_in_dim3A_551 = vector.broadcast %jit3A_550 : f32 to vector<16xf32>
        %select_n3A_552 = arith.select %and3A_543, %abs3A_549, %broadcast_in_dim3A_551 : vector<16xi1>, vector<16xf32>
        %add3A_553 = arith.addf %add3A_490, %select_n3A_552 : vector<16xf32>
        %jit3A_554 = arith.constant 1.000000e+00 : f32
        %jit3A_555 = arith.constant 0.000000e+00 : f32
        %broadcast_in_dim3A_556 = vector.broadcast %jit3A_554 : f32 to vector<16xf32>
        %broadcast_in_dim3A_557 = vector.broadcast %jit3A_555 : f32 to vector<16xf32>
        %select_n3A_558 = arith.select %and3A_543, %broadcast_in_dim3A_556, %broadcast_in_dim3A_557 : vector<16xi1>, vector<16xf32>
        %add3A_559 = arith.addf %add3A_496, %select_n3A_558 : vector<16xf32>
        %sub3A_560 = arith.subf %get3A_515, %get3A_529 : vector<16xf32>
        %abs3A_561 = math.absf %sub3A_560 : vector<16xf32>
        %jit3A_562 = arith.constant 0.000000e+00 : f32
        %broadcast_in_dim3A_563 = vector.broadcast %jit3A_562 : f32 to vector<16xf32>
        %select_n3A_564 = arith.select %and3A_547, %abs3A_561, %broadcast_in_dim3A_563 : vector<16xi1>, vector<16xf32>
        %add3A_565 = arith.addf %add3A_502, %select_n3A_564 : vector<16xf32>
        %jit3A_566 = arith.constant 1.000000e+00 : f32
        %jit3A_567 = arith.constant 0.000000e+00 : f32
        %broadcast_in_dim3A_568 = vector.broadcast %jit3A_566 : f32 to vector<16xf32>
        %broadcast_in_dim3A_569 = vector.broadcast %jit3A_567 : f32 to vector<16xf32>
        %select_n3A_570 = arith.select %and3A_547, %broadcast_in_dim3A_568, %broadcast_in_dim3A_569 : vector<16xi1>, vector<16xf32>
        %add3A_571 = arith.addf %add3A_508, %select_n3A_570 : vector<16xf32>
        scf.yield %add3A_553, %add3A_559, %add3A_565, %add3A_571 : vector<16xf32>, vector<16xf32>, vector<16xf32>, vector<16xf32>
      }
      %scan3A_213 = arith.constant 32 : i32
      %scan3A_214 = arith.constant 0 : i32
      %scan3A_215 = arith.constant 32 : i32
      %scan3A_216 = arith.addi %scan3A_214, %scan3A_215 : i32
      %scan3A_217 = arith.constant 1 : i32
      %scan3A_218:4 = scf.for %scan3A_320 = %scan3A_214 to %scan3A_216 step %scan3A_217 iter_args(%scan3A_321 = %scan3A_212#0, %scan3A_322 = %scan3A_212#1, %scan3A_323 = %scan3A_212#2, %scan3A_324 = %scan3A_212#3) -> (vector<16xf32>, vector<16xf32>, vector<16xf32>, vector<16xf32>)  : i32 {
        %mul3A_325 = arith.constant 16 : i32
        %mul3A_326 = arith.muli %scan3A_320, %mul3A_325 : i32
        %get3A = arith.constant 0 : i32
        %get3A_327 = arith.constant 4 : i32
        %get3A_328 = arith.index_cast %get3A : i32 to index
        %get3A_329 = arith.index_cast %get3A_327 : i32 to index
        %get3A_330 = arith.index_cast %mul3A_326 : i32 to index
        %get3A_331 = tpu.vector_load %arg7[%get3A_328, %get3A_329, %get3A_330] {strides = array<i32>} : memref<2x16x512xf32, #tpu.memory_space<vmem>>, vector<1x1x16xf32>,
        %get3A_332 = vector.shape_cast %get3A_331 : vector<1x1x16xf32> to vector<16xf32>
        %get3A_333 = arith.constant 0 : i32
        %get3A_334 = arith.constant 4 : i32
        %get3A_335 = arith.index_cast %get3A_333 : i32 to index
        %get3A_336 = arith.index_cast %get3A_334 : i32 to index
        %get3A_337 = arith.index_cast %mul3A_326 : i32 to index
        %get3A_338 = tpu.vector_load %arg8[%get3A_335, %get3A_336, %get3A_337] {strides = array<i32>} : memref<2x16x512xf32, #tpu.memory_space<vmem>>, vector<1x1x16xf32>,
        %get3A_339 = vector.shape_cast %get3A_338 : vector<1x1x16xf32> to vector<16xf32>
        %get3A_340 = arith.constant 0 : i32
        %get3A_341 = arith.constant 4 : i32
        %get3A_342 = arith.index_cast %get3A_340 : i32 to index
        %get3A_343 = arith.index_cast %get3A_341 : i32 to index
        %get3A_344 = arith.index_cast %mul3A_326 : i32 to index
        %get3A_345 = tpu.vector_load %arg9[%get3A_342, %get3A_343, %get3A_344] {strides = array<i32>} : memref<2x16x512xf32, #tpu.memory_space<vmem>>, vector<1x1x16xf32>,
        %get3A_346 = vector.shape_cast %get3A_345 : vector<1x1x16xf32> to vector<16xf32>
        %get3A_347 = arith.constant 0 : i32
        %get3A_348 = arith.constant 4 : i32
        %get3A_349 = arith.index_cast %get3A_347 : i32 to index
        %get3A_350 = arith.index_cast %get3A_348 : i32 to index
        %get3A_351 = arith.index_cast %mul3A_326 : i32 to index
        %get3A_352 = tpu.vector_load %arg10[%get3A_349, %get3A_350, %get3A_351] {strides = array<i32>} : memref<2x16x512xi32, #tpu.memory_space<vmem>>, vector<1x1x16xi32>,
        %get3A_353 = vector.shape_cast %get3A_352 : vector<1x1x16xi32> to vector<16xi32>
        %gt3A = arith.constant 0 : i32
        %gt3A_354 = vector.broadcast %gt3A : i32 to vector<16xi32>
        %gt3A_355 = arith.cmpi sgt, %get3A_353, %gt3A_354 : vector<16xi32>
        %gt3A_356 = arith.constant 0.000000e+00 : f32
        %gt3A_357 = vector.broadcast %gt3A_356 : f32 to vector<16xf32>
        %gt3A_358 = arith.cmpf ogt, %get3A_339, %gt3A_357 : vector<16xf32>
        %and3A = arith.andi %gt3A_355, %gt3A_358 : vector<16xi1>
        %gt3A_359 = arith.constant 0.000000e+00 : f32
        %gt3A_360 = vector.broadcast %gt3A_359 : f32 to vector<16xf32>
        %gt3A_361 = arith.cmpf ogt, %get3A_346, %gt3A_360 : vector<16xf32>
        %and3A_362 = arith.andi %gt3A_355, %gt3A_361 : vector<16xi1>
        %sub3A = arith.subf %get3A_332, %get3A_339 : vector<16xf32>
        %abs3A = math.absf %sub3A : vector<16xf32>
        %jit3A = arith.constant 0.000000e+00 : f32
        %broadcast_in_dim3A_363 = vector.broadcast %jit3A : f32 to vector<16xf32>
        %select_n3A = arith.select %and3A, %abs3A, %broadcast_in_dim3A_363 : vector<16xi1>, vector<16xf32>
        %add3A_364 = arith.addf %scan3A_321, %select_n3A : vector<16xf32>
        %jit3A_365 = arith.constant 1.000000e+00 : f32
        %jit3A_366 = arith.constant 0.000000e+00 : f32
        %broadcast_in_dim3A_367 = vector.broadcast %jit3A_365 : f32 to vector<16xf32>
        %broadcast_in_dim3A_368 = vector.broadcast %jit3A_366 : f32 to vector<16xf32>
        %select_n3A_369 = arith.select %and3A, %broadcast_in_dim3A_367, %broadcast_in_dim3A_368 : vector<16xi1>, vector<16xf32>
        %add3A_370 = arith.addf %scan3A_322, %select_n3A_369 : vector<16xf32>
        %sub3A_371 = arith.subf %get3A_332, %get3A_346 : vector<16xf32>
        %abs3A_372 = math.absf %sub3A_371 : vector<16xf32>
        %jit3A_373 = arith.constant 0.000000e+00 : f32
        %broadcast_in_dim3A_374 = vector.broadcast %jit3A_373 : f32 to vector<16xf32>
        %select_n3A_375 = arith.select %and3A_362, %abs3A_372, %broadcast_in_dim3A_374 : vector<16xi1>, vector<16xf32>
        %add3A_376 = arith.addf %scan3A_323, %select_n3A_375 : vector<16xf32>
        %jit3A_377 = arith.constant 1.000000e+00 : f32
        %jit3A_378 = arith.constant 0.000000e+00 : f32
        %broadcast_in_dim3A_379 = vector.broadcast %jit3A_377 : f32 to vector<16xf32>
        %broadcast_in_dim3A_380 = vector.broadcast %jit3A_378 : f32 to vector<16xf32>
        %select_n3A_381 = arith.select %and3A_362, %broadcast_in_dim3A_379, %broadcast_in_dim3A_380 : vector<16xi1>, vector<16xf32>
        %add3A_382 = arith.addf %scan3A_324, %select_n3A_381 : vector<16xf32>
        %get3A_383 = arith.constant 0 : i32
        %get3A_384 = arith.constant 5 : i32
        %get3A_385 = arith.index_cast %get3A_383 : i32 to index
        %get3A_386 = arith.index_cast %get3A_384 : i32 to index
        %get3A_387 = arith.index_cast %mul3A_326 : i32 to index
        %get3A_388 = tpu.vector_load %arg7[%get3A_385, %get3A_386, %get3A_387] {strides = array<i32>} : memref<2x16x512xf32, #tpu.memory_space<vmem>>, vector<1x1x16xf32>,
        %get3A_389 = vector.shape_cast %get3A_388 : vector<1x1x16xf32> to vector<16xf32>
        %get3A_390 = arith.constant 0 : i32
        %get3A_391 = arith.constant 5 : i32
        %get3A_392 = arith.index_cast %get3A_390 : i32 to index
        %get3A_393 = arith.index_cast %get3A_391 : i32 to index
        %get3A_394 = arith.index_cast %mul3A_326 : i32 to index
        %get3A_395 = tpu.vector_load %arg8[%get3A_392, %get3A_393, %get3A_394] {strides = array<i32>} : memref<2x16x512xf32, #tpu.memory_space<vmem>>, vector<1x1x16xf32>,
        %get3A_396 = vector.shape_cast %get3A_395 : vector<1x1x16xf32> to vector<16xf32>
        %get3A_397 = arith.constant 0 : i32
        %get3A_398 = arith.constant 5 : i32
        %get3A_399 = arith.index_cast %get3A_397 : i32 to index
        %get3A_400 = arith.index_cast %get3A_398 : i32 to index
        %get3A_401 = arith.index_cast %mul3A_326 : i32 to index
        %get3A_402 = tpu.vector_load %arg9[%get3A_399, %get3A_400, %get3A_401] {strides = array<i32>} : memref<2x16x512xf32, #tpu.memory_space<vmem>>, vector<1x1x16xf32>,
        %get3A_403 = vector.shape_cast %get3A_402 : vector<1x1x16xf32> to vector<16xf32>
        %get3A_404 = arith.constant 0 : i32
        %get3A_405 = arith.constant 5 : i32
        %get3A_406 = arith.index_cast %get3A_404 : i32 to index
        %get3A_407 = arith.index_cast %get3A_405 : i32 to index
        %get3A_408 = arith.index_cast %mul3A_326 : i32 to index
        %get3A_409 = tpu.vector_load %arg10[%get3A_406, %get3A_407, %get3A_408] {strides = array<i32>} : memref<2x16x512xi32, #tpu.memory_space<vmem>>, vector<1x1x16xi32>,
        %get3A_410 = vector.shape_cast %get3A_409 : vector<1x1x16xi32> to vector<16xi32>
        %gt3A_411 = arith.constant 0 : i32
        %gt3A_412 = vector.broadcast %gt3A_411 : i32 to vector<16xi32>
        %gt3A_413 = arith.cmpi sgt, %get3A_410, %gt3A_412 : vector<16xi32>
        %gt3A_414 = arith.constant 0.000000e+00 : f32
        %gt3A_415 = vector.broadcast %gt3A_414 : f32 to vector<16xf32>
        %gt3A_416 = arith.cmpf ogt, %get3A_396, %gt3A_415 : vector<16xf32>
        %and3A_417 = arith.andi %gt3A_413, %gt3A_416 : vector<16xi1>
        %gt3A_418 = arith.constant 0.000000e+00 : f32
        %gt3A_419 = vector.broadcast %gt3A_418 : f32 to vector<16xf32>
        %gt3A_420 = arith.cmpf ogt, %get3A_403, %gt3A_419 : vector<16xf32>
        %and3A_421 = arith.andi %gt3A_413, %gt3A_420 : vector<16xi1>
        %sub3A_422 = arith.subf %get3A_389, %get3A_396 : vector<16xf32>
        %abs3A_423 = math.absf %sub3A_422 : vector<16xf32>
        %jit3A_424 = arith.constant 0.000000e+00 : f32
        %broadcast_in_dim3A_425 = vector.broadcast %jit3A_424 : f32 to vector<16xf32>
        %select_n3A_426 = arith.select %and3A_417, %abs3A_423, %broadcast_in_dim3A_425 : vector<16xi1>, vector<16xf32>
        %add3A_427 = arith.addf %add3A_364, %select_n3A_426 : vector<16xf32>
        %jit3A_428 = arith.constant 1.000000e+00 : f32
        %jit3A_429 = arith.constant 0.000000e+00 : f32
        %broadcast_in_dim3A_430 = vector.broadcast %jit3A_428 : f32 to vector<16xf32>
        %broadcast_in_dim3A_431 = vector.broadcast %jit3A_429 : f32 to vector<16xf32>
        %select_n3A_432 = arith.select %and3A_417, %broadcast_in_dim3A_430, %broadcast_in_dim3A_431 : vector<16xi1>, vector<16xf32>
        %add3A_433 = arith.addf %add3A_370, %select_n3A_432 : vector<16xf32>
        %sub3A_434 = arith.subf %get3A_389, %get3A_403 : vector<16xf32>
        %abs3A_435 = math.absf %sub3A_434 : vector<16xf32>
        %jit3A_436 = arith.constant 0.000000e+00 : f32
        %broadcast_in_dim3A_437 = vector.broadcast %jit3A_436 : f32 to vector<16xf32>
        %select_n3A_438 = arith.select %and3A_421, %abs3A_435, %broadcast_in_dim3A_437 : vector<16xi1>, vector<16xf32>
        %add3A_439 = arith.addf %add3A_376, %select_n3A_438 : vector<16xf32>
        %jit3A_440 = arith.constant 1.000000e+00 : f32
        %jit3A_441 = arith.constant 0.000000e+00 : f32
        %broadcast_in_dim3A_442 = vector.broadcast %jit3A_440 : f32 to vector<16xf32>
        %broadcast_in_dim3A_443 = vector.broadcast %jit3A_441 : f32 to vector<16xf32>
        %select_n3A_444 = arith.select %and3A_421, %broadcast_in_dim3A_442, %broadcast_in_dim3A_443 : vector<16xi1>, vector<16xf32>
        %add3A_445 = arith.addf %add3A_382, %select_n3A_444 : vector<16xf32>
        %get3A_446 = arith.constant 0 : i32
        %get3A_447 = arith.constant 6 : i32
        %get3A_448 = arith.index_cast %get3A_446 : i32 to index
        %get3A_449 = arith.index_cast %get3A_447 : i32 to index
        %get3A_450 = arith.index_cast %mul3A_326 : i32 to index
        %get3A_451 = tpu.vector_load %arg7[%get3A_448, %get3A_449, %get3A_450] {strides = array<i32>} : memref<2x16x512xf32, #tpu.memory_space<vmem>>, vector<1x1x16xf32>,
        %get3A_452 = vector.shape_cast %get3A_451 : vector<1x1x16xf32> to vector<16xf32>
        %get3A_453 = arith.constant 0 : i32
        %get3A_454 = arith.constant 6 : i32
        %get3A_455 = arith.index_cast %get3A_453 : i32 to index
        %get3A_456 = arith.index_cast %get3A_454 : i32 to index
        %get3A_457 = arith.index_cast %mul3A_326 : i32 to index
        %get3A_458 = tpu.vector_load %arg8[%get3A_455, %get3A_456, %get3A_457] {strides = array<i32>} : memref<2x16x512xf32, #tpu.memory_space<vmem>>, vector<1x1x16xf32>,
        %get3A_459 = vector.shape_cast %get3A_458 : vector<1x1x16xf32> to vector<16xf32>
        %get3A_460 = arith.constant 0 : i32
        %get3A_461 = arith.constant 6 : i32
        %get3A_462 = arith.index_cast %get3A_460 : i32 to index
        %get3A_463 = arith.index_cast %get3A_461 : i32 to index
        %get3A_464 = arith.index_cast %mul3A_326 : i32 to index
        %get3A_465 = tpu.vector_load %arg9[%get3A_462, %get3A_463, %get3A_464] {strides = array<i32>} : memref<2x16x512xf32, #tpu.memory_space<vmem>>, vector<1x1x16xf32>,
        %get3A_466 = vector.shape_cast %get3A_465 : vector<1x1x16xf32> to vector<16xf32>
        %get3A_467 = arith.constant 0 : i32
        %get3A_468 = arith.constant 6 : i32
        %get3A_469 = arith.index_cast %get3A_467 : i32 to index
        %get3A_470 = arith.index_cast %get3A_468 : i32 to index
        %get3A_471 = arith.index_cast %mul3A_326 : i32 to index
        %get3A_472 = tpu.vector_load %arg10[%get3A_469, %get3A_470, %get3A_471] {strides = array<i32>} : memref<2x16x512xi32, #tpu.memory_space<vmem>>, vector<1x1x16xi32>,
        %get3A_473 = vector.shape_cast %get3A_472 : vector<1x1x16xi32> to vector<16xi32>
        %gt3A_474 = arith.constant 0 : i32
        %gt3A_475 = vector.broadcast %gt3A_474 : i32 to vector<16xi32>
        %gt3A_476 = arith.cmpi sgt, %get3A_473, %gt3A_475 : vector<16xi32>
        %gt3A_477 = arith.constant 0.000000e+00 : f32
        %gt3A_478 = vector.broadcast %gt3A_477 : f32 to vector<16xf32>
        %gt3A_479 = arith.cmpf ogt, %get3A_459, %gt3A_478 : vector<16xf32>
        %and3A_480 = arith.andi %gt3A_476, %gt3A_479 : vector<16xi1>
        %gt3A_481 = arith.constant 0.000000e+00 : f32
        %gt3A_482 = vector.broadcast %gt3A_481 : f32 to vector<16xf32>
        %gt3A_483 = arith.cmpf ogt, %get3A_466, %gt3A_482 : vector<16xf32>
        %and3A_484 = arith.andi %gt3A_476, %gt3A_483 : vector<16xi1>
        %sub3A_485 = arith.subf %get3A_452, %get3A_459 : vector<16xf32>
        %abs3A_486 = math.absf %sub3A_485 : vector<16xf32>
        %jit3A_487 = arith.constant 0.000000e+00 : f32
        %broadcast_in_dim3A_488 = vector.broadcast %jit3A_487 : f32 to vector<16xf32>
        %select_n3A_489 = arith.select %and3A_480, %abs3A_486, %broadcast_in_dim3A_488 : vector<16xi1>, vector<16xf32>
        %add3A_490 = arith.addf %add3A_427, %select_n3A_489 : vector<16xf32>
        %jit3A_491 = arith.constant 1.000000e+00 : f32
        %jit3A_492 = arith.constant 0.000000e+00 : f32
        %broadcast_in_dim3A_493 = vector.broadcast %jit3A_491 : f32 to vector<16xf32>
        %broadcast_in_dim3A_494 = vector.broadcast %jit3A_492 : f32 to vector<16xf32>
        %select_n3A_495 = arith.select %and3A_480, %broadcast_in_dim3A_493, %broadcast_in_dim3A_494 : vector<16xi1>, vector<16xf32>
        %add3A_496 = arith.addf %add3A_433, %select_n3A_495 : vector<16xf32>
        %sub3A_497 = arith.subf %get3A_452, %get3A_466 : vector<16xf32>
        %abs3A_498 = math.absf %sub3A_497 : vector<16xf32>
        %jit3A_499 = arith.constant 0.000000e+00 : f32
        %broadcast_in_dim3A_500 = vector.broadcast %jit3A_499 : f32 to vector<16xf32>
        %select_n3A_501 = arith.select %and3A_484, %abs3A_498, %broadcast_in_dim3A_500 : vector<16xi1>, vector<16xf32>
        %add3A_502 = arith.addf %add3A_439, %select_n3A_501 : vector<16xf32>
        %jit3A_503 = arith.constant 1.000000e+00 : f32
        %jit3A_504 = arith.constant 0.000000e+00 : f32
        %broadcast_in_dim3A_505 = vector.broadcast %jit3A_503 : f32 to vector<16xf32>
        %broadcast_in_dim3A_506 = vector.broadcast %jit3A_504 : f32 to vector<16xf32>
        %select_n3A_507 = arith.select %and3A_484, %broadcast_in_dim3A_505, %broadcast_in_dim3A_506 : vector<16xi1>, vector<16xf32>
        %add3A_508 = arith.addf %add3A_445, %select_n3A_507 : vector<16xf32>
        %get3A_509 = arith.constant 0 : i32
        %get3A_510 = arith.constant 7 : i32
        %get3A_511 = arith.index_cast %get3A_509 : i32 to index
        %get3A_512 = arith.index_cast %get3A_510 : i32 to index
        %get3A_513 = arith.index_cast %mul3A_326 : i32 to index
        %get3A_514 = tpu.vector_load %arg7[%get3A_511, %get3A_512, %get3A_513] {strides = array<i32>} : memref<2x16x512xf32, #tpu.memory_space<vmem>>, vector<1x1x16xf32>,
        %get3A_515 = vector.shape_cast %get3A_514 : vector<1x1x16xf32> to vector<16xf32>
        %get3A_516 = arith.constant 0 : i32
        %get3A_517 = arith.constant 7 : i32
        %get3A_518 = arith.index_cast %get3A_516 : i32 to index
        %get3A_519 = arith.index_cast %get3A_517 : i32 to index
        %get3A_520 = arith.index_cast %mul3A_326 : i32 to index
        %get3A_521 = tpu.vector_load %arg8[%get3A_518, %get3A_519, %get3A_520] {strides = array<i32>} : memref<2x16x512xf32, #tpu.memory_space<vmem>>, vector<1x1x16xf32>,
        %get3A_522 = vector.shape_cast %get3A_521 : vector<1x1x16xf32> to vector<16xf32>
        %get3A_523 = arith.constant 0 : i32
        %get3A_524 = arith.constant 7 : i32
        %get3A_525 = arith.index_cast %get3A_523 : i32 to index
        %get3A_526 = arith.index_cast %get3A_524 : i32 to index
        %get3A_527 = arith.index_cast %mul3A_326 : i32 to index
        %get3A_528 = tpu.vector_load %arg9[%get3A_525, %get3A_526, %get3A_527] {strides = array<i32>} : memref<2x16x512xf32, #tpu.memory_space<vmem>>, vector<1x1x16xf32>,
        %get3A_529 = vector.shape_cast %get3A_528 : vector<1x1x16xf32> to vector<16xf32>
        %get3A_530 = arith.constant 0 : i32
        %get3A_531 = arith.constant 7 : i32
        %get3A_532 = arith.index_cast %get3A_530 : i32 to index
        %get3A_533 = arith.index_cast %get3A_531 : i32 to index
        %get3A_534 = arith.index_cast %mul3A_326 : i32 to index
        %get3A_535 = tpu.vector_load %arg10[%get3A_532, %get3A_533, %get3A_534] {strides = array<i32>} : memref<2x16x512xi32, #tpu.memory_space<vmem>>, vector<1x1x16xi32>,
        %get3A_536 = vector.shape_cast %get3A_535 : vector<1x1x16xi32> to vector<16xi32>
        %gt3A_537 = arith.constant 0 : i32
        %gt3A_538 = vector.broadcast %gt3A_537 : i32 to vector<16xi32>
        %gt3A_539 = arith.cmpi sgt, %get3A_536, %gt3A_538 : vector<16xi32>
        %gt3A_540 = arith.constant 0.000000e+00 : f32
        %gt3A_541 = vector.broadcast %gt3A_540 : f32 to vector<16xf32>
        %gt3A_542 = arith.cmpf ogt, %get3A_522, %gt3A_541 : vector<16xf32>
        %and3A_543 = arith.andi %gt3A_539, %gt3A_542 : vector<16xi1>
        %gt3A_544 = arith.constant 0.000000e+00 : f32
        %gt3A_545 = vector.broadcast %gt3A_544 : f32 to vector<16xf32>
        %gt3A_546 = arith.cmpf ogt, %get3A_529, %gt3A_545 : vector<16xf32>
        %and3A_547 = arith.andi %gt3A_539, %gt3A_546 : vector<16xi1>
        %sub3A_548 = arith.subf %get3A_515, %get3A_522 : vector<16xf32>
        %abs3A_549 = math.absf %sub3A_548 : vector<16xf32>
        %jit3A_550 = arith.constant 0.000000e+00 : f32
        %broadcast_in_dim3A_551 = vector.broadcast %jit3A_550 : f32 to vector<16xf32>
        %select_n3A_552 = arith.select %and3A_543, %abs3A_549, %broadcast_in_dim3A_551 : vector<16xi1>, vector<16xf32>
        %add3A_553 = arith.addf %add3A_490, %select_n3A_552 : vector<16xf32>
        %jit3A_554 = arith.constant 1.000000e+00 : f32
        %jit3A_555 = arith.constant 0.000000e+00 : f32
        %broadcast_in_dim3A_556 = vector.broadcast %jit3A_554 : f32 to vector<16xf32>
        %broadcast_in_dim3A_557 = vector.broadcast %jit3A_555 : f32 to vector<16xf32>
        %select_n3A_558 = arith.select %and3A_543, %broadcast_in_dim3A_556, %broadcast_in_dim3A_557 : vector<16xi1>, vector<16xf32>
        %add3A_559 = arith.addf %add3A_496, %select_n3A_558 : vector<16xf32>
        %sub3A_560 = arith.subf %get3A_515, %get3A_529 : vector<16xf32>
        %abs3A_561 = math.absf %sub3A_560 : vector<16xf32>
        %jit3A_562 = arith.constant 0.000000e+00 : f32
        %broadcast_in_dim3A_563 = vector.broadcast %jit3A_562 : f32 to vector<16xf32>
        %select_n3A_564 = arith.select %and3A_547, %abs3A_561, %broadcast_in_dim3A_563 : vector<16xi1>, vector<16xf32>
        %add3A_565 = arith.addf %add3A_502, %select_n3A_564 : vector<16xf32>
        %jit3A_566 = arith.constant 1.000000e+00 : f32
        %jit3A_567 = arith.constant 0.000000e+00 : f32
        %broadcast_in_dim3A_568 = vector.broadcast %jit3A_566 : f32 to vector<16xf32>
        %broadcast_in_dim3A_569 = vector.broadcast %jit3A_567 : f32 to vector<16xf32>
        %select_n3A_570 = arith.select %and3A_547, %broadcast_in_dim3A_568, %broadcast_in_dim3A_569 : vector<16xi1>, vector<16xf32>
        %add3A_571 = arith.addf %add3A_508, %select_n3A_570 : vector<16xf32>
        scf.yield %add3A_553, %add3A_559, %add3A_565, %add3A_571 : vector<16xf32>, vector<16xf32>, vector<16xf32>, vector<16xf32>
      }
      %scan3A_219 = arith.constant 32 : i32
      %scan3A_220 = arith.constant 0 : i32
      %scan3A_221 = arith.constant 32 : i32
      %scan3A_222 = arith.addi %scan3A_220, %scan3A_221 : i32
      %scan3A_223 = arith.constant 1 : i32
      %scan3A_224:4 = scf.for %scan3A_320 = %scan3A_220 to %scan3A_222 step %scan3A_223 iter_args(%scan3A_321 = %scan3A_218#0, %scan3A_322 = %scan3A_218#1, %scan3A_323 = %scan3A_218#2, %scan3A_324 = %scan3A_218#3) -> (vector<16xf32>, vector<16xf32>, vector<16xf32>, vector<16xf32>)  : i32 {
        %mul3A_325 = arith.constant 16 : i32
        %mul3A_326 = arith.muli %scan3A_320, %mul3A_325 : i32
        %get3A = arith.constant 0 : i32
        %get3A_327 = arith.constant 8 : i32
        %get3A_328 = arith.index_cast %get3A : i32 to index
        %get3A_329 = arith.index_cast %get3A_327 : i32 to index
        %get3A_330 = arith.index_cast %mul3A_326 : i32 to index
        %get3A_331 = tpu.vector_load %arg7[%get3A_328, %get3A_329, %get3A_330] {strides = array<i32>} : memref<2x16x512xf32, #tpu.memory_space<vmem>>, vector<1x1x16xf32>,
        %get3A_332 = vector.shape_cast %get3A_331 : vector<1x1x16xf32> to vector<16xf32>
        %get3A_333 = arith.constant 0 : i32
        %get3A_334 = arith.constant 8 : i32
        %get3A_335 = arith.index_cast %get3A_333 : i32 to index
        %get3A_336 = arith.index_cast %get3A_334 : i32 to index
        %get3A_337 = arith.index_cast %mul3A_326 : i32 to index
        %get3A_338 = tpu.vector_load %arg8[%get3A_335, %get3A_336, %get3A_337] {strides = array<i32>} : memref<2x16x512xf32, #tpu.memory_space<vmem>>, vector<1x1x16xf32>,
        %get3A_339 = vector.shape_cast %get3A_338 : vector<1x1x16xf32> to vector<16xf32>
        %get3A_340 = arith.constant 0 : i32
        %get3A_341 = arith.constant 8 : i32
        %get3A_342 = arith.index_cast %get3A_340 : i32 to index
        %get3A_343 = arith.index_cast %get3A_341 : i32 to index
        %get3A_344 = arith.index_cast %mul3A_326 : i32 to index
        %get3A_345 = tpu.vector_load %arg9[%get3A_342, %get3A_343, %get3A_344] {strides = array<i32>} : memref<2x16x512xf32, #tpu.memory_space<vmem>>, vector<1x1x16xf32>,
        %get3A_346 = vector.shape_cast %get3A_345 : vector<1x1x16xf32> to vector<16xf32>
        %get3A_347 = arith.constant 0 : i32
        %get3A_348 = arith.constant 8 : i32
        %get3A_349 = arith.index_cast %get3A_347 : i32 to index
        %get3A_350 = arith.index_cast %get3A_348 : i32 to index
        %get3A_351 = arith.index_cast %mul3A_326 : i32 to index
        %get3A_352 = tpu.vector_load %arg10[%get3A_349, %get3A_350, %get3A_351] {strides = array<i32>} : memref<2x16x512xi32, #tpu.memory_space<vmem>>, vector<1x1x16xi32>,
        %get3A_353 = vector.shape_cast %get3A_352 : vector<1x1x16xi32> to vector<16xi32>
        %gt3A = arith.constant 0 : i32
        %gt3A_354 = vector.broadcast %gt3A : i32 to vector<16xi32>
        %gt3A_355 = arith.cmpi sgt, %get3A_353, %gt3A_354 : vector<16xi32>
        %gt3A_356 = arith.constant 0.000000e+00 : f32
        %gt3A_357 = vector.broadcast %gt3A_356 : f32 to vector<16xf32>
        %gt3A_358 = arith.cmpf ogt, %get3A_339, %gt3A_357 : vector<16xf32>
        %and3A = arith.andi %gt3A_355, %gt3A_358 : vector<16xi1>
        %gt3A_359 = arith.constant 0.000000e+00 : f32
        %gt3A_360 = vector.broadcast %gt3A_359 : f32 to vector<16xf32>
        %gt3A_361 = arith.cmpf ogt, %get3A_346, %gt3A_360 : vector<16xf32>
        %and3A_362 = arith.andi %gt3A_355, %gt3A_361 : vector<16xi1>
        %sub3A = arith.subf %get3A_332, %get3A_339 : vector<16xf32>
        %abs3A = math.absf %sub3A : vector<16xf32>
        %jit3A = arith.constant 0.000000e+00 : f32
        %broadcast_in_dim3A_363 = vector.broadcast %jit3A : f32 to vector<16xf32>
        %select_n3A = arith.select %and3A, %abs3A, %broadcast_in_dim3A_363 : vector<16xi1>, vector<16xf32>
        %add3A_364 = arith.addf %scan3A_321, %select_n3A : vector<16xf32>
        %jit3A_365 = arith.constant 1.000000e+00 : f32
        %jit3A_366 = arith.constant 0.000000e+00 : f32
        %broadcast_in_dim3A_367 = vector.broadcast %jit3A_365 : f32 to vector<16xf32>
        %broadcast_in_dim3A_368 = vector.broadcast %jit3A_366 : f32 to vector<16xf32>
        %select_n3A_369 = arith.select %and3A, %broadcast_in_dim3A_367, %broadcast_in_dim3A_368 : vector<16xi1>, vector<16xf32>
        %add3A_370 = arith.addf %scan3A_322, %select_n3A_369 : vector<16xf32>
        %sub3A_371 = arith.subf %get3A_332, %get3A_346 : vector<16xf32>
        %abs3A_372 = math.absf %sub3A_371 : vector<16xf32>
        %jit3A_373 = arith.constant 0.000000e+00 : f32
        %broadcast_in_dim3A_374 = vector.broadcast %jit3A_373 : f32 to vector<16xf32>
        %select_n3A_375 = arith.select %and3A_362, %abs3A_372, %broadcast_in_dim3A_374 : vector<16xi1>, vector<16xf32>
        %add3A_376 = arith.addf %scan3A_323, %select_n3A_375 : vector<16xf32>
        %jit3A_377 = arith.constant 1.000000e+00 : f32
        %jit3A_378 = arith.constant 0.000000e+00 : f32
        %broadcast_in_dim3A_379 = vector.broadcast %jit3A_377 : f32 to vector<16xf32>
        %broadcast_in_dim3A_380 = vector.broadcast %jit3A_378 : f32 to vector<16xf32>
        %select_n3A_381 = arith.select %and3A_362, %broadcast_in_dim3A_379, %broadcast_in_dim3A_380 : vector<16xi1>, vector<16xf32>
        %add3A_382 = arith.addf %scan3A_324, %select_n3A_381 : vector<16xf32>
        %get3A_383 = arith.constant 0 : i32
        %get3A_384 = arith.constant 9 : i32
        %get3A_385 = arith.index_cast %get3A_383 : i32 to index
        %get3A_386 = arith.index_cast %get3A_384 : i32 to index
        %get3A_387 = arith.index_cast %mul3A_326 : i32 to index
        %get3A_388 = tpu.vector_load %arg7[%get3A_385, %get3A_386, %get3A_387] {strides = array<i32>} : memref<2x16x512xf32, #tpu.memory_space<vmem>>, vector<1x1x16xf32>,
        %get3A_389 = vector.shape_cast %get3A_388 : vector<1x1x16xf32> to vector<16xf32>
        %get3A_390 = arith.constant 0 : i32
        %get3A_391 = arith.constant 9 : i32
        %get3A_392 = arith.index_cast %get3A_390 : i32 to index
        %get3A_393 = arith.index_cast %get3A_391 : i32 to index
        %get3A_394 = arith.index_cast %mul3A_326 : i32 to index
        %get3A_395 = tpu.vector_load %arg8[%get3A_392, %get3A_393, %get3A_394] {strides = array<i32>} : memref<2x16x512xf32, #tpu.memory_space<vmem>>, vector<1x1x16xf32>,
        %get3A_396 = vector.shape_cast %get3A_395 : vector<1x1x16xf32> to vector<16xf32>
        %get3A_397 = arith.constant 0 : i32
        %get3A_398 = arith.constant 9 : i32
        %get3A_399 = arith.index_cast %get3A_397 : i32 to index
        %get3A_400 = arith.index_cast %get3A_398 : i32 to index
        %get3A_401 = arith.index_cast %mul3A_326 : i32 to index
        %get3A_402 = tpu.vector_load %arg9[%get3A_399, %get3A_400, %get3A_401] {strides = array<i32>} : memref<2x16x512xf32, #tpu.memory_space<vmem>>, vector<1x1x16xf32>,
        %get3A_403 = vector.shape_cast %get3A_402 : vector<1x1x16xf32> to vector<16xf32>
        %get3A_404 = arith.constant 0 : i32
        %get3A_405 = arith.constant 9 : i32
        %get3A_406 = arith.index_cast %get3A_404 : i32 to index
        %get3A_407 = arith.index_cast %get3A_405 : i32 to index
        %get3A_408 = arith.index_cast %mul3A_326 : i32 to index
        %get3A_409 = tpu.vector_load %arg10[%get3A_406, %get3A_407, %get3A_408] {strides = array<i32>} : memref<2x16x512xi32, #tpu.memory_space<vmem>>, vector<1x1x16xi32>,
        %get3A_410 = vector.shape_cast %get3A_409 : vector<1x1x16xi32> to vector<16xi32>
        %gt3A_411 = arith.constant 0 : i32
        %gt3A_412 = vector.broadcast %gt3A_411 : i32 to vector<16xi32>
        %gt3A_413 = arith.cmpi sgt, %get3A_410, %gt3A_412 : vector<16xi32>
        %gt3A_414 = arith.constant 0.000000e+00 : f32
        %gt3A_415 = vector.broadcast %gt3A_414 : f32 to vector<16xf32>
        %gt3A_416 = arith.cmpf ogt, %get3A_396, %gt3A_415 : vector<16xf32>
        %and3A_417 = arith.andi %gt3A_413, %gt3A_416 : vector<16xi1>
        %gt3A_418 = arith.constant 0.000000e+00 : f32
        %gt3A_419 = vector.broadcast %gt3A_418 : f32 to vector<16xf32>
        %gt3A_420 = arith.cmpf ogt, %get3A_403, %gt3A_419 : vector<16xf32>
        %and3A_421 = arith.andi %gt3A_413, %gt3A_420 : vector<16xi1>
        %sub3A_422 = arith.subf %get3A_389, %get3A_396 : vector<16xf32>
        %abs3A_423 = math.absf %sub3A_422 : vector<16xf32>
        %jit3A_424 = arith.constant 0.000000e+00 : f32
        %broadcast_in_dim3A_425 = vector.broadcast %jit3A_424 : f32 to vector<16xf32>
        %select_n3A_426 = arith.select %and3A_417, %abs3A_423, %broadcast_in_dim3A_425 : vector<16xi1>, vector<16xf32>
        %add3A_427 = arith.addf %add3A_364, %select_n3A_426 : vector<16xf32>
        %jit3A_428 = arith.constant 1.000000e+00 : f32
        %jit3A_429 = arith.constant 0.000000e+00 : f32
        %broadcast_in_dim3A_430 = vector.broadcast %jit3A_428 : f32 to vector<16xf32>
        %broadcast_in_dim3A_431 = vector.broadcast %jit3A_429 : f32 to vector<16xf32>
        %select_n3A_432 = arith.select %and3A_417, %broadcast_in_dim3A_430, %broadcast_in_dim3A_431 : vector<16xi1>, vector<16xf32>
        %add3A_433 = arith.addf %add3A_370, %select_n3A_432 : vector<16xf32>
        %sub3A_434 = arith.subf %get3A_389, %get3A_403 : vector<16xf32>
        %abs3A_435 = math.absf %sub3A_434 : vector<16xf32>
        %jit3A_436 = arith.constant 0.000000e+00 : f32
        %broadcast_in_dim3A_437 = vector.broadcast %jit3A_436 : f32 to vector<16xf32>
        %select_n3A_438 = arith.select %and3A_421, %abs3A_435, %broadcast_in_dim3A_437 : vector<16xi1>, vector<16xf32>
        %add3A_439 = arith.addf %add3A_376, %select_n3A_438 : vector<16xf32>
        %jit3A_440 = arith.constant 1.000000e+00 : f32
        %jit3A_441 = arith.constant 0.000000e+00 : f32
        %broadcast_in_dim3A_442 = vector.broadcast %jit3A_440 : f32 to vector<16xf32>
        %broadcast_in_dim3A_443 = vector.broadcast %jit3A_441 : f32 to vector<16xf32>
        %select_n3A_444 = arith.select %and3A_421, %broadcast_in_dim3A_442, %broadcast_in_dim3A_443 : vector<16xi1>, vector<16xf32>
        %add3A_445 = arith.addf %add3A_382, %select_n3A_444 : vector<16xf32>
        %get3A_446 = arith.constant 0 : i32
        %get3A_447 = arith.constant 10 : i32
        %get3A_448 = arith.index_cast %get3A_446 : i32 to index
        %get3A_449 = arith.index_cast %get3A_447 : i32 to index
        %get3A_450 = arith.index_cast %mul3A_326 : i32 to index
        %get3A_451 = tpu.vector_load %arg7[%get3A_448, %get3A_449, %get3A_450] {strides = array<i32>} : memref<2x16x512xf32, #tpu.memory_space<vmem>>, vector<1x1x16xf32>,
        %get3A_452 = vector.shape_cast %get3A_451 : vector<1x1x16xf32> to vector<16xf32>
        %get3A_453 = arith.constant 0 : i32
        %get3A_454 = arith.constant 10 : i32
        %get3A_455 = arith.index_cast %get3A_453 : i32 to index
        %get3A_456 = arith.index_cast %get3A_454 : i32 to index
        %get3A_457 = arith.index_cast %mul3A_326 : i32 to index
        %get3A_458 = tpu.vector_load %arg8[%get3A_455, %get3A_456, %get3A_457] {strides = array<i32>} : memref<2x16x512xf32, #tpu.memory_space<vmem>>, vector<1x1x16xf32>,
        %get3A_459 = vector.shape_cast %get3A_458 : vector<1x1x16xf32> to vector<16xf32>
        %get3A_460 = arith.constant 0 : i32
        %get3A_461 = arith.constant 10 : i32
        %get3A_462 = arith.index_cast %get3A_460 : i32 to index
        %get3A_463 = arith.index_cast %get3A_461 : i32 to index
        %get3A_464 = arith.index_cast %mul3A_326 : i32 to index
        %get3A_465 = tpu.vector_load %arg9[%get3A_462, %get3A_463, %get3A_464] {strides = array<i32>} : memref<2x16x512xf32, #tpu.memory_space<vmem>>, vector<1x1x16xf32>,
        %get3A_466 = vector.shape_cast %get3A_465 : vector<1x1x16xf32> to vector<16xf32>
        %get3A_467 = arith.constant 0 : i32
        %get3A_468 = arith.constant 10 : i32
        %get3A_469 = arith.index_cast %get3A_467 : i32 to index
        %get3A_470 = arith.index_cast %get3A_468 : i32 to index
        %get3A_471 = arith.index_cast %mul3A_326 : i32 to index
        %get3A_472 = tpu.vector_load %arg10[%get3A_469, %get3A_470, %get3A_471] {strides = array<i32>} : memref<2x16x512xi32, #tpu.memory_space<vmem>>, vector<1x1x16xi32>,
        %get3A_473 = vector.shape_cast %get3A_472 : vector<1x1x16xi32> to vector<16xi32>
        %gt3A_474 = arith.constant 0 : i32
        %gt3A_475 = vector.broadcast %gt3A_474 : i32 to vector<16xi32>
        %gt3A_476 = arith.cmpi sgt, %get3A_473, %gt3A_475 : vector<16xi32>
        %gt3A_477 = arith.constant 0.000000e+00 : f32
        %gt3A_478 = vector.broadcast %gt3A_477 : f32 to vector<16xf32>
        %gt3A_479 = arith.cmpf ogt, %get3A_459, %gt3A_478 : vector<16xf32>
        %and3A_480 = arith.andi %gt3A_476, %gt3A_479 : vector<16xi1>
        %gt3A_481 = arith.constant 0.000000e+00 : f32
        %gt3A_482 = vector.broadcast %gt3A_481 : f32 to vector<16xf32>
        %gt3A_483 = arith.cmpf ogt, %get3A_466, %gt3A_482 : vector<16xf32>
        %and3A_484 = arith.andi %gt3A_476, %gt3A_483 : vector<16xi1>
        %sub3A_485 = arith.subf %get3A_452, %get3A_459 : vector<16xf32>
        %abs3A_486 = math.absf %sub3A_485 : vector<16xf32>
        %jit3A_487 = arith.constant 0.000000e+00 : f32
        %broadcast_in_dim3A_488 = vector.broadcast %jit3A_487 : f32 to vector<16xf32>
        %select_n3A_489 = arith.select %and3A_480, %abs3A_486, %broadcast_in_dim3A_488 : vector<16xi1>, vector<16xf32>
        %add3A_490 = arith.addf %add3A_427, %select_n3A_489 : vector<16xf32>
        %jit3A_491 = arith.constant 1.000000e+00 : f32
        %jit3A_492 = arith.constant 0.000000e+00 : f32
        %broadcast_in_dim3A_493 = vector.broadcast %jit3A_491 : f32 to vector<16xf32>
        %broadcast_in_dim3A_494 = vector.broadcast %jit3A_492 : f32 to vector<16xf32>
        %select_n3A_495 = arith.select %and3A_480, %broadcast_in_dim3A_493, %broadcast_in_dim3A_494 : vector<16xi1>, vector<16xf32>
        %add3A_496 = arith.addf %add3A_433, %select_n3A_495 : vector<16xf32>
        %sub3A_497 = arith.subf %get3A_452, %get3A_466 : vector<16xf32>
        %abs3A_498 = math.absf %sub3A_497 : vector<16xf32>
        %jit3A_499 = arith.constant 0.000000e+00 : f32
        %broadcast_in_dim3A_500 = vector.broadcast %jit3A_499 : f32 to vector<16xf32>
        %select_n3A_501 = arith.select %and3A_484, %abs3A_498, %broadcast_in_dim3A_500 : vector<16xi1>, vector<16xf32>
        %add3A_502 = arith.addf %add3A_439, %select_n3A_501 : vector<16xf32>
        %jit3A_503 = arith.constant 1.000000e+00 : f32
        %jit3A_504 = arith.constant 0.000000e+00 : f32
        %broadcast_in_dim3A_505 = vector.broadcast %jit3A_503 : f32 to vector<16xf32>
        %broadcast_in_dim3A_506 = vector.broadcast %jit3A_504 : f32 to vector<16xf32>
        %select_n3A_507 = arith.select %and3A_484, %broadcast_in_dim3A_505, %broadcast_in_dim3A_506 : vector<16xi1>, vector<16xf32>
        %add3A_508 = arith.addf %add3A_445, %select_n3A_507 : vector<16xf32>
        %get3A_509 = arith.constant 0 : i32
        %get3A_510 = arith.constant 11 : i32
        %get3A_511 = arith.index_cast %get3A_509 : i32 to index
        %get3A_512 = arith.index_cast %get3A_510 : i32 to index
        %get3A_513 = arith.index_cast %mul3A_326 : i32 to index
        %get3A_514 = tpu.vector_load %arg7[%get3A_511, %get3A_512, %get3A_513] {strides = array<i32>} : memref<2x16x512xf32, #tpu.memory_space<vmem>>, vector<1x1x16xf32>,
        %get3A_515 = vector.shape_cast %get3A_514 : vector<1x1x16xf32> to vector<16xf32>
        %get3A_516 = arith.constant 0 : i32
        %get3A_517 = arith.constant 11 : i32
        %get3A_518 = arith.index_cast %get3A_516 : i32 to index
        %get3A_519 = arith.index_cast %get3A_517 : i32 to index
        %get3A_520 = arith.index_cast %mul3A_326 : i32 to index
        %get3A_521 = tpu.vector_load %arg8[%get3A_518, %get3A_519, %get3A_520] {strides = array<i32>} : memref<2x16x512xf32, #tpu.memory_space<vmem>>, vector<1x1x16xf32>,
        %get3A_522 = vector.shape_cast %get3A_521 : vector<1x1x16xf32> to vector<16xf32>
        %get3A_523 = arith.constant 0 : i32
        %get3A_524 = arith.constant 11 : i32
        %get3A_525 = arith.index_cast %get3A_523 : i32 to index
        %get3A_526 = arith.index_cast %get3A_524 : i32 to index
        %get3A_527 = arith.index_cast %mul3A_326 : i32 to index
        %get3A_528 = tpu.vector_load %arg9[%get3A_525, %get3A_526, %get3A_527] {strides = array<i32>} : memref<2x16x512xf32, #tpu.memory_space<vmem>>, vector<1x1x16xf32>,
        %get3A_529 = vector.shape_cast %get3A_528 : vector<1x1x16xf32> to vector<16xf32>
        %get3A_530 = arith.constant 0 : i32
        %get3A_531 = arith.constant 11 : i32
        %get3A_532 = arith.index_cast %get3A_530 : i32 to index
        %get3A_533 = arith.index_cast %get3A_531 : i32 to index
        %get3A_534 = arith.index_cast %mul3A_326 : i32 to index
        %get3A_535 = tpu.vector_load %arg10[%get3A_532, %get3A_533, %get3A_534] {strides = array<i32>} : memref<2x16x512xi32, #tpu.memory_space<vmem>>, vector<1x1x16xi32>,
        %get3A_536 = vector.shape_cast %get3A_535 : vector<1x1x16xi32> to vector<16xi32>
        %gt3A_537 = arith.constant 0 : i32
        %gt3A_538 = vector.broadcast %gt3A_537 : i32 to vector<16xi32>
        %gt3A_539 = arith.cmpi sgt, %get3A_536, %gt3A_538 : vector<16xi32>
        %gt3A_540 = arith.constant 0.000000e+00 : f32
        %gt3A_541 = vector.broadcast %gt3A_540 : f32 to vector<16xf32>
        %gt3A_542 = arith.cmpf ogt, %get3A_522, %gt3A_541 : vector<16xf32>
        %and3A_543 = arith.andi %gt3A_539, %gt3A_542 : vector<16xi1>
        %gt3A_544 = arith.constant 0.000000e+00 : f32
        %gt3A_545 = vector.broadcast %gt3A_544 : f32 to vector<16xf32>
        %gt3A_546 = arith.cmpf ogt, %get3A_529, %gt3A_545 : vector<16xf32>
        %and3A_547 = arith.andi %gt3A_539, %gt3A_546 : vector<16xi1>
        %sub3A_548 = arith.subf %get3A_515, %get3A_522 : vector<16xf32>
        %abs3A_549 = math.absf %sub3A_548 : vector<16xf32>
        %jit3A_550 = arith.constant 0.000000e+00 : f32
        %broadcast_in_dim3A_551 = vector.broadcast %jit3A_550 : f32 to vector<16xf32>
        %select_n3A_552 = arith.select %and3A_543, %abs3A_549, %broadcast_in_dim3A_551 : vector<16xi1>, vector<16xf32>
        %add3A_553 = arith.addf %add3A_490, %select_n3A_552 : vector<16xf32>
        %jit3A_554 = arith.constant 1.000000e+00 : f32
        %jit3A_555 = arith.constant 0.000000e+00 : f32
        %broadcast_in_dim3A_556 = vector.broadcast %jit3A_554 : f32 to vector<16xf32>
        %broadcast_in_dim3A_557 = vector.broadcast %jit3A_555 : f32 to vector<16xf32>
        %select_n3A_558 = arith.select %and3A_543, %broadcast_in_dim3A_556, %broadcast_in_dim3A_557 : vector<16xi1>, vector<16xf32>
        %add3A_559 = arith.addf %add3A_496, %select_n3A_558 : vector<16xf32>
        %sub3A_560 = arith.subf %get3A_515, %get3A_529 : vector<16xf32>
        %abs3A_561 = math.absf %sub3A_560 : vector<16xf32>
        %jit3A_562 = arith.constant 0.000000e+00 : f32
        %broadcast_in_dim3A_563 = vector.broadcast %jit3A_562 : f32 to vector<16xf32>
        %select_n3A_564 = arith.select %and3A_547, %abs3A_561, %broadcast_in_dim3A_563 : vector<16xi1>, vector<16xf32>
        %add3A_565 = arith.addf %add3A_502, %select_n3A_564 : vector<16xf32>
        %jit3A_566 = arith.constant 1.000000e+00 : f32
        %jit3A_567 = arith.constant 0.000000e+00 : f32
        %broadcast_in_dim3A_568 = vector.broadcast %jit3A_566 : f32 to vector<16xf32>
        %broadcast_in_dim3A_569 = vector.broadcast %jit3A_567 : f32 to vector<16xf32>
        %select_n3A_570 = arith.select %and3A_547, %broadcast_in_dim3A_568, %broadcast_in_dim3A_569 : vector<16xi1>, vector<16xf32>
        %add3A_571 = arith.addf %add3A_508, %select_n3A_570 : vector<16xf32>
        scf.yield %add3A_553, %add3A_559, %add3A_565, %add3A_571 : vector<16xf32>, vector<16xf32>, vector<16xf32>, vector<16xf32>
      }
      %scan3A_225 = arith.constant 32 : i32
      %scan3A_226 = arith.constant 0 : i32
      %scan3A_227 = arith.constant 32 : i32
      %scan3A_228 = arith.addi %scan3A_226, %scan3A_227 : i32
      %scan3A_229 = arith.constant 1 : i32
      %scan3A_230:4 = scf.for %scan3A_320 = %scan3A_226 to %scan3A_228 step %scan3A_229 iter_args(%scan3A_321 = %scan3A_224#0, %scan3A_322 = %scan3A_224#1, %scan3A_323 = %scan3A_224#2, %scan3A_324 = %scan3A_224#3) -> (vector<16xf32>, vector<16xf32>, vector<16xf32>, vector<16xf32>)  : i32 {
        %mul3A_325 = arith.constant 16 : i32
        %mul3A_326 = arith.muli %scan3A_320, %mul3A_325 : i32
        %get3A = arith.constant 0 : i32
        %get3A_327 = arith.constant 12 : i32
        %get3A_328 = arith.index_cast %get3A : i32 to index
        %get3A_329 = arith.index_cast %get3A_327 : i32 to index
        %get3A_330 = arith.index_cast %mul3A_326 : i32 to index
        %get3A_331 = tpu.vector_load %arg7[%get3A_328, %get3A_329, %get3A_330] {strides = array<i32>} : memref<2x16x512xf32, #tpu.memory_space<vmem>>, vector<1x1x16xf32>,
        %get3A_332 = vector.shape_cast %get3A_331 : vector<1x1x16xf32> to vector<16xf32>
        %get3A_333 = arith.constant 0 : i32
        %get3A_334 = arith.constant 12 : i32
        %get3A_335 = arith.index_cast %get3A_333 : i32 to index
        %get3A_336 = arith.index_cast %get3A_334 : i32 to index
        %get3A_337 = arith.index_cast %mul3A_326 : i32 to index
        %get3A_338 = tpu.vector_load %arg8[%get3A_335, %get3A_336, %get3A_337] {strides = array<i32>} : memref<2x16x512xf32, #tpu.memory_space<vmem>>, vector<1x1x16xf32>,
        %get3A_339 = vector.shape_cast %get3A_338 : vector<1x1x16xf32> to vector<16xf32>
        %get3A_340 = arith.constant 0 : i32
        %get3A_341 = arith.constant 12 : i32
        %get3A_342 = arith.index_cast %get3A_340 : i32 to index
        %get3A_343 = arith.index_cast %get3A_341 : i32 to index
        %get3A_344 = arith.index_cast %mul3A_326 : i32 to index
        %get3A_345 = tpu.vector_load %arg9[%get3A_342, %get3A_343, %get3A_344] {strides = array<i32>} : memref<2x16x512xf32, #tpu.memory_space<vmem>>, vector<1x1x16xf32>,
        %get3A_346 = vector.shape_cast %get3A_345 : vector<1x1x16xf32> to vector<16xf32>
        %get3A_347 = arith.constant 0 : i32
        %get3A_348 = arith.constant 12 : i32
        %get3A_349 = arith.index_cast %get3A_347 : i32 to index
        %get3A_350 = arith.index_cast %get3A_348 : i32 to index
        %get3A_351 = arith.index_cast %mul3A_326 : i32 to index
        %get3A_352 = tpu.vector_load %arg10[%get3A_349, %get3A_350, %get3A_351] {strides = array<i32>} : memref<2x16x512xi32, #tpu.memory_space<vmem>>, vector<1x1x16xi32>,
        %get3A_353 = vector.shape_cast %get3A_352 : vector<1x1x16xi32> to vector<16xi32>
        %gt3A = arith.constant 0 : i32
        %gt3A_354 = vector.broadcast %gt3A : i32 to vector<16xi32>
        %gt3A_355 = arith.cmpi sgt, %get3A_353, %gt3A_354 : vector<16xi32>
        %gt3A_356 = arith.constant 0.000000e+00 : f32
        %gt3A_357 = vector.broadcast %gt3A_356 : f32 to vector<16xf32>
        %gt3A_358 = arith.cmpf ogt, %get3A_339, %gt3A_357 : vector<16xf32>
        %and3A = arith.andi %gt3A_355, %gt3A_358 : vector<16xi1>
        %gt3A_359 = arith.constant 0.000000e+00 : f32
        %gt3A_360 = vector.broadcast %gt3A_359 : f32 to vector<16xf32>
        %gt3A_361 = arith.cmpf ogt, %get3A_346, %gt3A_360 : vector<16xf32>
        %and3A_362 = arith.andi %gt3A_355, %gt3A_361 : vector<16xi1>
        %sub3A = arith.subf %get3A_332, %get3A_339 : vector<16xf32>
        %abs3A = math.absf %sub3A : vector<16xf32>
        %jit3A = arith.constant 0.000000e+00 : f32
        %broadcast_in_dim3A_363 = vector.broadcast %jit3A : f32 to vector<16xf32>
        %select_n3A = arith.select %and3A, %abs3A, %broadcast_in_dim3A_363 : vector<16xi1>, vector<16xf32>
        %add3A_364 = arith.addf %scan3A_321, %select_n3A : vector<16xf32>
        %jit3A_365 = arith.constant 1.000000e+00 : f32
        %jit3A_366 = arith.constant 0.000000e+00 : f32
        %broadcast_in_dim3A_367 = vector.broadcast %jit3A_365 : f32 to vector<16xf32>
        %broadcast_in_dim3A_368 = vector.broadcast %jit3A_366 : f32 to vector<16xf32>
        %select_n3A_369 = arith.select %and3A, %broadcast_in_dim3A_367, %broadcast_in_dim3A_368 : vector<16xi1>, vector<16xf32>
        %add3A_370 = arith.addf %scan3A_322, %select_n3A_369 : vector<16xf32>
        %sub3A_371 = arith.subf %get3A_332, %get3A_346 : vector<16xf32>
        %abs3A_372 = math.absf %sub3A_371 : vector<16xf32>
        %jit3A_373 = arith.constant 0.000000e+00 : f32
        %broadcast_in_dim3A_374 = vector.broadcast %jit3A_373 : f32 to vector<16xf32>
        %select_n3A_375 = arith.select %and3A_362, %abs3A_372, %broadcast_in_dim3A_374 : vector<16xi1>, vector<16xf32>
        %add3A_376 = arith.addf %scan3A_323, %select_n3A_375 : vector<16xf32>
        %jit3A_377 = arith.constant 1.000000e+00 : f32
        %jit3A_378 = arith.constant 0.000000e+00 : f32
        %broadcast_in_dim3A_379 = vector.broadcast %jit3A_377 : f32 to vector<16xf32>
        %broadcast_in_dim3A_380 = vector.broadcast %jit3A_378 : f32 to vector<16xf32>
        %select_n3A_381 = arith.select %and3A_362, %broadcast_in_dim3A_379, %broadcast_in_dim3A_380 : vector<16xi1>, vector<16xf32>
        %add3A_382 = arith.addf %scan3A_324, %select_n3A_381 : vector<16xf32>
        %get3A_383 = arith.constant 0 : i32
        %get3A_384 = arith.constant 13 : i32
        %get3A_385 = arith.index_cast %get3A_383 : i32 to index
        %get3A_386 = arith.index_cast %get3A_384 : i32 to index
        %get3A_387 = arith.index_cast %mul3A_326 : i32 to index
        %get3A_388 = tpu.vector_load %arg7[%get3A_385, %get3A_386, %get3A_387] {strides = array<i32>} : memref<2x16x512xf32, #tpu.memory_space<vmem>>, vector<1x1x16xf32>,
        %get3A_389 = vector.shape_cast %get3A_388 : vector<1x1x16xf32> to vector<16xf32>
        %get3A_390 = arith.constant 0 : i32
        %get3A_391 = arith.constant 13 : i32
        %get3A_392 = arith.index_cast %get3A_390 : i32 to index
        %get3A_393 = arith.index_cast %get3A_391 : i32 to index
        %get3A_394 = arith.index_cast %mul3A_326 : i32 to index
        %get3A_395 = tpu.vector_load %arg8[%get3A_392, %get3A_393, %get3A_394] {strides = array<i32>} : memref<2x16x512xf32, #tpu.memory_space<vmem>>, vector<1x1x16xf32>,
        %get3A_396 = vector.shape_cast %get3A_395 : vector<1x1x16xf32> to vector<16xf32>
        %get3A_397 = arith.constant 0 : i32
        %get3A_398 = arith.constant 13 : i32
        %get3A_399 = arith.index_cast %get3A_397 : i32 to index
        %get3A_400 = arith.index_cast %get3A_398 : i32 to index
        %get3A_401 = arith.index_cast %mul3A_326 : i32 to index
        %get3A_402 = tpu.vector_load %arg9[%get3A_399, %get3A_400, %get3A_401] {strides = array<i32>} : memref<2x16x512xf32, #tpu.memory_space<vmem>>, vector<1x1x16xf32>,
        %get3A_403 = vector.shape_cast %get3A_402 : vector<1x1x16xf32> to vector<16xf32>
        %get3A_404 = arith.constant 0 : i32
        %get3A_405 = arith.constant 13 : i32
        %get3A_406 = arith.index_cast %get3A_404 : i32 to index
        %get3A_407 = arith.index_cast %get3A_405 : i32 to index
        %get3A_408 = arith.index_cast %mul3A_326 : i32 to index
        %get3A_409 = tpu.vector_load %arg10[%get3A_406, %get3A_407, %get3A_408] {strides = array<i32>} : memref<2x16x512xi32, #tpu.memory_space<vmem>>, vector<1x1x16xi32>,
        %get3A_410 = vector.shape_cast %get3A_409 : vector<1x1x16xi32> to vector<16xi32>
        %gt3A_411 = arith.constant 0 : i32
        %gt3A_412 = vector.broadcast %gt3A_411 : i32 to vector<16xi32>
        %gt3A_413 = arith.cmpi sgt, %get3A_410, %gt3A_412 : vector<16xi32>
        %gt3A_414 = arith.constant 0.000000e+00 : f32
        %gt3A_415 = vector.broadcast %gt3A_414 : f32 to vector<16xf32>
        %gt3A_416 = arith.cmpf ogt, %get3A_396, %gt3A_415 : vector<16xf32>
        %and3A_417 = arith.andi %gt3A_413, %gt3A_416 : vector<16xi1>
        %gt3A_418 = arith.constant 0.000000e+00 : f32
        %gt3A_419 = vector.broadcast %gt3A_418 : f32 to vector<16xf32>
        %gt3A_420 = arith.cmpf ogt, %get3A_403, %gt3A_419 : vector<16xf32>
        %and3A_421 = arith.andi %gt3A_413, %gt3A_420 : vector<16xi1>
        %sub3A_422 = arith.subf %get3A_389, %get3A_396 : vector<16xf32>
        %abs3A_423 = math.absf %sub3A_422 : vector<16xf32>
        %jit3A_424 = arith.constant 0.000000e+00 : f32
        %broadcast_in_dim3A_425 = vector.broadcast %jit3A_424 : f32 to vector<16xf32>
        %select_n3A_426 = arith.select %and3A_417, %abs3A_423, %broadcast_in_dim3A_425 : vector<16xi1>, vector<16xf32>
        %add3A_427 = arith.addf %add3A_364, %select_n3A_426 : vector<16xf32>
        %jit3A_428 = arith.constant 1.000000e+00 : f32
        %jit3A_429 = arith.constant 0.000000e+00 : f32
        %broadcast_in_dim3A_430 = vector.broadcast %jit3A_428 : f32 to vector<16xf32>
        %broadcast_in_dim3A_431 = vector.broadcast %jit3A_429 : f32 to vector<16xf32>
        %select_n3A_432 = arith.select %and3A_417, %broadcast_in_dim3A_430, %broadcast_in_dim3A_431 : vector<16xi1>, vector<16xf32>
        %add3A_433 = arith.addf %add3A_370, %select_n3A_432 : vector<16xf32>
        %sub3A_434 = arith.subf %get3A_389, %get3A_403 : vector<16xf32>
        %abs3A_435 = math.absf %sub3A_434 : vector<16xf32>
        %jit3A_436 = arith.constant 0.000000e+00 : f32
        %broadcast_in_dim3A_437 = vector.broadcast %jit3A_436 : f32 to vector<16xf32>
        %select_n3A_438 = arith.select %and3A_421, %abs3A_435, %broadcast_in_dim3A_437 : vector<16xi1>, vector<16xf32>
        %add3A_439 = arith.addf %add3A_376, %select_n3A_438 : vector<16xf32>
        %jit3A_440 = arith.constant 1.000000e+00 : f32
        %jit3A_441 = arith.constant 0.000000e+00 : f32
        %broadcast_in_dim3A_442 = vector.broadcast %jit3A_440 : f32 to vector<16xf32>
        %broadcast_in_dim3A_443 = vector.broadcast %jit3A_441 : f32 to vector<16xf32>
        %select_n3A_444 = arith.select %and3A_421, %broadcast_in_dim3A_442, %broadcast_in_dim3A_443 : vector<16xi1>, vector<16xf32>
        %add3A_445 = arith.addf %add3A_382, %select_n3A_444 : vector<16xf32>
        %get3A_446 = arith.constant 0 : i32
        %get3A_447 = arith.constant 14 : i32
        %get3A_448 = arith.index_cast %get3A_446 : i32 to index
        %get3A_449 = arith.index_cast %get3A_447 : i32 to index
        %get3A_450 = arith.index_cast %mul3A_326 : i32 to index
        %get3A_451 = tpu.vector_load %arg7[%get3A_448, %get3A_449, %get3A_450] {strides = array<i32>} : memref<2x16x512xf32, #tpu.memory_space<vmem>>, vector<1x1x16xf32>,
        %get3A_452 = vector.shape_cast %get3A_451 : vector<1x1x16xf32> to vector<16xf32>
        %get3A_453 = arith.constant 0 : i32
        %get3A_454 = arith.constant 14 : i32
        %get3A_455 = arith.index_cast %get3A_453 : i32 to index
        %get3A_456 = arith.index_cast %get3A_454 : i32 to index
        %get3A_457 = arith.index_cast %mul3A_326 : i32 to index
        %get3A_458 = tpu.vector_load %arg8[%get3A_455, %get3A_456, %get3A_457] {strides = array<i32>} : memref<2x16x512xf32, #tpu.memory_space<vmem>>, vector<1x1x16xf32>,
        %get3A_459 = vector.shape_cast %get3A_458 : vector<1x1x16xf32> to vector<16xf32>
        %get3A_460 = arith.constant 0 : i32
        %get3A_461 = arith.constant 14 : i32
        %get3A_462 = arith.index_cast %get3A_460 : i32 to index
        %get3A_463 = arith.index_cast %get3A_461 : i32 to index
        %get3A_464 = arith.index_cast %mul3A_326 : i32 to index
        %get3A_465 = tpu.vector_load %arg9[%get3A_462, %get3A_463, %get3A_464] {strides = array<i32>} : memref<2x16x512xf32, #tpu.memory_space<vmem>>, vector<1x1x16xf32>,
        %get3A_466 = vector.shape_cast %get3A_465 : vector<1x1x16xf32> to vector<16xf32>
        %get3A_467 = arith.constant 0 : i32
        %get3A_468 = arith.constant 14 : i32
        %get3A_469 = arith.index_cast %get3A_467 : i32 to index
        %get3A_470 = arith.index_cast %get3A_468 : i32 to index
        %get3A_471 = arith.index_cast %mul3A_326 : i32 to index
        %get3A_472 = tpu.vector_load %arg10[%get3A_469, %get3A_470, %get3A_471] {strides = array<i32>} : memref<2x16x512xi32, #tpu.memory_space<vmem>>, vector<1x1x16xi32>,
        %get3A_473 = vector.shape_cast %get3A_472 : vector<1x1x16xi32> to vector<16xi32>
        %gt3A_474 = arith.constant 0 : i32
        %gt3A_475 = vector.broadcast %gt3A_474 : i32 to vector<16xi32>
        %gt3A_476 = arith.cmpi sgt, %get3A_473, %gt3A_475 : vector<16xi32>
        %gt3A_477 = arith.constant 0.000000e+00 : f32
        %gt3A_478 = vector.broadcast %gt3A_477 : f32 to vector<16xf32>
        %gt3A_479 = arith.cmpf ogt, %get3A_459, %gt3A_478 : vector<16xf32>
        %and3A_480 = arith.andi %gt3A_476, %gt3A_479 : vector<16xi1>
        %gt3A_481 = arith.constant 0.000000e+00 : f32
        %gt3A_482 = vector.broadcast %gt3A_481 : f32 to vector<16xf32>
        %gt3A_483 = arith.cmpf ogt, %get3A_466, %gt3A_482 : vector<16xf32>
        %and3A_484 = arith.andi %gt3A_476, %gt3A_483 : vector<16xi1>
        %sub3A_485 = arith.subf %get3A_452, %get3A_459 : vector<16xf32>
        %abs3A_486 = math.absf %sub3A_485 : vector<16xf32>
        %jit3A_487 = arith.constant 0.000000e+00 : f32
        %broadcast_in_dim3A_488 = vector.broadcast %jit3A_487 : f32 to vector<16xf32>
        %select_n3A_489 = arith.select %and3A_480, %abs3A_486, %broadcast_in_dim3A_488 : vector<16xi1>, vector<16xf32>
        %add3A_490 = arith.addf %add3A_427, %select_n3A_489 : vector<16xf32>
        %jit3A_491 = arith.constant 1.000000e+00 : f32
        %jit3A_492 = arith.constant 0.000000e+00 : f32
        %broadcast_in_dim3A_493 = vector.broadcast %jit3A_491 : f32 to vector<16xf32>
        %broadcast_in_dim3A_494 = vector.broadcast %jit3A_492 : f32 to vector<16xf32>
        %select_n3A_495 = arith.select %and3A_480, %broadcast_in_dim3A_493, %broadcast_in_dim3A_494 : vector<16xi1>, vector<16xf32>
        %add3A_496 = arith.addf %add3A_433, %select_n3A_495 : vector<16xf32>
        %sub3A_497 = arith.subf %get3A_452, %get3A_466 : vector<16xf32>
        %abs3A_498 = math.absf %sub3A_497 : vector<16xf32>
        %jit3A_499 = arith.constant 0.000000e+00 : f32
        %broadcast_in_dim3A_500 = vector.broadcast %jit3A_499 : f32 to vector<16xf32>
        %select_n3A_501 = arith.select %and3A_484, %abs3A_498, %broadcast_in_dim3A_500 : vector<16xi1>, vector<16xf32>
        %add3A_502 = arith.addf %add3A_439, %select_n3A_501 : vector<16xf32>
        %jit3A_503 = arith.constant 1.000000e+00 : f32
        %jit3A_504 = arith.constant 0.000000e+00 : f32
        %broadcast_in_dim3A_505 = vector.broadcast %jit3A_503 : f32 to vector<16xf32>
        %broadcast_in_dim3A_506 = vector.broadcast %jit3A_504 : f32 to vector<16xf32>
        %select_n3A_507 = arith.select %and3A_484, %broadcast_in_dim3A_505, %broadcast_in_dim3A_506 : vector<16xi1>, vector<16xf32>
        %add3A_508 = arith.addf %add3A_445, %select_n3A_507 : vector<16xf32>
        %get3A_509 = arith.constant 0 : i32
        %get3A_510 = arith.constant 15 : i32
        %get3A_511 = arith.index_cast %get3A_509 : i32 to index
        %get3A_512 = arith.index_cast %get3A_510 : i32 to index
        %get3A_513 = arith.index_cast %mul3A_326 : i32 to index
        %get3A_514 = tpu.vector_load %arg7[%get3A_511, %get3A_512, %get3A_513] {strides = array<i32>} : memref<2x16x512xf32, #tpu.memory_space<vmem>>, vector<1x1x16xf32>,
        %get3A_515 = vector.shape_cast %get3A_514 : vector<1x1x16xf32> to vector<16xf32>
        %get3A_516 = arith.constant 0 : i32
        %get3A_517 = arith.constant 15 : i32
        %get3A_518 = arith.index_cast %get3A_516 : i32 to index
        %get3A_519 = arith.index_cast %get3A_517 : i32 to index
        %get3A_520 = arith.index_cast %mul3A_326 : i32 to index
        %get3A_521 = tpu.vector_load %arg8[%get3A_518, %get3A_519, %get3A_520] {strides = array<i32>} : memref<2x16x512xf32, #tpu.memory_space<vmem>>, vector<1x1x16xf32>,
        %get3A_522 = vector.shape_cast %get3A_521 : vector<1x1x16xf32> to vector<16xf32>
        %get3A_523 = arith.constant 0 : i32
        %get3A_524 = arith.constant 15 : i32
        %get3A_525 = arith.index_cast %get3A_523 : i32 to index
        %get3A_526 = arith.index_cast %get3A_524 : i32 to index
        %get3A_527 = arith.index_cast %mul3A_326 : i32 to index
        %get3A_528 = tpu.vector_load %arg9[%get3A_525, %get3A_526, %get3A_527] {strides = array<i32>} : memref<2x16x512xf32, #tpu.memory_space<vmem>>, vector<1x1x16xf32>,
        %get3A_529 = vector.shape_cast %get3A_528 : vector<1x1x16xf32> to vector<16xf32>
        %get3A_530 = arith.constant 0 : i32
        %get3A_531 = arith.constant 15 : i32
        %get3A_532 = arith.index_cast %get3A_530 : i32 to index
        %get3A_533 = arith.index_cast %get3A_531 : i32 to index
        %get3A_534 = arith.index_cast %mul3A_326 : i32 to index
        %get3A_535 = tpu.vector_load %arg10[%get3A_532, %get3A_533, %get3A_534] {strides = array<i32>} : memref<2x16x512xi32, #tpu.memory_space<vmem>>, vector<1x1x16xi32>,
        %get3A_536 = vector.shape_cast %get3A_535 : vector<1x1x16xi32> to vector<16xi32>
        %gt3A_537 = arith.constant 0 : i32
        %gt3A_538 = vector.broadcast %gt3A_537 : i32 to vector<16xi32>
        %gt3A_539 = arith.cmpi sgt, %get3A_536, %gt3A_538 : vector<16xi32>
        %gt3A_540 = arith.constant 0.000000e+00 : f32
        %gt3A_541 = vector.broadcast %gt3A_540 : f32 to vector<16xf32>
        %gt3A_542 = arith.cmpf ogt, %get3A_522, %gt3A_541 : vector<16xf32>
        %and3A_543 = arith.andi %gt3A_539, %gt3A_542 : vector<16xi1>
        %gt3A_544 = arith.constant 0.000000e+00 : f32
        %gt3A_545 = vector.broadcast %gt3A_544 : f32 to vector<16xf32>
        %gt3A_546 = arith.cmpf ogt, %get3A_529, %gt3A_545 : vector<16xf32>
        %and3A_547 = arith.andi %gt3A_539, %gt3A_546 : vector<16xi1>
        %sub3A_548 = arith.subf %get3A_515, %get3A_522 : vector<16xf32>
        %abs3A_549 = math.absf %sub3A_548 : vector<16xf32>
        %jit3A_550 = arith.constant 0.000000e+00 : f32
        %broadcast_in_dim3A_551 = vector.broadcast %jit3A_550 : f32 to vector<16xf32>
        %select_n3A_552 = arith.select %and3A_543, %abs3A_549, %broadcast_in_dim3A_551 : vector<16xi1>, vector<16xf32>
        %add3A_553 = arith.addf %add3A_490, %select_n3A_552 : vector<16xf32>
        %jit3A_554 = arith.constant 1.000000e+00 : f32
        %jit3A_555 = arith.constant 0.000000e+00 : f32
        %broadcast_in_dim3A_556 = vector.broadcast %jit3A_554 : f32 to vector<16xf32>
        %broadcast_in_dim3A_557 = vector.broadcast %jit3A_555 : f32 to vector<16xf32>
        %select_n3A_558 = arith.select %and3A_543, %broadcast_in_dim3A_556, %broadcast_in_dim3A_557 : vector<16xi1>, vector<16xf32>
        %add3A_559 = arith.addf %add3A_496, %select_n3A_558 : vector<16xf32>
        %sub3A_560 = arith.subf %get3A_515, %get3A_529 : vector<16xf32>
        %abs3A_561 = math.absf %sub3A_560 : vector<16xf32>
        %jit3A_562 = arith.constant 0.000000e+00 : f32
        %broadcast_in_dim3A_563 = vector.broadcast %jit3A_562 : f32 to vector<16xf32>
        %select_n3A_564 = arith.select %and3A_547, %abs3A_561, %broadcast_in_dim3A_563 : vector<16xi1>, vector<16xf32>
        %add3A_565 = arith.addf %add3A_502, %select_n3A_564 : vector<16xf32>
        %jit3A_566 = arith.constant 1.000000e+00 : f32
        %jit3A_567 = arith.constant 0.000000e+00 : f32
        %broadcast_in_dim3A_568 = vector.broadcast %jit3A_566 : f32 to vector<16xf32>
        %broadcast_in_dim3A_569 = vector.broadcast %jit3A_567 : f32 to vector<16xf32>
        %select_n3A_570 = arith.select %and3A_547, %broadcast_in_dim3A_568, %broadcast_in_dim3A_569 : vector<16xi1>, vector<16xf32>
        %add3A_571 = arith.addf %add3A_508, %select_n3A_570 : vector<16xf32>
        scf.yield %add3A_553, %add3A_559, %add3A_565, %add3A_571 : vector<16xf32>, vector<16xf32>, vector<16xf32>, vector<16xf32>
      }
      %scan3A_231 = arith.constant 32 : i32
      %add3A_232 = arith.constant 2 : i32
      %add3A_233 = arith.addi %mul3A_91, %add3A_232 : i32
      %lt3A = arith.constant 8 : i32
      %lt3A_234 = arith.cmpi slt, %add3A_233, %lt3A : i32
      %convert_element_type3A = arith.extui %lt3A_234 : i1 to i32
      %cond3A = arith.constant 0 : i32
      %cond3A_235 = arith.cmpi ne, %convert_element_type3A, %cond3A : i32
      scf.if %cond3A_235 {
        %add3A_320 = arith.constant 2 : i32
        %add3A_321 = arith.addi %mul3A_91, %add3A_320 : i32
        %mul3A_322 = arith.constant 16 : i32
        %mul3A_323 = arith.muli %add3A_321, %mul3A_322 : i32
        %add3A_324 = arith.addi %mul3A_2, %mul3A_323 : i32
        %dma_start3A_325 = arith.constant 0 : i32
        %dma_start3A_326 = arith.constant 0 : i32
        %dma_start3A_327 = arith.constant 0 : i32
        %dma_start3A_328 = tpu.memref_slice %arg7[%dma_start3A_325, %dma_start3A_326, %dma_start3A_327] : memref<2x16x512xf32, #tpu.memory_space<vmem>> -> memref<1x16x512xf32, #tpu.memory_space<vmem>>
        %dma_start3A_329 = tpu.memref_squeeze %dma_start3A_328 : memref<1x16x512xf32, #tpu.memory_space<vmem>> -> memref<16x512xf32, #tpu.memory_space<vmem>>
        %dma_start3A_330 = arith.constant 0 : i32
        %dma_start3A_331 = tpu.memref_slice %arg2[%add3A_324, %dma_start3A_330] : memref<4096x512xf32, #tpu.memory_space<hbm>> -> memref<16x512xf32, #tpu.memory_space<hbm>>
        %dma_start3A_332 = arith.constant 0 : i32
        %dma_start3A_333 = arith.constant 0 : i32
        %dma_start3A_334 = tpu.memref_slice %arg7[%dma_start3A_325, %dma_start3A_332, %dma_start3A_333] : memref<2x16x512xf32, #tpu.memory_space<vmem>> -> memref<1x16x512xf32, #tpu.memory_space<vmem>>
        %dma_start3A_335 = tpu.memref_squeeze %dma_start3A_334 : memref<1x16x512xf32, #tpu.memory_space<vmem>> -> memref<16x512xf32, #tpu.memory_space<vmem>>
        %dma_start3A_336 = arith.constant 0 : i32
        %dma_start3A_337 = tpu.memref_slice %arg2[%add3A_324, %dma_start3A_336] : memref<4096x512xf32, #tpu.memory_space<hbm>> -> memref<16x512xf32, #tpu.memory_space<hbm>>
        tpu.enqueue_dma source(%dma_start3A_337 : memref<16x512xf32, #tpu.memory_space<hbm>>) target(%dma_start3A_335 : memref<16x512xf32, #tpu.memory_space<vmem>>) target_semaphore(%arg12 : memref<!tpu.dma_semaphore, #tpu.memory_space<semaphore_mem>>)
        %dma_start3A_338 = arith.constant 0 : i32
        %dma_start3A_339 = arith.constant 0 : i32
        %dma_start3A_340 = arith.constant 0 : i32
        %dma_start3A_341 = tpu.memref_slice %arg8[%dma_start3A_338, %dma_start3A_339, %dma_start3A_340] : memref<2x16x512xf32, #tpu.memory_space<vmem>> -> memref<1x16x512xf32, #tpu.memory_space<vmem>>
        %dma_start3A_342 = tpu.memref_squeeze %dma_start3A_341 : memref<1x16x512xf32, #tpu.memory_space<vmem>> -> memref<16x512xf32, #tpu.memory_space<vmem>>
        %dma_start3A_343 = arith.constant 0 : i32
        %dma_start3A_344 = tpu.memref_slice %arg3[%add3A_324, %dma_start3A_343] : memref<4096x512xf32, #tpu.memory_space<hbm>> -> memref<16x512xf32, #tpu.memory_space<hbm>>
        %dma_start3A_345 = arith.constant 0 : i32
        %dma_start3A_346 = arith.constant 0 : i32
        %dma_start3A_347 = tpu.memref_slice %arg8[%dma_start3A_338, %dma_start3A_345, %dma_start3A_346] : memref<2x16x512xf32, #tpu.memory_space<vmem>> -> memref<1x16x512xf32, #tpu.memory_space<vmem>>
        %dma_start3A_348 = tpu.memref_squeeze %dma_start3A_347 : memref<1x16x512xf32, #tpu.memory_space<vmem>> -> memref<16x512xf32, #tpu.memory_space<vmem>>
        %dma_start3A_349 = arith.constant 0 : i32
        %dma_start3A_350 = tpu.memref_slice %arg3[%add3A_324, %dma_start3A_349] : memref<4096x512xf32, #tpu.memory_space<hbm>> -> memref<16x512xf32, #tpu.memory_space<hbm>>
        tpu.enqueue_dma source(%dma_start3A_350 : memref<16x512xf32, #tpu.memory_space<hbm>>) target(%dma_start3A_348 : memref<16x512xf32, #tpu.memory_space<vmem>>) target_semaphore(%arg12 : memref<!tpu.dma_semaphore, #tpu.memory_space<semaphore_mem>>)
        %dma_start3A_351 = arith.constant 0 : i32
        %dma_start3A_352 = arith.constant 0 : i32
        %dma_start3A_353 = arith.constant 0 : i32
        %dma_start3A_354 = tpu.memref_slice %arg9[%dma_start3A_351, %dma_start3A_352, %dma_start3A_353] : memref<2x16x512xf32, #tpu.memory_space<vmem>> -> memref<1x16x512xf32, #tpu.memory_space<vmem>>
        %dma_start3A_355 = tpu.memref_squeeze %dma_start3A_354 : memref<1x16x512xf32, #tpu.memory_space<vmem>> -> memref<16x512xf32, #tpu.memory_space<vmem>>
        %dma_start3A_356 = arith.constant 0 : i32
        %dma_start3A_357 = tpu.memref_slice %arg4[%add3A_324, %dma_start3A_356] : memref<4096x512xf32, #tpu.memory_space<hbm>> -> memref<16x512xf32, #tpu.memory_space<hbm>>
        %dma_start3A_358 = arith.constant 0 : i32
        %dma_start3A_359 = arith.constant 0 : i32
        %dma_start3A_360 = tpu.memref_slice %arg9[%dma_start3A_351, %dma_start3A_358, %dma_start3A_359] : memref<2x16x512xf32, #tpu.memory_space<vmem>> -> memref<1x16x512xf32, #tpu.memory_space<vmem>>
        %dma_start3A_361 = tpu.memref_squeeze %dma_start3A_360 : memref<1x16x512xf32, #tpu.memory_space<vmem>> -> memref<16x512xf32, #tpu.memory_space<vmem>>
        %dma_start3A_362 = arith.constant 0 : i32
        %dma_start3A_363 = tpu.memref_slice %arg4[%add3A_324, %dma_start3A_362] : memref<4096x512xf32, #tpu.memory_space<hbm>> -> memref<16x512xf32, #tpu.memory_space<hbm>>
        tpu.enqueue_dma source(%dma_start3A_363 : memref<16x512xf32, #tpu.memory_space<hbm>>) target(%dma_start3A_361 : memref<16x512xf32, #tpu.memory_space<vmem>>) target_semaphore(%arg12 : memref<!tpu.dma_semaphore, #tpu.memory_space<semaphore_mem>>)
        %dma_start3A_364 = arith.constant 0 : i32
        %dma_start3A_365 = arith.constant 0 : i32
        %dma_start3A_366 = arith.constant 0 : i32
        %dma_start3A_367 = tpu.memref_slice %arg10[%dma_start3A_364, %dma_start3A_365, %dma_start3A_366] : memref<2x16x512xi32, #tpu.memory_space<vmem>> -> memref<1x16x512xi32, #tpu.memory_space<vmem>>
        %dma_start3A_368 = tpu.memref_squeeze %dma_start3A_367 : memref<1x16x512xi32, #tpu.memory_space<vmem>> -> memref<16x512xi32, #tpu.memory_space<vmem>>
        %dma_start3A_369 = arith.constant 0 : i32
        %dma_start3A_370 = tpu.memref_slice %arg5[%add3A_324, %dma_start3A_369] : memref<4096x512xi32, #tpu.memory_space<hbm>> -> memref<16x512xi32, #tpu.memory_space<hbm>>
        %dma_start3A_371 = arith.constant 0 : i32
        %dma_start3A_372 = arith.constant 0 : i32
        %dma_start3A_373 = tpu.memref_slice %arg10[%dma_start3A_364, %dma_start3A_371, %dma_start3A_372] : memref<2x16x512xi32, #tpu.memory_space<vmem>> -> memref<1x16x512xi32, #tpu.memory_space<vmem>>
        %dma_start3A_374 = tpu.memref_squeeze %dma_start3A_373 : memref<1x16x512xi32, #tpu.memory_space<vmem>> -> memref<16x512xi32, #tpu.memory_space<vmem>>
        %dma_start3A_375 = arith.constant 0 : i32
        %dma_start3A_376 = tpu.memref_slice %arg5[%add3A_324, %dma_start3A_375] : memref<4096x512xi32, #tpu.memory_space<hbm>> -> memref<16x512xi32, #tpu.memory_space<hbm>>
        tpu.enqueue_dma source(%dma_start3A_376 : memref<16x512xi32, #tpu.memory_space<hbm>>) target(%dma_start3A_374 : memref<16x512xi32, #tpu.memory_space<vmem>>) target_semaphore(%arg12 : memref<!tpu.dma_semaphore, #tpu.memory_space<semaphore_mem>>)
      } else {
      }
      %dma_wait3A_236 = arith.constant 1 : i32
      %dma_wait3A_237 = arith.constant 0 : i32
      %dma_wait3A_238 = arith.constant 0 : i32
      %dma_wait3A_239 = tpu.memref_slice %arg7[%dma_wait3A_236, %dma_wait3A_237, %dma_wait3A_238] : memref<2x16x512xf32, #tpu.memory_space<vmem>> -> memref<1x16x512xf32, #tpu.memory_space<vmem>>
      %dma_wait3A_240 = tpu.memref_squeeze %dma_wait3A_239 : memref<1x16x512xf32, #tpu.memory_space<vmem>> -> memref<16x512xf32, #tpu.memory_space<vmem>>
      %dma_wait3A_241 = arith.constant 0 : i32
      %dma_wait3A_242 = arith.constant 0 : i32
      %dma_wait3A_243 = tpu.memref_slice %arg2[%dma_wait3A_241, %dma_wait3A_242] : memref<4096x512xf32, #tpu.memory_space<hbm>> -> memref<16x512xf32, #tpu.memory_space<hbm>>
      %dma_wait3A_244 = arith.constant 0 : i32
      %dma_wait3A_245 = arith.constant 0 : i32
      %dma_wait3A_246 = tpu.memref_slice %arg7[%dma_wait3A_236, %dma_wait3A_244, %dma_wait3A_245] : memref<2x16x512xf32, #tpu.memory_space<vmem>> -> memref<1x16x512xf32, #tpu.memory_space<vmem>>
      %dma_wait3A_247 = tpu.memref_squeeze %dma_wait3A_246 : memref<1x16x512xf32, #tpu.memory_space<vmem>> -> memref<16x512xf32, #tpu.memory_space<vmem>>
      %dma_wait3A_248 = arith.constant 0 : i32
      %dma_wait3A_249 = arith.constant 0 : i32
      %dma_wait3A_250 = tpu.memref_slice %arg2[%dma_wait3A_248, %dma_wait3A_249] : memref<4096x512xf32, #tpu.memory_space<hbm>> -> memref<16x512xf32, #tpu.memory_space<hbm>>
      tpu.wait_dma2 semaphore(%arg13 : memref<!tpu.dma_semaphore, #tpu.memory_space<semaphore_mem>>) src(%dma_wait3A_250 : memref<16x512xf32, #tpu.memory_space<hbm>>) dst(%dma_wait3A_247 : memref<16x512xf32, #tpu.memory_space<vmem>>)
      %dma_wait3A_251 = arith.constant 1 : i32
      %dma_wait3A_252 = arith.constant 0 : i32
      %dma_wait3A_253 = arith.constant 0 : i32
      %dma_wait3A_254 = tpu.memref_slice %arg8[%dma_wait3A_251, %dma_wait3A_252, %dma_wait3A_253] : memref<2x16x512xf32, #tpu.memory_space<vmem>> -> memref<1x16x512xf32, #tpu.memory_space<vmem>>
      %dma_wait3A_255 = tpu.memref_squeeze %dma_wait3A_254 : memref<1x16x512xf32, #tpu.memory_space<vmem>> -> memref<16x512xf32, #tpu.memory_space<vmem>>
      %dma_wait3A_256 = arith.constant 0 : i32
      %dma_wait3A_257 = arith.constant 0 : i32
      %dma_wait3A_258 = tpu.memref_slice %arg3[%dma_wait3A_256, %dma_wait3A_257] : memref<4096x512xf32, #tpu.memory_space<hbm>> -> memref<16x512xf32, #tpu.memory_space<hbm>>
      %dma_wait3A_259 = arith.constant 0 : i32
      %dma_wait3A_260 = arith.constant 0 : i32
      %dma_wait3A_261 = tpu.memref_slice %arg8[%dma_wait3A_251, %dma_wait3A_259, %dma_wait3A_260] : memref<2x16x512xf32, #tpu.memory_space<vmem>> -> memref<1x16x512xf32, #tpu.memory_space<vmem>>
      %dma_wait3A_262 = tpu.memref_squeeze %dma_wait3A_261 : memref<1x16x512xf32, #tpu.memory_space<vmem>> -> memref<16x512xf32, #tpu.memory_space<vmem>>
      %dma_wait3A_263 = arith.constant 0 : i32
      %dma_wait3A_264 = arith.constant 0 : i32
      %dma_wait3A_265 = tpu.memref_slice %arg3[%dma_wait3A_263, %dma_wait3A_264] : memref<4096x512xf32, #tpu.memory_space<hbm>> -> memref<16x512xf32, #tpu.memory_space<hbm>>
      tpu.wait_dma2 semaphore(%arg13 : memref<!tpu.dma_semaphore, #tpu.memory_space<semaphore_mem>>) src(%dma_wait3A_265 : memref<16x512xf32, #tpu.memory_space<hbm>>) dst(%dma_wait3A_262 : memref<16x512xf32, #tpu.memory_space<vmem>>)
      %dma_wait3A_266 = arith.constant 1 : i32
      %dma_wait3A_267 = arith.constant 0 : i32
      %dma_wait3A_268 = arith.constant 0 : i32
      %dma_wait3A_269 = tpu.memref_slice %arg9[%dma_wait3A_266, %dma_wait3A_267, %dma_wait3A_268] : memref<2x16x512xf32, #tpu.memory_space<vmem>> -> memref<1x16x512xf32, #tpu.memory_space<vmem>>
      %dma_wait3A_270 = tpu.memref_squeeze %dma_wait3A_269 : memref<1x16x512xf32, #tpu.memory_space<vmem>> -> memref<16x512xf32, #tpu.memory_space<vmem>>
      %dma_wait3A_271 = arith.constant 0 : i32
      %dma_wait3A_272 = arith.constant 0 : i32
      %dma_wait3A_273 = tpu.memref_slice %arg4[%dma_wait3A_271, %dma_wait3A_272] : memref<4096x512xf32, #tpu.memory_space<hbm>> -> memref<16x512xf32, #tpu.memory_space<hbm>>
      %dma_wait3A_274 = arith.constant 0 : i32
      %dma_wait3A_275 = arith.constant 0 : i32
      %dma_wait3A_276 = tpu.memref_slice %arg9[%dma_wait3A_266, %dma_wait3A_274, %dma_wait3A_275] : memref<2x16x512xf32, #tpu.memory_space<vmem>> -> memref<1x16x512xf32, #tpu.memory_space<vmem>>
      %dma_wait3A_277 = tpu.memref_squeeze %dma_wait3A_276 : memref<1x16x512xf32, #tpu.memory_space<vmem>> -> memref<16x512xf32, #tpu.memory_space<vmem>>
      %dma_wait3A_278 = arith.constant 0 : i32
      %dma_wait3A_279 = arith.constant 0 : i32
      %dma_wait3A_280 = tpu.memref_slice %arg4[%dma_wait3A_278, %dma_wait3A_279] : memref<4096x512xf32, #tpu.memory_space<hbm>> -> memref<16x512xf32, #tpu.memory_space<hbm>>
      tpu.wait_dma2 semaphore(%arg13 : memref<!tpu.dma_semaphore, #tpu.memory_space<semaphore_mem>>) src(%dma_wait3A_280 : memref<16x512xf32, #tpu.memory_space<hbm>>) dst(%dma_wait3A_277 : memref<16x512xf32, #tpu.memory_space<vmem>>)
      %dma_wait3A_281 = arith.constant 1 : i32
      %dma_wait3A_282 = arith.constant 0 : i32
      %dma_wait3A_283 = arith.constant 0 : i32
      %dma_wait3A_284 = tpu.memref_slice %arg10[%dma_wait3A_281, %dma_wait3A_282, %dma_wait3A_283] : memref<2x16x512xi32, #tpu.memory_space<vmem>> -> memref<1x16x512xi32, #tpu.memory_space<vmem>>
      %dma_wait3A_285 = tpu.memref_squeeze %dma_wait3A_284 : memref<1x16x512xi32, #tpu.memory_space<vmem>> -> memref<16x512xi32, #tpu.memory_space<vmem>>
      %dma_wait3A_286 = arith.constant 0 : i32
      %dma_wait3A_287 = arith.constant 0 : i32
      %dma_wait3A_288 = tpu.memref_slice %arg5[%dma_wait3A_286, %dma_wait3A_287] : memref<4096x512xi32, #tpu.memory_space<hbm>> -> memref<16x512xi32, #tpu.memory_space<hbm>>
      %dma_wait3A_289 = arith.constant 0 : i32
      %dma_wait3A_290 = arith.constant 0 : i32
      %dma_wait3A_291 = tpu.memref_slice %arg10[%dma_wait3A_281, %dma_wait3A_289, %dma_wait3A_290] : memref<2x16x512xi32, #tpu.memory_space<vmem>> -> memref<1x16x512xi32, #tpu.memory_space<vmem>>
      %dma_wait3A_292 = tpu.memref_squeeze %dma_wait3A_291 : memref<1x16x512xi32, #tpu.memory_space<vmem>> -> memref<16x512xi32, #tpu.memory_space<vmem>>
      %dma_wait3A_293 = arith.constant 0 : i32
      %dma_wait3A_294 = arith.constant 0 : i32
      %dma_wait3A_295 = tpu.memref_slice %arg5[%dma_wait3A_293, %dma_wait3A_294] : memref<4096x512xi32, #tpu.memory_space<hbm>> -> memref<16x512xi32, #tpu.memory_space<hbm>>
      tpu.wait_dma2 semaphore(%arg13 : memref<!tpu.dma_semaphore, #tpu.memory_space<semaphore_mem>>) src(%dma_wait3A_295 : memref<16x512xi32, #tpu.memory_space<hbm>>) dst(%dma_wait3A_292 : memref<16x512xi32, #tpu.memory_space<vmem>>)
      %scan3A_296 = arith.constant 0 : i32
      %scan3A_297 = arith.constant 32 : i32
      %scan3A_298 = arith.addi %scan3A_296, %scan3A_297 : i32
      %scan3A_299 = arith.constant 1 : i32
      %scan3A_300:4 = scf.for %scan3A_320 = %scan3A_296 to %scan3A_298 step %scan3A_299 iter_args(%scan3A_321 = %scan3A_230#0, %scan3A_322 = %scan3A_230#1, %scan3A_323 = %scan3A_230#2, %scan3A_324 = %scan3A_230#3) -> (vector<16xf32>, vector<16xf32>, vector<16xf32>, vector<16xf32>)  : i32 {
        %mul3A_325 = arith.constant 16 : i32
        %mul3A_326 = arith.muli %scan3A_320, %mul3A_325 : i32
        %get3A = arith.constant 1 : i32
        %get3A_327 = arith.constant 0 : i32
        %get3A_328 = arith.index_cast %get3A : i32 to index
        %get3A_329 = arith.index_cast %get3A_327 : i32 to index
        %get3A_330 = arith.index_cast %mul3A_326 : i32 to index
        %get3A_331 = tpu.vector_load %arg7[%get3A_328, %get3A_329, %get3A_330] {strides = array<i32>} : memref<2x16x512xf32, #tpu.memory_space<vmem>>, vector<1x1x16xf32>,
        %get3A_332 = vector.shape_cast %get3A_331 : vector<1x1x16xf32> to vector<16xf32>
        %get3A_333 = arith.constant 1 : i32
        %get3A_334 = arith.constant 0 : i32
        %get3A_335 = arith.index_cast %get3A_333 : i32 to index
        %get3A_336 = arith.index_cast %get3A_334 : i32 to index
        %get3A_337 = arith.index_cast %mul3A_326 : i32 to index
        %get3A_338 = tpu.vector_load %arg8[%get3A_335, %get3A_336, %get3A_337] {strides = array<i32>} : memref<2x16x512xf32, #tpu.memory_space<vmem>>, vector<1x1x16xf32>,
        %get3A_339 = vector.shape_cast %get3A_338 : vector<1x1x16xf32> to vector<16xf32>
        %get3A_340 = arith.constant 1 : i32
        %get3A_341 = arith.constant 0 : i32
        %get3A_342 = arith.index_cast %get3A_340 : i32 to index
        %get3A_343 = arith.index_cast %get3A_341 : i32 to index
        %get3A_344 = arith.index_cast %mul3A_326 : i32 to index
        %get3A_345 = tpu.vector_load %arg9[%get3A_342, %get3A_343, %get3A_344] {strides = array<i32>} : memref<2x16x512xf32, #tpu.memory_space<vmem>>, vector<1x1x16xf32>,
        %get3A_346 = vector.shape_cast %get3A_345 : vector<1x1x16xf32> to vector<16xf32>
        %get3A_347 = arith.constant 1 : i32
        %get3A_348 = arith.constant 0 : i32
        %get3A_349 = arith.index_cast %get3A_347 : i32 to index
        %get3A_350 = arith.index_cast %get3A_348 : i32 to index
        %get3A_351 = arith.index_cast %mul3A_326 : i32 to index
        %get3A_352 = tpu.vector_load %arg10[%get3A_349, %get3A_350, %get3A_351] {strides = array<i32>} : memref<2x16x512xi32, #tpu.memory_space<vmem>>, vector<1x1x16xi32>,
        %get3A_353 = vector.shape_cast %get3A_352 : vector<1x1x16xi32> to vector<16xi32>
        %gt3A = arith.constant 0 : i32
        %gt3A_354 = vector.broadcast %gt3A : i32 to vector<16xi32>
        %gt3A_355 = arith.cmpi sgt, %get3A_353, %gt3A_354 : vector<16xi32>
        %gt3A_356 = arith.constant 0.000000e+00 : f32
        %gt3A_357 = vector.broadcast %gt3A_356 : f32 to vector<16xf32>
        %gt3A_358 = arith.cmpf ogt, %get3A_339, %gt3A_357 : vector<16xf32>
        %and3A = arith.andi %gt3A_355, %gt3A_358 : vector<16xi1>
        %gt3A_359 = arith.constant 0.000000e+00 : f32
        %gt3A_360 = vector.broadcast %gt3A_359 : f32 to vector<16xf32>
        %gt3A_361 = arith.cmpf ogt, %get3A_346, %gt3A_360 : vector<16xf32>
        %and3A_362 = arith.andi %gt3A_355, %gt3A_361 : vector<16xi1>
        %sub3A = arith.subf %get3A_332, %get3A_339 : vector<16xf32>
        %abs3A = math.absf %sub3A : vector<16xf32>
        %jit3A = arith.constant 0.000000e+00 : f32
        %broadcast_in_dim3A_363 = vector.broadcast %jit3A : f32 to vector<16xf32>
        %select_n3A = arith.select %and3A, %abs3A, %broadcast_in_dim3A_363 : vector<16xi1>, vector<16xf32>
        %add3A_364 = arith.addf %scan3A_321, %select_n3A : vector<16xf32>
        %jit3A_365 = arith.constant 1.000000e+00 : f32
        %jit3A_366 = arith.constant 0.000000e+00 : f32
        %broadcast_in_dim3A_367 = vector.broadcast %jit3A_365 : f32 to vector<16xf32>
        %broadcast_in_dim3A_368 = vector.broadcast %jit3A_366 : f32 to vector<16xf32>
        %select_n3A_369 = arith.select %and3A, %broadcast_in_dim3A_367, %broadcast_in_dim3A_368 : vector<16xi1>, vector<16xf32>
        %add3A_370 = arith.addf %scan3A_322, %select_n3A_369 : vector<16xf32>
        %sub3A_371 = arith.subf %get3A_332, %get3A_346 : vector<16xf32>
        %abs3A_372 = math.absf %sub3A_371 : vector<16xf32>
        %jit3A_373 = arith.constant 0.000000e+00 : f32
        %broadcast_in_dim3A_374 = vector.broadcast %jit3A_373 : f32 to vector<16xf32>
        %select_n3A_375 = arith.select %and3A_362, %abs3A_372, %broadcast_in_dim3A_374 : vector<16xi1>, vector<16xf32>
        %add3A_376 = arith.addf %scan3A_323, %select_n3A_375 : vector<16xf32>
        %jit3A_377 = arith.constant 1.000000e+00 : f32
        %jit3A_378 = arith.constant 0.000000e+00 : f32
        %broadcast_in_dim3A_379 = vector.broadcast %jit3A_377 : f32 to vector<16xf32>
        %broadcast_in_dim3A_380 = vector.broadcast %jit3A_378 : f32 to vector<16xf32>
        %select_n3A_381 = arith.select %and3A_362, %broadcast_in_dim3A_379, %broadcast_in_dim3A_380 : vector<16xi1>, vector<16xf32>
        %add3A_382 = arith.addf %scan3A_324, %select_n3A_381 : vector<16xf32>
        %get3A_383 = arith.constant 1 : i32
        %get3A_384 = arith.constant 1 : i32
        %get3A_385 = arith.index_cast %get3A_383 : i32 to index
        %get3A_386 = arith.index_cast %get3A_384 : i32 to index
        %get3A_387 = arith.index_cast %mul3A_326 : i32 to index
        %get3A_388 = tpu.vector_load %arg7[%get3A_385, %get3A_386, %get3A_387] {strides = array<i32>} : memref<2x16x512xf32, #tpu.memory_space<vmem>>, vector<1x1x16xf32>,
        %get3A_389 = vector.shape_cast %get3A_388 : vector<1x1x16xf32> to vector<16xf32>
        %get3A_390 = arith.constant 1 : i32
        %get3A_391 = arith.constant 1 : i32
        %get3A_392 = arith.index_cast %get3A_390 : i32 to index
        %get3A_393 = arith.index_cast %get3A_391 : i32 to index
        %get3A_394 = arith.index_cast %mul3A_326 : i32 to index
        %get3A_395 = tpu.vector_load %arg8[%get3A_392, %get3A_393, %get3A_394] {strides = array<i32>} : memref<2x16x512xf32, #tpu.memory_space<vmem>>, vector<1x1x16xf32>,
        %get3A_396 = vector.shape_cast %get3A_395 : vector<1x1x16xf32> to vector<16xf32>
        %get3A_397 = arith.constant 1 : i32
        %get3A_398 = arith.constant 1 : i32
        %get3A_399 = arith.index_cast %get3A_397 : i32 to index
        %get3A_400 = arith.index_cast %get3A_398 : i32 to index
        %get3A_401 = arith.index_cast %mul3A_326 : i32 to index
        %get3A_402 = tpu.vector_load %arg9[%get3A_399, %get3A_400, %get3A_401] {strides = array<i32>} : memref<2x16x512xf32, #tpu.memory_space<vmem>>, vector<1x1x16xf32>,
        %get3A_403 = vector.shape_cast %get3A_402 : vector<1x1x16xf32> to vector<16xf32>
        %get3A_404 = arith.constant 1 : i32
        %get3A_405 = arith.constant 1 : i32
        %get3A_406 = arith.index_cast %get3A_404 : i32 to index
        %get3A_407 = arith.index_cast %get3A_405 : i32 to index
        %get3A_408 = arith.index_cast %mul3A_326 : i32 to index
        %get3A_409 = tpu.vector_load %arg10[%get3A_406, %get3A_407, %get3A_408] {strides = array<i32>} : memref<2x16x512xi32, #tpu.memory_space<vmem>>, vector<1x1x16xi32>,
        %get3A_410 = vector.shape_cast %get3A_409 : vector<1x1x16xi32> to vector<16xi32>
        %gt3A_411 = arith.constant 0 : i32
        %gt3A_412 = vector.broadcast %gt3A_411 : i32 to vector<16xi32>
        %gt3A_413 = arith.cmpi sgt, %get3A_410, %gt3A_412 : vector<16xi32>
        %gt3A_414 = arith.constant 0.000000e+00 : f32
        %gt3A_415 = vector.broadcast %gt3A_414 : f32 to vector<16xf32>
        %gt3A_416 = arith.cmpf ogt, %get3A_396, %gt3A_415 : vector<16xf32>
        %and3A_417 = arith.andi %gt3A_413, %gt3A_416 : vector<16xi1>
        %gt3A_418 = arith.constant 0.000000e+00 : f32
        %gt3A_419 = vector.broadcast %gt3A_418 : f32 to vector<16xf32>
        %gt3A_420 = arith.cmpf ogt, %get3A_403, %gt3A_419 : vector<16xf32>
        %and3A_421 = arith.andi %gt3A_413, %gt3A_420 : vector<16xi1>
        %sub3A_422 = arith.subf %get3A_389, %get3A_396 : vector<16xf32>
        %abs3A_423 = math.absf %sub3A_422 : vector<16xf32>
        %jit3A_424 = arith.constant 0.000000e+00 : f32
        %broadcast_in_dim3A_425 = vector.broadcast %jit3A_424 : f32 to vector<16xf32>
        %select_n3A_426 = arith.select %and3A_417, %abs3A_423, %broadcast_in_dim3A_425 : vector<16xi1>, vector<16xf32>
        %add3A_427 = arith.addf %add3A_364, %select_n3A_426 : vector<16xf32>
        %jit3A_428 = arith.constant 1.000000e+00 : f32
        %jit3A_429 = arith.constant 0.000000e+00 : f32
        %broadcast_in_dim3A_430 = vector.broadcast %jit3A_428 : f32 to vector<16xf32>
        %broadcast_in_dim3A_431 = vector.broadcast %jit3A_429 : f32 to vector<16xf32>
        %select_n3A_432 = arith.select %and3A_417, %broadcast_in_dim3A_430, %broadcast_in_dim3A_431 : vector<16xi1>, vector<16xf32>
        %add3A_433 = arith.addf %add3A_370, %select_n3A_432 : vector<16xf32>
        %sub3A_434 = arith.subf %get3A_389, %get3A_403 : vector<16xf32>
        %abs3A_435 = math.absf %sub3A_434 : vector<16xf32>
        %jit3A_436 = arith.constant 0.000000e+00 : f32
        %broadcast_in_dim3A_437 = vector.broadcast %jit3A_436 : f32 to vector<16xf32>
        %select_n3A_438 = arith.select %and3A_421, %abs3A_435, %broadcast_in_dim3A_437 : vector<16xi1>, vector<16xf32>
        %add3A_439 = arith.addf %add3A_376, %select_n3A_438 : vector<16xf32>
        %jit3A_440 = arith.constant 1.000000e+00 : f32
        %jit3A_441 = arith.constant 0.000000e+00 : f32
        %broadcast_in_dim3A_442 = vector.broadcast %jit3A_440 : f32 to vector<16xf32>
        %broadcast_in_dim3A_443 = vector.broadcast %jit3A_441 : f32 to vector<16xf32>
        %select_n3A_444 = arith.select %and3A_421, %broadcast_in_dim3A_442, %broadcast_in_dim3A_443 : vector<16xi1>, vector<16xf32>
        %add3A_445 = arith.addf %add3A_382, %select_n3A_444 : vector<16xf32>
        %get3A_446 = arith.constant 1 : i32
        %get3A_447 = arith.constant 2 : i32
        %get3A_448 = arith.index_cast %get3A_446 : i32 to index
        %get3A_449 = arith.index_cast %get3A_447 : i32 to index
        %get3A_450 = arith.index_cast %mul3A_326 : i32 to index
        %get3A_451 = tpu.vector_load %arg7[%get3A_448, %get3A_449, %get3A_450] {strides = array<i32>} : memref<2x16x512xf32, #tpu.memory_space<vmem>>, vector<1x1x16xf32>,
        %get3A_452 = vector.shape_cast %get3A_451 : vector<1x1x16xf32> to vector<16xf32>
        %get3A_453 = arith.constant 1 : i32
        %get3A_454 = arith.constant 2 : i32
        %get3A_455 = arith.index_cast %get3A_453 : i32 to index
        %get3A_456 = arith.index_cast %get3A_454 : i32 to index
        %get3A_457 = arith.index_cast %mul3A_326 : i32 to index
        %get3A_458 = tpu.vector_load %arg8[%get3A_455, %get3A_456, %get3A_457] {strides = array<i32>} : memref<2x16x512xf32, #tpu.memory_space<vmem>>, vector<1x1x16xf32>,
        %get3A_459 = vector.shape_cast %get3A_458 : vector<1x1x16xf32> to vector<16xf32>
        %get3A_460 = arith.constant 1 : i32
        %get3A_461 = arith.constant 2 : i32
        %get3A_462 = arith.index_cast %get3A_460 : i32 to index
        %get3A_463 = arith.index_cast %get3A_461 : i32 to index
        %get3A_464 = arith.index_cast %mul3A_326 : i32 to index
        %get3A_465 = tpu.vector_load %arg9[%get3A_462, %get3A_463, %get3A_464] {strides = array<i32>} : memref<2x16x512xf32, #tpu.memory_space<vmem>>, vector<1x1x16xf32>,
        %get3A_466 = vector.shape_cast %get3A_465 : vector<1x1x16xf32> to vector<16xf32>
        %get3A_467 = arith.constant 1 : i32
        %get3A_468 = arith.constant 2 : i32
        %get3A_469 = arith.index_cast %get3A_467 : i32 to index
        %get3A_470 = arith.index_cast %get3A_468 : i32 to index
        %get3A_471 = arith.index_cast %mul3A_326 : i32 to index
        %get3A_472 = tpu.vector_load %arg10[%get3A_469, %get3A_470, %get3A_471] {strides = array<i32>} : memref<2x16x512xi32, #tpu.memory_space<vmem>>, vector<1x1x16xi32>,
        %get3A_473 = vector.shape_cast %get3A_472 : vector<1x1x16xi32> to vector<16xi32>
        %gt3A_474 = arith.constant 0 : i32
        %gt3A_475 = vector.broadcast %gt3A_474 : i32 to vector<16xi32>
        %gt3A_476 = arith.cmpi sgt, %get3A_473, %gt3A_475 : vector<16xi32>
        %gt3A_477 = arith.constant 0.000000e+00 : f32
        %gt3A_478 = vector.broadcast %gt3A_477 : f32 to vector<16xf32>
        %gt3A_479 = arith.cmpf ogt, %get3A_459, %gt3A_478 : vector<16xf32>
        %and3A_480 = arith.andi %gt3A_476, %gt3A_479 : vector<16xi1>
        %gt3A_481 = arith.constant 0.000000e+00 : f32
        %gt3A_482 = vector.broadcast %gt3A_481 : f32 to vector<16xf32>
        %gt3A_483 = arith.cmpf ogt, %get3A_466, %gt3A_482 : vector<16xf32>
        %and3A_484 = arith.andi %gt3A_476, %gt3A_483 : vector<16xi1>
        %sub3A_485 = arith.subf %get3A_452, %get3A_459 : vector<16xf32>
        %abs3A_486 = math.absf %sub3A_485 : vector<16xf32>
        %jit3A_487 = arith.constant 0.000000e+00 : f32
        %broadcast_in_dim3A_488 = vector.broadcast %jit3A_487 : f32 to vector<16xf32>
        %select_n3A_489 = arith.select %and3A_480, %abs3A_486, %broadcast_in_dim3A_488 : vector<16xi1>, vector<16xf32>
        %add3A_490 = arith.addf %add3A_427, %select_n3A_489 : vector<16xf32>
        %jit3A_491 = arith.constant 1.000000e+00 : f32
        %jit3A_492 = arith.constant 0.000000e+00 : f32
        %broadcast_in_dim3A_493 = vector.broadcast %jit3A_491 : f32 to vector<16xf32>
        %broadcast_in_dim3A_494 = vector.broadcast %jit3A_492 : f32 to vector<16xf32>
        %select_n3A_495 = arith.select %and3A_480, %broadcast_in_dim3A_493, %broadcast_in_dim3A_494 : vector<16xi1>, vector<16xf32>
        %add3A_496 = arith.addf %add3A_433, %select_n3A_495 : vector<16xf32>
        %sub3A_497 = arith.subf %get3A_452, %get3A_466 : vector<16xf32>
        %abs3A_498 = math.absf %sub3A_497 : vector<16xf32>
        %jit3A_499 = arith.constant 0.000000e+00 : f32
        %broadcast_in_dim3A_500 = vector.broadcast %jit3A_499 : f32 to vector<16xf32>
        %select_n3A_501 = arith.select %and3A_484, %abs3A_498, %broadcast_in_dim3A_500 : vector<16xi1>, vector<16xf32>
        %add3A_502 = arith.addf %add3A_439, %select_n3A_501 : vector<16xf32>
        %jit3A_503 = arith.constant 1.000000e+00 : f32
        %jit3A_504 = arith.constant 0.000000e+00 : f32
        %broadcast_in_dim3A_505 = vector.broadcast %jit3A_503 : f32 to vector<16xf32>
        %broadcast_in_dim3A_506 = vector.broadcast %jit3A_504 : f32 to vector<16xf32>
        %select_n3A_507 = arith.select %and3A_484, %broadcast_in_dim3A_505, %broadcast_in_dim3A_506 : vector<16xi1>, vector<16xf32>
        %add3A_508 = arith.addf %add3A_445, %select_n3A_507 : vector<16xf32>
        %get3A_509 = arith.constant 1 : i32
        %get3A_510 = arith.constant 3 : i32
        %get3A_511 = arith.index_cast %get3A_509 : i32 to index
        %get3A_512 = arith.index_cast %get3A_510 : i32 to index
        %get3A_513 = arith.index_cast %mul3A_326 : i32 to index
        %get3A_514 = tpu.vector_load %arg7[%get3A_511, %get3A_512, %get3A_513] {strides = array<i32>} : memref<2x16x512xf32, #tpu.memory_space<vmem>>, vector<1x1x16xf32>,
        %get3A_515 = vector.shape_cast %get3A_514 : vector<1x1x16xf32> to vector<16xf32>
        %get3A_516 = arith.constant 1 : i32
        %get3A_517 = arith.constant 3 : i32
        %get3A_518 = arith.index_cast %get3A_516 : i32 to index
        %get3A_519 = arith.index_cast %get3A_517 : i32 to index
        %get3A_520 = arith.index_cast %mul3A_326 : i32 to index
        %get3A_521 = tpu.vector_load %arg8[%get3A_518, %get3A_519, %get3A_520] {strides = array<i32>} : memref<2x16x512xf32, #tpu.memory_space<vmem>>, vector<1x1x16xf32>,
        %get3A_522 = vector.shape_cast %get3A_521 : vector<1x1x16xf32> to vector<16xf32>
        %get3A_523 = arith.constant 1 : i32
        %get3A_524 = arith.constant 3 : i32
        %get3A_525 = arith.index_cast %get3A_523 : i32 to index
        %get3A_526 = arith.index_cast %get3A_524 : i32 to index
        %get3A_527 = arith.index_cast %mul3A_326 : i32 to index
        %get3A_528 = tpu.vector_load %arg9[%get3A_525, %get3A_526, %get3A_527] {strides = array<i32>} : memref<2x16x512xf32, #tpu.memory_space<vmem>>, vector<1x1x16xf32>,
        %get3A_529 = vector.shape_cast %get3A_528 : vector<1x1x16xf32> to vector<16xf32>
        %get3A_530 = arith.constant 1 : i32
        %get3A_531 = arith.constant 3 : i32
        %get3A_532 = arith.index_cast %get3A_530 : i32 to index
        %get3A_533 = arith.index_cast %get3A_531 : i32 to index
        %get3A_534 = arith.index_cast %mul3A_326 : i32 to index
        %get3A_535 = tpu.vector_load %arg10[%get3A_532, %get3A_533, %get3A_534] {strides = array<i32>} : memref<2x16x512xi32, #tpu.memory_space<vmem>>, vector<1x1x16xi32>,
        %get3A_536 = vector.shape_cast %get3A_535 : vector<1x1x16xi32> to vector<16xi32>
        %gt3A_537 = arith.constant 0 : i32
        %gt3A_538 = vector.broadcast %gt3A_537 : i32 to vector<16xi32>
        %gt3A_539 = arith.cmpi sgt, %get3A_536, %gt3A_538 : vector<16xi32>
        %gt3A_540 = arith.constant 0.000000e+00 : f32
        %gt3A_541 = vector.broadcast %gt3A_540 : f32 to vector<16xf32>
        %gt3A_542 = arith.cmpf ogt, %get3A_522, %gt3A_541 : vector<16xf32>
        %and3A_543 = arith.andi %gt3A_539, %gt3A_542 : vector<16xi1>
        %gt3A_544 = arith.constant 0.000000e+00 : f32
        %gt3A_545 = vector.broadcast %gt3A_544 : f32 to vector<16xf32>
        %gt3A_546 = arith.cmpf ogt, %get3A_529, %gt3A_545 : vector<16xf32>
        %and3A_547 = arith.andi %gt3A_539, %gt3A_546 : vector<16xi1>
        %sub3A_548 = arith.subf %get3A_515, %get3A_522 : vector<16xf32>
        %abs3A_549 = math.absf %sub3A_548 : vector<16xf32>
        %jit3A_550 = arith.constant 0.000000e+00 : f32
        %broadcast_in_dim3A_551 = vector.broadcast %jit3A_550 : f32 to vector<16xf32>
        %select_n3A_552 = arith.select %and3A_543, %abs3A_549, %broadcast_in_dim3A_551 : vector<16xi1>, vector<16xf32>
        %add3A_553 = arith.addf %add3A_490, %select_n3A_552 : vector<16xf32>
        %jit3A_554 = arith.constant 1.000000e+00 : f32
        %jit3A_555 = arith.constant 0.000000e+00 : f32
        %broadcast_in_dim3A_556 = vector.broadcast %jit3A_554 : f32 to vector<16xf32>
        %broadcast_in_dim3A_557 = vector.broadcast %jit3A_555 : f32 to vector<16xf32>
        %select_n3A_558 = arith.select %and3A_543, %broadcast_in_dim3A_556, %broadcast_in_dim3A_557 : vector<16xi1>, vector<16xf32>
        %add3A_559 = arith.addf %add3A_496, %select_n3A_558 : vector<16xf32>
        %sub3A_560 = arith.subf %get3A_515, %get3A_529 : vector<16xf32>
        %abs3A_561 = math.absf %sub3A_560 : vector<16xf32>
        %jit3A_562 = arith.constant 0.000000e+00 : f32
        %broadcast_in_dim3A_563 = vector.broadcast %jit3A_562 : f32 to vector<16xf32>
        %select_n3A_564 = arith.select %and3A_547, %abs3A_561, %broadcast_in_dim3A_563 : vector<16xi1>, vector<16xf32>
        %add3A_565 = arith.addf %add3A_502, %select_n3A_564 : vector<16xf32>
        %jit3A_566 = arith.constant 1.000000e+00 : f32
        %jit3A_567 = arith.constant 0.000000e+00 : f32
        %broadcast_in_dim3A_568 = vector.broadcast %jit3A_566 : f32 to vector<16xf32>
        %broadcast_in_dim3A_569 = vector.broadcast %jit3A_567 : f32 to vector<16xf32>
        %select_n3A_570 = arith.select %and3A_547, %broadcast_in_dim3A_568, %broadcast_in_dim3A_569 : vector<16xi1>, vector<16xf32>
        %add3A_571 = arith.addf %add3A_508, %select_n3A_570 : vector<16xf32>
        scf.yield %add3A_553, %add3A_559, %add3A_565, %add3A_571 : vector<16xf32>, vector<16xf32>, vector<16xf32>, vector<16xf32>
      }
      %scan3A_301 = arith.constant 32 : i32
      %scan3A_302 = arith.constant 0 : i32
      %scan3A_303 = arith.constant 32 : i32
      %scan3A_304 = arith.addi %scan3A_302, %scan3A_303 : i32
      %scan3A_305 = arith.constant 1 : i32
      %scan3A_306:4 = scf.for %scan3A_320 = %scan3A_302 to %scan3A_304 step %scan3A_305 iter_args(%scan3A_321 = %scan3A_300#0, %scan3A_322 = %scan3A_300#1, %scan3A_323 = %scan3A_300#2, %scan3A_324 = %scan3A_300#3) -> (vector<16xf32>, vector<16xf32>, vector<16xf32>, vector<16xf32>)  : i32 {
        %mul3A_325 = arith.constant 16 : i32
        %mul3A_326 = arith.muli %scan3A_320, %mul3A_325 : i32
        %get3A = arith.constant 1 : i32
        %get3A_327 = arith.constant 4 : i32
        %get3A_328 = arith.index_cast %get3A : i32 to index
        %get3A_329 = arith.index_cast %get3A_327 : i32 to index
        %get3A_330 = arith.index_cast %mul3A_326 : i32 to index
        %get3A_331 = tpu.vector_load %arg7[%get3A_328, %get3A_329, %get3A_330] {strides = array<i32>} : memref<2x16x512xf32, #tpu.memory_space<vmem>>, vector<1x1x16xf32>,
        %get3A_332 = vector.shape_cast %get3A_331 : vector<1x1x16xf32> to vector<16xf32>
        %get3A_333 = arith.constant 1 : i32
        %get3A_334 = arith.constant 4 : i32
        %get3A_335 = arith.index_cast %get3A_333 : i32 to index
        %get3A_336 = arith.index_cast %get3A_334 : i32 to index
        %get3A_337 = arith.index_cast %mul3A_326 : i32 to index
        %get3A_338 = tpu.vector_load %arg8[%get3A_335, %get3A_336, %get3A_337] {strides = array<i32>} : memref<2x16x512xf32, #tpu.memory_space<vmem>>, vector<1x1x16xf32>,
        %get3A_339 = vector.shape_cast %get3A_338 : vector<1x1x16xf32> to vector<16xf32>
        %get3A_340 = arith.constant 1 : i32
        %get3A_341 = arith.constant 4 : i32
        %get3A_342 = arith.index_cast %get3A_340 : i32 to index
        %get3A_343 = arith.index_cast %get3A_341 : i32 to index
        %get3A_344 = arith.index_cast %mul3A_326 : i32 to index
        %get3A_345 = tpu.vector_load %arg9[%get3A_342, %get3A_343, %get3A_344] {strides = array<i32>} : memref<2x16x512xf32, #tpu.memory_space<vmem>>, vector<1x1x16xf32>,
        %get3A_346 = vector.shape_cast %get3A_345 : vector<1x1x16xf32> to vector<16xf32>
        %get3A_347 = arith.constant 1 : i32
        %get3A_348 = arith.constant 4 : i32
        %get3A_349 = arith.index_cast %get3A_347 : i32 to index
        %get3A_350 = arith.index_cast %get3A_348 : i32 to index
        %get3A_351 = arith.index_cast %mul3A_326 : i32 to index
        %get3A_352 = tpu.vector_load %arg10[%get3A_349, %get3A_350, %get3A_351] {strides = array<i32>} : memref<2x16x512xi32, #tpu.memory_space<vmem>>, vector<1x1x16xi32>,
        %get3A_353 = vector.shape_cast %get3A_352 : vector<1x1x16xi32> to vector<16xi32>
        %gt3A = arith.constant 0 : i32
        %gt3A_354 = vector.broadcast %gt3A : i32 to vector<16xi32>
        %gt3A_355 = arith.cmpi sgt, %get3A_353, %gt3A_354 : vector<16xi32>
        %gt3A_356 = arith.constant 0.000000e+00 : f32
        %gt3A_357 = vector.broadcast %gt3A_356 : f32 to vector<16xf32>
        %gt3A_358 = arith.cmpf ogt, %get3A_339, %gt3A_357 : vector<16xf32>
        %and3A = arith.andi %gt3A_355, %gt3A_358 : vector<16xi1>
        %gt3A_359 = arith.constant 0.000000e+00 : f32
        %gt3A_360 = vector.broadcast %gt3A_359 : f32 to vector<16xf32>
        %gt3A_361 = arith.cmpf ogt, %get3A_346, %gt3A_360 : vector<16xf32>
        %and3A_362 = arith.andi %gt3A_355, %gt3A_361 : vector<16xi1>
        %sub3A = arith.subf %get3A_332, %get3A_339 : vector<16xf32>
        %abs3A = math.absf %sub3A : vector<16xf32>
        %jit3A = arith.constant 0.000000e+00 : f32
        %broadcast_in_dim3A_363 = vector.broadcast %jit3A : f32 to vector<16xf32>
        %select_n3A = arith.select %and3A, %abs3A, %broadcast_in_dim3A_363 : vector<16xi1>, vector<16xf32>
        %add3A_364 = arith.addf %scan3A_321, %select_n3A : vector<16xf32>
        %jit3A_365 = arith.constant 1.000000e+00 : f32
        %jit3A_366 = arith.constant 0.000000e+00 : f32
        %broadcast_in_dim3A_367 = vector.broadcast %jit3A_365 : f32 to vector<16xf32>
        %broadcast_in_dim3A_368 = vector.broadcast %jit3A_366 : f32 to vector<16xf32>
        %select_n3A_369 = arith.select %and3A, %broadcast_in_dim3A_367, %broadcast_in_dim3A_368 : vector<16xi1>, vector<16xf32>
        %add3A_370 = arith.addf %scan3A_322, %select_n3A_369 : vector<16xf32>
        %sub3A_371 = arith.subf %get3A_332, %get3A_346 : vector<16xf32>
        %abs3A_372 = math.absf %sub3A_371 : vector<16xf32>
        %jit3A_373 = arith.constant 0.000000e+00 : f32
        %broadcast_in_dim3A_374 = vector.broadcast %jit3A_373 : f32 to vector<16xf32>
        %select_n3A_375 = arith.select %and3A_362, %abs3A_372, %broadcast_in_dim3A_374 : vector<16xi1>, vector<16xf32>
        %add3A_376 = arith.addf %scan3A_323, %select_n3A_375 : vector<16xf32>
        %jit3A_377 = arith.constant 1.000000e+00 : f32
        %jit3A_378 = arith.constant 0.000000e+00 : f32
        %broadcast_in_dim3A_379 = vector.broadcast %jit3A_377 : f32 to vector<16xf32>
        %broadcast_in_dim3A_380 = vector.broadcast %jit3A_378 : f32 to vector<16xf32>
        %select_n3A_381 = arith.select %and3A_362, %broadcast_in_dim3A_379, %broadcast_in_dim3A_380 : vector<16xi1>, vector<16xf32>
        %add3A_382 = arith.addf %scan3A_324, %select_n3A_381 : vector<16xf32>
        %get3A_383 = arith.constant 1 : i32
        %get3A_384 = arith.constant 5 : i32
        %get3A_385 = arith.index_cast %get3A_383 : i32 to index
        %get3A_386 = arith.index_cast %get3A_384 : i32 to index
        %get3A_387 = arith.index_cast %mul3A_326 : i32 to index
        %get3A_388 = tpu.vector_load %arg7[%get3A_385, %get3A_386, %get3A_387] {strides = array<i32>} : memref<2x16x512xf32, #tpu.memory_space<vmem>>, vector<1x1x16xf32>,
        %get3A_389 = vector.shape_cast %get3A_388 : vector<1x1x16xf32> to vector<16xf32>
        %get3A_390 = arith.constant 1 : i32
        %get3A_391 = arith.constant 5 : i32
        %get3A_392 = arith.index_cast %get3A_390 : i32 to index
        %get3A_393 = arith.index_cast %get3A_391 : i32 to index
        %get3A_394 = arith.index_cast %mul3A_326 : i32 to index
        %get3A_395 = tpu.vector_load %arg8[%get3A_392, %get3A_393, %get3A_394] {strides = array<i32>} : memref<2x16x512xf32, #tpu.memory_space<vmem>>, vector<1x1x16xf32>,
        %get3A_396 = vector.shape_cast %get3A_395 : vector<1x1x16xf32> to vector<16xf32>
        %get3A_397 = arith.constant 1 : i32
        %get3A_398 = arith.constant 5 : i32
        %get3A_399 = arith.index_cast %get3A_397 : i32 to index
        %get3A_400 = arith.index_cast %get3A_398 : i32 to index
        %get3A_401 = arith.index_cast %mul3A_326 : i32 to index
        %get3A_402 = tpu.vector_load %arg9[%get3A_399, %get3A_400, %get3A_401] {strides = array<i32>} : memref<2x16x512xf32, #tpu.memory_space<vmem>>, vector<1x1x16xf32>,
        %get3A_403 = vector.shape_cast %get3A_402 : vector<1x1x16xf32> to vector<16xf32>
        %get3A_404 = arith.constant 1 : i32
        %get3A_405 = arith.constant 5 : i32
        %get3A_406 = arith.index_cast %get3A_404 : i32 to index
        %get3A_407 = arith.index_cast %get3A_405 : i32 to index
        %get3A_408 = arith.index_cast %mul3A_326 : i32 to index
        %get3A_409 = tpu.vector_load %arg10[%get3A_406, %get3A_407, %get3A_408] {strides = array<i32>} : memref<2x16x512xi32, #tpu.memory_space<vmem>>, vector<1x1x16xi32>,
        %get3A_410 = vector.shape_cast %get3A_409 : vector<1x1x16xi32> to vector<16xi32>
        %gt3A_411 = arith.constant 0 : i32
        %gt3A_412 = vector.broadcast %gt3A_411 : i32 to vector<16xi32>
        %gt3A_413 = arith.cmpi sgt, %get3A_410, %gt3A_412 : vector<16xi32>
        %gt3A_414 = arith.constant 0.000000e+00 : f32
        %gt3A_415 = vector.broadcast %gt3A_414 : f32 to vector<16xf32>
        %gt3A_416 = arith.cmpf ogt, %get3A_396, %gt3A_415 : vector<16xf32>
        %and3A_417 = arith.andi %gt3A_413, %gt3A_416 : vector<16xi1>
        %gt3A_418 = arith.constant 0.000000e+00 : f32
        %gt3A_419 = vector.broadcast %gt3A_418 : f32 to vector<16xf32>
        %gt3A_420 = arith.cmpf ogt, %get3A_403, %gt3A_419 : vector<16xf32>
        %and3A_421 = arith.andi %gt3A_413, %gt3A_420 : vector<16xi1>
        %sub3A_422 = arith.subf %get3A_389, %get3A_396 : vector<16xf32>
        %abs3A_423 = math.absf %sub3A_422 : vector<16xf32>
        %jit3A_424 = arith.constant 0.000000e+00 : f32
        %broadcast_in_dim3A_425 = vector.broadcast %jit3A_424 : f32 to vector<16xf32>
        %select_n3A_426 = arith.select %and3A_417, %abs3A_423, %broadcast_in_dim3A_425 : vector<16xi1>, vector<16xf32>
        %add3A_427 = arith.addf %add3A_364, %select_n3A_426 : vector<16xf32>
        %jit3A_428 = arith.constant 1.000000e+00 : f32
        %jit3A_429 = arith.constant 0.000000e+00 : f32
        %broadcast_in_dim3A_430 = vector.broadcast %jit3A_428 : f32 to vector<16xf32>
        %broadcast_in_dim3A_431 = vector.broadcast %jit3A_429 : f32 to vector<16xf32>
        %select_n3A_432 = arith.select %and3A_417, %broadcast_in_dim3A_430, %broadcast_in_dim3A_431 : vector<16xi1>, vector<16xf32>
        %add3A_433 = arith.addf %add3A_370, %select_n3A_432 : vector<16xf32>
        %sub3A_434 = arith.subf %get3A_389, %get3A_403 : vector<16xf32>
        %abs3A_435 = math.absf %sub3A_434 : vector<16xf32>
        %jit3A_436 = arith.constant 0.000000e+00 : f32
        %broadcast_in_dim3A_437 = vector.broadcast %jit3A_436 : f32 to vector<16xf32>
        %select_n3A_438 = arith.select %and3A_421, %abs3A_435, %broadcast_in_dim3A_437 : vector<16xi1>, vector<16xf32>
        %add3A_439 = arith.addf %add3A_376, %select_n3A_438 : vector<16xf32>
        %jit3A_440 = arith.constant 1.000000e+00 : f32
        %jit3A_441 = arith.constant 0.000000e+00 : f32
        %broadcast_in_dim3A_442 = vector.broadcast %jit3A_440 : f32 to vector<16xf32>
        %broadcast_in_dim3A_443 = vector.broadcast %jit3A_441 : f32 to vector<16xf32>
        %select_n3A_444 = arith.select %and3A_421, %broadcast_in_dim3A_442, %broadcast_in_dim3A_443 : vector<16xi1>, vector<16xf32>
        %add3A_445 = arith.addf %add3A_382, %select_n3A_444 : vector<16xf32>
        %get3A_446 = arith.constant 1 : i32
        %get3A_447 = arith.constant 6 : i32
        %get3A_448 = arith.index_cast %get3A_446 : i32 to index
        %get3A_449 = arith.index_cast %get3A_447 : i32 to index
        %get3A_450 = arith.index_cast %mul3A_326 : i32 to index
        %get3A_451 = tpu.vector_load %arg7[%get3A_448, %get3A_449, %get3A_450] {strides = array<i32>} : memref<2x16x512xf32, #tpu.memory_space<vmem>>, vector<1x1x16xf32>,
        %get3A_452 = vector.shape_cast %get3A_451 : vector<1x1x16xf32> to vector<16xf32>
        %get3A_453 = arith.constant 1 : i32
        %get3A_454 = arith.constant 6 : i32
        %get3A_455 = arith.index_cast %get3A_453 : i32 to index
        %get3A_456 = arith.index_cast %get3A_454 : i32 to index
        %get3A_457 = arith.index_cast %mul3A_326 : i32 to index
        %get3A_458 = tpu.vector_load %arg8[%get3A_455, %get3A_456, %get3A_457] {strides = array<i32>} : memref<2x16x512xf32, #tpu.memory_space<vmem>>, vector<1x1x16xf32>,
        %get3A_459 = vector.shape_cast %get3A_458 : vector<1x1x16xf32> to vector<16xf32>
        %get3A_460 = arith.constant 1 : i32
        %get3A_461 = arith.constant 6 : i32
        %get3A_462 = arith.index_cast %get3A_460 : i32 to index
        %get3A_463 = arith.index_cast %get3A_461 : i32 to index
        %get3A_464 = arith.index_cast %mul3A_326 : i32 to index
        %get3A_465 = tpu.vector_load %arg9[%get3A_462, %get3A_463, %get3A_464] {strides = array<i32>} : memref<2x16x512xf32, #tpu.memory_space<vmem>>, vector<1x1x16xf32>,
        %get3A_466 = vector.shape_cast %get3A_465 : vector<1x1x16xf32> to vector<16xf32>
        %get3A_467 = arith.constant 1 : i32
        %get3A_468 = arith.constant 6 : i32
        %get3A_469 = arith.index_cast %get3A_467 : i32 to index
        %get3A_470 = arith.index_cast %get3A_468 : i32 to index
        %get3A_471 = arith.index_cast %mul3A_326 : i32 to index
        %get3A_472 = tpu.vector_load %arg10[%get3A_469, %get3A_470, %get3A_471] {strides = array<i32>} : memref<2x16x512xi32, #tpu.memory_space<vmem>>, vector<1x1x16xi32>,
        %get3A_473 = vector.shape_cast %get3A_472 : vector<1x1x16xi32> to vector<16xi32>
        %gt3A_474 = arith.constant 0 : i32
        %gt3A_475 = vector.broadcast %gt3A_474 : i32 to vector<16xi32>
        %gt3A_476 = arith.cmpi sgt, %get3A_473, %gt3A_475 : vector<16xi32>
        %gt3A_477 = arith.constant 0.000000e+00 : f32
        %gt3A_478 = vector.broadcast %gt3A_477 : f32 to vector<16xf32>
        %gt3A_479 = arith.cmpf ogt, %get3A_459, %gt3A_478 : vector<16xf32>
        %and3A_480 = arith.andi %gt3A_476, %gt3A_479 : vector<16xi1>
        %gt3A_481 = arith.constant 0.000000e+00 : f32
        %gt3A_482 = vector.broadcast %gt3A_481 : f32 to vector<16xf32>
        %gt3A_483 = arith.cmpf ogt, %get3A_466, %gt3A_482 : vector<16xf32>
        %and3A_484 = arith.andi %gt3A_476, %gt3A_483 : vector<16xi1>
        %sub3A_485 = arith.subf %get3A_452, %get3A_459 : vector<16xf32>
        %abs3A_486 = math.absf %sub3A_485 : vector<16xf32>
        %jit3A_487 = arith.constant 0.000000e+00 : f32
        %broadcast_in_dim3A_488 = vector.broadcast %jit3A_487 : f32 to vector<16xf32>
        %select_n3A_489 = arith.select %and3A_480, %abs3A_486, %broadcast_in_dim3A_488 : vector<16xi1>, vector<16xf32>
        %add3A_490 = arith.addf %add3A_427, %select_n3A_489 : vector<16xf32>
        %jit3A_491 = arith.constant 1.000000e+00 : f32
        %jit3A_492 = arith.constant 0.000000e+00 : f32
        %broadcast_in_dim3A_493 = vector.broadcast %jit3A_491 : f32 to vector<16xf32>
        %broadcast_in_dim3A_494 = vector.broadcast %jit3A_492 : f32 to vector<16xf32>
        %select_n3A_495 = arith.select %and3A_480, %broadcast_in_dim3A_493, %broadcast_in_dim3A_494 : vector<16xi1>, vector<16xf32>
        %add3A_496 = arith.addf %add3A_433, %select_n3A_495 : vector<16xf32>
        %sub3A_497 = arith.subf %get3A_452, %get3A_466 : vector<16xf32>
        %abs3A_498 = math.absf %sub3A_497 : vector<16xf32>
        %jit3A_499 = arith.constant 0.000000e+00 : f32
        %broadcast_in_dim3A_500 = vector.broadcast %jit3A_499 : f32 to vector<16xf32>
        %select_n3A_501 = arith.select %and3A_484, %abs3A_498, %broadcast_in_dim3A_500 : vector<16xi1>, vector<16xf32>
        %add3A_502 = arith.addf %add3A_439, %select_n3A_501 : vector<16xf32>
        %jit3A_503 = arith.constant 1.000000e+00 : f32
        %jit3A_504 = arith.constant 0.000000e+00 : f32
        %broadcast_in_dim3A_505 = vector.broadcast %jit3A_503 : f32 to vector<16xf32>
        %broadcast_in_dim3A_506 = vector.broadcast %jit3A_504 : f32 to vector<16xf32>
        %select_n3A_507 = arith.select %and3A_484, %broadcast_in_dim3A_505, %broadcast_in_dim3A_506 : vector<16xi1>, vector<16xf32>
        %add3A_508 = arith.addf %add3A_445, %select_n3A_507 : vector<16xf32>
        %get3A_509 = arith.constant 1 : i32
        %get3A_510 = arith.constant 7 : i32
        %get3A_511 = arith.index_cast %get3A_509 : i32 to index
        %get3A_512 = arith.index_cast %get3A_510 : i32 to index
        %get3A_513 = arith.index_cast %mul3A_326 : i32 to index
        %get3A_514 = tpu.vector_load %arg7[%get3A_511, %get3A_512, %get3A_513] {strides = array<i32>} : memref<2x16x512xf32, #tpu.memory_space<vmem>>, vector<1x1x16xf32>,
        %get3A_515 = vector.shape_cast %get3A_514 : vector<1x1x16xf32> to vector<16xf32>
        %get3A_516 = arith.constant 1 : i32
        %get3A_517 = arith.constant 7 : i32
        %get3A_518 = arith.index_cast %get3A_516 : i32 to index
        %get3A_519 = arith.index_cast %get3A_517 : i32 to index
        %get3A_520 = arith.index_cast %mul3A_326 : i32 to index
        %get3A_521 = tpu.vector_load %arg8[%get3A_518, %get3A_519, %get3A_520] {strides = array<i32>} : memref<2x16x512xf32, #tpu.memory_space<vmem>>, vector<1x1x16xf32>,
        %get3A_522 = vector.shape_cast %get3A_521 : vector<1x1x16xf32> to vector<16xf32>
        %get3A_523 = arith.constant 1 : i32
        %get3A_524 = arith.constant 7 : i32
        %get3A_525 = arith.index_cast %get3A_523 : i32 to index
        %get3A_526 = arith.index_cast %get3A_524 : i32 to index
        %get3A_527 = arith.index_cast %mul3A_326 : i32 to index
        %get3A_528 = tpu.vector_load %arg9[%get3A_525, %get3A_526, %get3A_527] {strides = array<i32>} : memref<2x16x512xf32, #tpu.memory_space<vmem>>, vector<1x1x16xf32>,
        %get3A_529 = vector.shape_cast %get3A_528 : vector<1x1x16xf32> to vector<16xf32>
        %get3A_530 = arith.constant 1 : i32
        %get3A_531 = arith.constant 7 : i32
        %get3A_532 = arith.index_cast %get3A_530 : i32 to index
        %get3A_533 = arith.index_cast %get3A_531 : i32 to index
        %get3A_534 = arith.index_cast %mul3A_326 : i32 to index
        %get3A_535 = tpu.vector_load %arg10[%get3A_532, %get3A_533, %get3A_534] {strides = array<i32>} : memref<2x16x512xi32, #tpu.memory_space<vmem>>, vector<1x1x16xi32>,
        %get3A_536 = vector.shape_cast %get3A_535 : vector<1x1x16xi32> to vector<16xi32>
        %gt3A_537 = arith.constant 0 : i32
        %gt3A_538 = vector.broadcast %gt3A_537 : i32 to vector<16xi32>
        %gt3A_539 = arith.cmpi sgt, %get3A_536, %gt3A_538 : vector<16xi32>
        %gt3A_540 = arith.constant 0.000000e+00 : f32
        %gt3A_541 = vector.broadcast %gt3A_540 : f32 to vector<16xf32>
        %gt3A_542 = arith.cmpf ogt, %get3A_522, %gt3A_541 : vector<16xf32>
        %and3A_543 = arith.andi %gt3A_539, %gt3A_542 : vector<16xi1>
        %gt3A_544 = arith.constant 0.000000e+00 : f32
        %gt3A_545 = vector.broadcast %gt3A_544 : f32 to vector<16xf32>
        %gt3A_546 = arith.cmpf ogt, %get3A_529, %gt3A_545 : vector<16xf32>
        %and3A_547 = arith.andi %gt3A_539, %gt3A_546 : vector<16xi1>
        %sub3A_548 = arith.subf %get3A_515, %get3A_522 : vector<16xf32>
        %abs3A_549 = math.absf %sub3A_548 : vector<16xf32>
        %jit3A_550 = arith.constant 0.000000e+00 : f32
        %broadcast_in_dim3A_551 = vector.broadcast %jit3A_550 : f32 to vector<16xf32>
        %select_n3A_552 = arith.select %and3A_543, %abs3A_549, %broadcast_in_dim3A_551 : vector<16xi1>, vector<16xf32>
        %add3A_553 = arith.addf %add3A_490, %select_n3A_552 : vector<16xf32>
        %jit3A_554 = arith.constant 1.000000e+00 : f32
        %jit3A_555 = arith.constant 0.000000e+00 : f32
        %broadcast_in_dim3A_556 = vector.broadcast %jit3A_554 : f32 to vector<16xf32>
        %broadcast_in_dim3A_557 = vector.broadcast %jit3A_555 : f32 to vector<16xf32>
        %select_n3A_558 = arith.select %and3A_543, %broadcast_in_dim3A_556, %broadcast_in_dim3A_557 : vector<16xi1>, vector<16xf32>
        %add3A_559 = arith.addf %add3A_496, %select_n3A_558 : vector<16xf32>
        %sub3A_560 = arith.subf %get3A_515, %get3A_529 : vector<16xf32>
        %abs3A_561 = math.absf %sub3A_560 : vector<16xf32>
        %jit3A_562 = arith.constant 0.000000e+00 : f32
        %broadcast_in_dim3A_563 = vector.broadcast %jit3A_562 : f32 to vector<16xf32>
        %select_n3A_564 = arith.select %and3A_547, %abs3A_561, %broadcast_in_dim3A_563 : vector<16xi1>, vector<16xf32>
        %add3A_565 = arith.addf %add3A_502, %select_n3A_564 : vector<16xf32>
        %jit3A_566 = arith.constant 1.000000e+00 : f32
        %jit3A_567 = arith.constant 0.000000e+00 : f32
        %broadcast_in_dim3A_568 = vector.broadcast %jit3A_566 : f32 to vector<16xf32>
        %broadcast_in_dim3A_569 = vector.broadcast %jit3A_567 : f32 to vector<16xf32>
        %select_n3A_570 = arith.select %and3A_547, %broadcast_in_dim3A_568, %broadcast_in_dim3A_569 : vector<16xi1>, vector<16xf32>
        %add3A_571 = arith.addf %add3A_508, %select_n3A_570 : vector<16xf32>
        scf.yield %add3A_553, %add3A_559, %add3A_565, %add3A_571 : vector<16xf32>, vector<16xf32>, vector<16xf32>, vector<16xf32>
      }
      %scan3A_307 = arith.constant 32 : i32
      %scan3A_308 = arith.constant 0 : i32
      %scan3A_309 = arith.constant 32 : i32
      %scan3A_310 = arith.addi %scan3A_308, %scan3A_309 : i32
      %scan3A_311 = arith.constant 1 : i32
      %scan3A_312:4 = scf.for %scan3A_320 = %scan3A_308 to %scan3A_310 step %scan3A_311 iter_args(%scan3A_321 = %scan3A_306#0, %scan3A_322 = %scan3A_306#1, %scan3A_323 = %scan3A_306#2, %scan3A_324 = %scan3A_306#3) -> (vector<16xf32>, vector<16xf32>, vector<16xf32>, vector<16xf32>)  : i32 {
        %mul3A_325 = arith.constant 16 : i32
        %mul3A_326 = arith.muli %scan3A_320, %mul3A_325 : i32
        %get3A = arith.constant 1 : i32
        %get3A_327 = arith.constant 8 : i32
        %get3A_328 = arith.index_cast %get3A : i32 to index
        %get3A_329 = arith.index_cast %get3A_327 : i32 to index
        %get3A_330 = arith.index_cast %mul3A_326 : i32 to index
        %get3A_331 = tpu.vector_load %arg7[%get3A_328, %get3A_329, %get3A_330] {strides = array<i32>} : memref<2x16x512xf32, #tpu.memory_space<vmem>>, vector<1x1x16xf32>,
        %get3A_332 = vector.shape_cast %get3A_331 : vector<1x1x16xf32> to vector<16xf32>
        %get3A_333 = arith.constant 1 : i32
        %get3A_334 = arith.constant 8 : i32
        %get3A_335 = arith.index_cast %get3A_333 : i32 to index
        %get3A_336 = arith.index_cast %get3A_334 : i32 to index
        %get3A_337 = arith.index_cast %mul3A_326 : i32 to index
        %get3A_338 = tpu.vector_load %arg8[%get3A_335, %get3A_336, %get3A_337] {strides = array<i32>} : memref<2x16x512xf32, #tpu.memory_space<vmem>>, vector<1x1x16xf32>,
        %get3A_339 = vector.shape_cast %get3A_338 : vector<1x1x16xf32> to vector<16xf32>
        %get3A_340 = arith.constant 1 : i32
        %get3A_341 = arith.constant 8 : i32
        %get3A_342 = arith.index_cast %get3A_340 : i32 to index
        %get3A_343 = arith.index_cast %get3A_341 : i32 to index
        %get3A_344 = arith.index_cast %mul3A_326 : i32 to index
        %get3A_345 = tpu.vector_load %arg9[%get3A_342, %get3A_343, %get3A_344] {strides = array<i32>} : memref<2x16x512xf32, #tpu.memory_space<vmem>>, vector<1x1x16xf32>,
        %get3A_346 = vector.shape_cast %get3A_345 : vector<1x1x16xf32> to vector<16xf32>
        %get3A_347 = arith.constant 1 : i32
        %get3A_348 = arith.constant 8 : i32
        %get3A_349 = arith.index_cast %get3A_347 : i32 to index
        %get3A_350 = arith.index_cast %get3A_348 : i32 to index
        %get3A_351 = arith.index_cast %mul3A_326 : i32 to index
        %get3A_352 = tpu.vector_load %arg10[%get3A_349, %get3A_350, %get3A_351] {strides = array<i32>} : memref<2x16x512xi32, #tpu.memory_space<vmem>>, vector<1x1x16xi32>,
        %get3A_353 = vector.shape_cast %get3A_352 : vector<1x1x16xi32> to vector<16xi32>
        %gt3A = arith.constant 0 : i32
        %gt3A_354 = vector.broadcast %gt3A : i32 to vector<16xi32>
        %gt3A_355 = arith.cmpi sgt, %get3A_353, %gt3A_354 : vector<16xi32>
        %gt3A_356 = arith.constant 0.000000e+00 : f32
        %gt3A_357 = vector.broadcast %gt3A_356 : f32 to vector<16xf32>
        %gt3A_358 = arith.cmpf ogt, %get3A_339, %gt3A_357 : vector<16xf32>
        %and3A = arith.andi %gt3A_355, %gt3A_358 : vector<16xi1>
        %gt3A_359 = arith.constant 0.000000e+00 : f32
        %gt3A_360 = vector.broadcast %gt3A_359 : f32 to vector<16xf32>
        %gt3A_361 = arith.cmpf ogt, %get3A_346, %gt3A_360 : vector<16xf32>
        %and3A_362 = arith.andi %gt3A_355, %gt3A_361 : vector<16xi1>
        %sub3A = arith.subf %get3A_332, %get3A_339 : vector<16xf32>
        %abs3A = math.absf %sub3A : vector<16xf32>
        %jit3A = arith.constant 0.000000e+00 : f32
        %broadcast_in_dim3A_363 = vector.broadcast %jit3A : f32 to vector<16xf32>
        %select_n3A = arith.select %and3A, %abs3A, %broadcast_in_dim3A_363 : vector<16xi1>, vector<16xf32>
        %add3A_364 = arith.addf %scan3A_321, %select_n3A : vector<16xf32>
        %jit3A_365 = arith.constant 1.000000e+00 : f32
        %jit3A_366 = arith.constant 0.000000e+00 : f32
        %broadcast_in_dim3A_367 = vector.broadcast %jit3A_365 : f32 to vector<16xf32>
        %broadcast_in_dim3A_368 = vector.broadcast %jit3A_366 : f32 to vector<16xf32>
        %select_n3A_369 = arith.select %and3A, %broadcast_in_dim3A_367, %broadcast_in_dim3A_368 : vector<16xi1>, vector<16xf32>
        %add3A_370 = arith.addf %scan3A_322, %select_n3A_369 : vector<16xf32>
        %sub3A_371 = arith.subf %get3A_332, %get3A_346 : vector<16xf32>
        %abs3A_372 = math.absf %sub3A_371 : vector<16xf32>
        %jit3A_373 = arith.constant 0.000000e+00 : f32
        %broadcast_in_dim3A_374 = vector.broadcast %jit3A_373 : f32 to vector<16xf32>
        %select_n3A_375 = arith.select %and3A_362, %abs3A_372, %broadcast_in_dim3A_374 : vector<16xi1>, vector<16xf32>
        %add3A_376 = arith.addf %scan3A_323, %select_n3A_375 : vector<16xf32>
        %jit3A_377 = arith.constant 1.000000e+00 : f32
        %jit3A_378 = arith.constant 0.000000e+00 : f32
        %broadcast_in_dim3A_379 = vector.broadcast %jit3A_377 : f32 to vector<16xf32>
        %broadcast_in_dim3A_380 = vector.broadcast %jit3A_378 : f32 to vector<16xf32>
        %select_n3A_381 = arith.select %and3A_362, %broadcast_in_dim3A_379, %broadcast_in_dim3A_380 : vector<16xi1>, vector<16xf32>
        %add3A_382 = arith.addf %scan3A_324, %select_n3A_381 : vector<16xf32>
        %get3A_383 = arith.constant 1 : i32
        %get3A_384 = arith.constant 9 : i32
        %get3A_385 = arith.index_cast %get3A_383 : i32 to index
        %get3A_386 = arith.index_cast %get3A_384 : i32 to index
        %get3A_387 = arith.index_cast %mul3A_326 : i32 to index
        %get3A_388 = tpu.vector_load %arg7[%get3A_385, %get3A_386, %get3A_387] {strides = array<i32>} : memref<2x16x512xf32, #tpu.memory_space<vmem>>, vector<1x1x16xf32>,
        %get3A_389 = vector.shape_cast %get3A_388 : vector<1x1x16xf32> to vector<16xf32>
        %get3A_390 = arith.constant 1 : i32
        %get3A_391 = arith.constant 9 : i32
        %get3A_392 = arith.index_cast %get3A_390 : i32 to index
        %get3A_393 = arith.index_cast %get3A_391 : i32 to index
        %get3A_394 = arith.index_cast %mul3A_326 : i32 to index
        %get3A_395 = tpu.vector_load %arg8[%get3A_392, %get3A_393, %get3A_394] {strides = array<i32>} : memref<2x16x512xf32, #tpu.memory_space<vmem>>, vector<1x1x16xf32>,
        %get3A_396 = vector.shape_cast %get3A_395 : vector<1x1x16xf32> to vector<16xf32>
        %get3A_397 = arith.constant 1 : i32
        %get3A_398 = arith.constant 9 : i32
        %get3A_399 = arith.index_cast %get3A_397 : i32 to index
        %get3A_400 = arith.index_cast %get3A_398 : i32 to index
        %get3A_401 = arith.index_cast %mul3A_326 : i32 to index
        %get3A_402 = tpu.vector_load %arg9[%get3A_399, %get3A_400, %get3A_401] {strides = array<i32>} : memref<2x16x512xf32, #tpu.memory_space<vmem>>, vector<1x1x16xf32>,
        %get3A_403 = vector.shape_cast %get3A_402 : vector<1x1x16xf32> to vector<16xf32>
        %get3A_404 = arith.constant 1 : i32
        %get3A_405 = arith.constant 9 : i32
        %get3A_406 = arith.index_cast %get3A_404 : i32 to index
        %get3A_407 = arith.index_cast %get3A_405 : i32 to index
        %get3A_408 = arith.index_cast %mul3A_326 : i32 to index
        %get3A_409 = tpu.vector_load %arg10[%get3A_406, %get3A_407, %get3A_408] {strides = array<i32>} : memref<2x16x512xi32, #tpu.memory_space<vmem>>, vector<1x1x16xi32>,
        %get3A_410 = vector.shape_cast %get3A_409 : vector<1x1x16xi32> to vector<16xi32>
        %gt3A_411 = arith.constant 0 : i32
        %gt3A_412 = vector.broadcast %gt3A_411 : i32 to vector<16xi32>
        %gt3A_413 = arith.cmpi sgt, %get3A_410, %gt3A_412 : vector<16xi32>
        %gt3A_414 = arith.constant 0.000000e+00 : f32
        %gt3A_415 = vector.broadcast %gt3A_414 : f32 to vector<16xf32>
        %gt3A_416 = arith.cmpf ogt, %get3A_396, %gt3A_415 : vector<16xf32>
        %and3A_417 = arith.andi %gt3A_413, %gt3A_416 : vector<16xi1>
        %gt3A_418 = arith.constant 0.000000e+00 : f32
        %gt3A_419 = vector.broadcast %gt3A_418 : f32 to vector<16xf32>
        %gt3A_420 = arith.cmpf ogt, %get3A_403, %gt3A_419 : vector<16xf32>
        %and3A_421 = arith.andi %gt3A_413, %gt3A_420 : vector<16xi1>
        %sub3A_422 = arith.subf %get3A_389, %get3A_396 : vector<16xf32>
        %abs3A_423 = math.absf %sub3A_422 : vector<16xf32>
        %jit3A_424 = arith.constant 0.000000e+00 : f32
        %broadcast_in_dim3A_425 = vector.broadcast %jit3A_424 : f32 to vector<16xf32>
        %select_n3A_426 = arith.select %and3A_417, %abs3A_423, %broadcast_in_dim3A_425 : vector<16xi1>, vector<16xf32>
        %add3A_427 = arith.addf %add3A_364, %select_n3A_426 : vector<16xf32>
        %jit3A_428 = arith.constant 1.000000e+00 : f32
        %jit3A_429 = arith.constant 0.000000e+00 : f32
        %broadcast_in_dim3A_430 = vector.broadcast %jit3A_428 : f32 to vector<16xf32>
        %broadcast_in_dim3A_431 = vector.broadcast %jit3A_429 : f32 to vector<16xf32>
        %select_n3A_432 = arith.select %and3A_417, %broadcast_in_dim3A_430, %broadcast_in_dim3A_431 : vector<16xi1>, vector<16xf32>
        %add3A_433 = arith.addf %add3A_370, %select_n3A_432 : vector<16xf32>
        %sub3A_434 = arith.subf %get3A_389, %get3A_403 : vector<16xf32>
        %abs3A_435 = math.absf %sub3A_434 : vector<16xf32>
        %jit3A_436 = arith.constant 0.000000e+00 : f32
        %broadcast_in_dim3A_437 = vector.broadcast %jit3A_436 : f32 to vector<16xf32>
        %select_n3A_438 = arith.select %and3A_421, %abs3A_435, %broadcast_in_dim3A_437 : vector<16xi1>, vector<16xf32>
        %add3A_439 = arith.addf %add3A_376, %select_n3A_438 : vector<16xf32>
        %jit3A_440 = arith.constant 1.000000e+00 : f32
        %jit3A_441 = arith.constant 0.000000e+00 : f32
        %broadcast_in_dim3A_442 = vector.broadcast %jit3A_440 : f32 to vector<16xf32>
        %broadcast_in_dim3A_443 = vector.broadcast %jit3A_441 : f32 to vector<16xf32>
        %select_n3A_444 = arith.select %and3A_421, %broadcast_in_dim3A_442, %broadcast_in_dim3A_443 : vector<16xi1>, vector<16xf32>
        %add3A_445 = arith.addf %add3A_382, %select_n3A_444 : vector<16xf32>
        %get3A_446 = arith.constant 1 : i32
        %get3A_447 = arith.constant 10 : i32
        %get3A_448 = arith.index_cast %get3A_446 : i32 to index
        %get3A_449 = arith.index_cast %get3A_447 : i32 to index
        %get3A_450 = arith.index_cast %mul3A_326 : i32 to index
        %get3A_451 = tpu.vector_load %arg7[%get3A_448, %get3A_449, %get3A_450] {strides = array<i32>} : memref<2x16x512xf32, #tpu.memory_space<vmem>>, vector<1x1x16xf32>,
        %get3A_452 = vector.shape_cast %get3A_451 : vector<1x1x16xf32> to vector<16xf32>
        %get3A_453 = arith.constant 1 : i32
        %get3A_454 = arith.constant 10 : i32
        %get3A_455 = arith.index_cast %get3A_453 : i32 to index
        %get3A_456 = arith.index_cast %get3A_454 : i32 to index
        %get3A_457 = arith.index_cast %mul3A_326 : i32 to index
        %get3A_458 = tpu.vector_load %arg8[%get3A_455, %get3A_456, %get3A_457] {strides = array<i32>} : memref<2x16x512xf32, #tpu.memory_space<vmem>>, vector<1x1x16xf32>,
        %get3A_459 = vector.shape_cast %get3A_458 : vector<1x1x16xf32> to vector<16xf32>
        %get3A_460 = arith.constant 1 : i32
        %get3A_461 = arith.constant 10 : i32
        %get3A_462 = arith.index_cast %get3A_460 : i32 to index
        %get3A_463 = arith.index_cast %get3A_461 : i32 to index
        %get3A_464 = arith.index_cast %mul3A_326 : i32 to index
        %get3A_465 = tpu.vector_load %arg9[%get3A_462, %get3A_463, %get3A_464] {strides = array<i32>} : memref<2x16x512xf32, #tpu.memory_space<vmem>>, vector<1x1x16xf32>,
        %get3A_466 = vector.shape_cast %get3A_465 : vector<1x1x16xf32> to vector<16xf32>
        %get3A_467 = arith.constant 1 : i32
        %get3A_468 = arith.constant 10 : i32
        %get3A_469 = arith.index_cast %get3A_467 : i32 to index
        %get3A_470 = arith.index_cast %get3A_468 : i32 to index
        %get3A_471 = arith.index_cast %mul3A_326 : i32 to index
        %get3A_472 = tpu.vector_load %arg10[%get3A_469, %get3A_470, %get3A_471] {strides = array<i32>} : memref<2x16x512xi32, #tpu.memory_space<vmem>>, vector<1x1x16xi32>,
        %get3A_473 = vector.shape_cast %get3A_472 : vector<1x1x16xi32> to vector<16xi32>
        %gt3A_474 = arith.constant 0 : i32
        %gt3A_475 = vector.broadcast %gt3A_474 : i32 to vector<16xi32>
        %gt3A_476 = arith.cmpi sgt, %get3A_473, %gt3A_475 : vector<16xi32>
        %gt3A_477 = arith.constant 0.000000e+00 : f32
        %gt3A_478 = vector.broadcast %gt3A_477 : f32 to vector<16xf32>
        %gt3A_479 = arith.cmpf ogt, %get3A_459, %gt3A_478 : vector<16xf32>
        %and3A_480 = arith.andi %gt3A_476, %gt3A_479 : vector<16xi1>
        %gt3A_481 = arith.constant 0.000000e+00 : f32
        %gt3A_482 = vector.broadcast %gt3A_481 : f32 to vector<16xf32>
        %gt3A_483 = arith.cmpf ogt, %get3A_466, %gt3A_482 : vector<16xf32>
        %and3A_484 = arith.andi %gt3A_476, %gt3A_483 : vector<16xi1>
        %sub3A_485 = arith.subf %get3A_452, %get3A_459 : vector<16xf32>
        %abs3A_486 = math.absf %sub3A_485 : vector<16xf32>
        %jit3A_487 = arith.constant 0.000000e+00 : f32
        %broadcast_in_dim3A_488 = vector.broadcast %jit3A_487 : f32 to vector<16xf32>
        %select_n3A_489 = arith.select %and3A_480, %abs3A_486, %broadcast_in_dim3A_488 : vector<16xi1>, vector<16xf32>
        %add3A_490 = arith.addf %add3A_427, %select_n3A_489 : vector<16xf32>
        %jit3A_491 = arith.constant 1.000000e+00 : f32
        %jit3A_492 = arith.constant 0.000000e+00 : f32
        %broadcast_in_dim3A_493 = vector.broadcast %jit3A_491 : f32 to vector<16xf32>
        %broadcast_in_dim3A_494 = vector.broadcast %jit3A_492 : f32 to vector<16xf32>
        %select_n3A_495 = arith.select %and3A_480, %broadcast_in_dim3A_493, %broadcast_in_dim3A_494 : vector<16xi1>, vector<16xf32>
        %add3A_496 = arith.addf %add3A_433, %select_n3A_495 : vector<16xf32>
        %sub3A_497 = arith.subf %get3A_452, %get3A_466 : vector<16xf32>
        %abs3A_498 = math.absf %sub3A_497 : vector<16xf32>
        %jit3A_499 = arith.constant 0.000000e+00 : f32
        %broadcast_in_dim3A_500 = vector.broadcast %jit3A_499 : f32 to vector<16xf32>
        %select_n3A_501 = arith.select %and3A_484, %abs3A_498, %broadcast_in_dim3A_500 : vector<16xi1>, vector<16xf32>
        %add3A_502 = arith.addf %add3A_439, %select_n3A_501 : vector<16xf32>
        %jit3A_503 = arith.constant 1.000000e+00 : f32
        %jit3A_504 = arith.constant 0.000000e+00 : f32
        %broadcast_in_dim3A_505 = vector.broadcast %jit3A_503 : f32 to vector<16xf32>
        %broadcast_in_dim3A_506 = vector.broadcast %jit3A_504 : f32 to vector<16xf32>
        %select_n3A_507 = arith.select %and3A_484, %broadcast_in_dim3A_505, %broadcast_in_dim3A_506 : vector<16xi1>, vector<16xf32>
        %add3A_508 = arith.addf %add3A_445, %select_n3A_507 : vector<16xf32>
        %get3A_509 = arith.constant 1 : i32
        %get3A_510 = arith.constant 11 : i32
        %get3A_511 = arith.index_cast %get3A_509 : i32 to index
        %get3A_512 = arith.index_cast %get3A_510 : i32 to index
        %get3A_513 = arith.index_cast %mul3A_326 : i32 to index
        %get3A_514 = tpu.vector_load %arg7[%get3A_511, %get3A_512, %get3A_513] {strides = array<i32>} : memref<2x16x512xf32, #tpu.memory_space<vmem>>, vector<1x1x16xf32>,
        %get3A_515 = vector.shape_cast %get3A_514 : vector<1x1x16xf32> to vector<16xf32>
        %get3A_516 = arith.constant 1 : i32
        %get3A_517 = arith.constant 11 : i32
        %get3A_518 = arith.index_cast %get3A_516 : i32 to index
        %get3A_519 = arith.index_cast %get3A_517 : i32 to index
        %get3A_520 = arith.index_cast %mul3A_326 : i32 to index
        %get3A_521 = tpu.vector_load %arg8[%get3A_518, %get3A_519, %get3A_520] {strides = array<i32>} : memref<2x16x512xf32, #tpu.memory_space<vmem>>, vector<1x1x16xf32>,
        %get3A_522 = vector.shape_cast %get3A_521 : vector<1x1x16xf32> to vector<16xf32>
        %get3A_523 = arith.constant 1 : i32
        %get3A_524 = arith.constant 11 : i32
        %get3A_525 = arith.index_cast %get3A_523 : i32 to index
        %get3A_526 = arith.index_cast %get3A_524 : i32 to index
        %get3A_527 = arith.index_cast %mul3A_326 : i32 to index
        %get3A_528 = tpu.vector_load %arg9[%get3A_525, %get3A_526, %get3A_527] {strides = array<i32>} : memref<2x16x512xf32, #tpu.memory_space<vmem>>, vector<1x1x16xf32>,
        %get3A_529 = vector.shape_cast %get3A_528 : vector<1x1x16xf32> to vector<16xf32>
        %get3A_530 = arith.constant 1 : i32
        %get3A_531 = arith.constant 11 : i32
        %get3A_532 = arith.index_cast %get3A_530 : i32 to index
        %get3A_533 = arith.index_cast %get3A_531 : i32 to index
        %get3A_534 = arith.index_cast %mul3A_326 : i32 to index
        %get3A_535 = tpu.vector_load %arg10[%get3A_532, %get3A_533, %get3A_534] {strides = array<i32>} : memref<2x16x512xi32, #tpu.memory_space<vmem>>, vector<1x1x16xi32>,
        %get3A_536 = vector.shape_cast %get3A_535 : vector<1x1x16xi32> to vector<16xi32>
        %gt3A_537 = arith.constant 0 : i32
        %gt3A_538 = vector.broadcast %gt3A_537 : i32 to vector<16xi32>
        %gt3A_539 = arith.cmpi sgt, %get3A_536, %gt3A_538 : vector<16xi32>
        %gt3A_540 = arith.constant 0.000000e+00 : f32
        %gt3A_541 = vector.broadcast %gt3A_540 : f32 to vector<16xf32>
        %gt3A_542 = arith.cmpf ogt, %get3A_522, %gt3A_541 : vector<16xf32>
        %and3A_543 = arith.andi %gt3A_539, %gt3A_542 : vector<16xi1>
        %gt3A_544 = arith.constant 0.000000e+00 : f32
        %gt3A_545 = vector.broadcast %gt3A_544 : f32 to vector<16xf32>
        %gt3A_546 = arith.cmpf ogt, %get3A_529, %gt3A_545 : vector<16xf32>
        %and3A_547 = arith.andi %gt3A_539, %gt3A_546 : vector<16xi1>
        %sub3A_548 = arith.subf %get3A_515, %get3A_522 : vector<16xf32>
        %abs3A_549 = math.absf %sub3A_548 : vector<16xf32>
        %jit3A_550 = arith.constant 0.000000e+00 : f32
        %broadcast_in_dim3A_551 = vector.broadcast %jit3A_550 : f32 to vector<16xf32>
        %select_n3A_552 = arith.select %and3A_543, %abs3A_549, %broadcast_in_dim3A_551 : vector<16xi1>, vector<16xf32>
        %add3A_553 = arith.addf %add3A_490, %select_n3A_552 : vector<16xf32>
        %jit3A_554 = arith.constant 1.000000e+00 : f32
        %jit3A_555 = arith.constant 0.000000e+00 : f32
        %broadcast_in_dim3A_556 = vector.broadcast %jit3A_554 : f32 to vector<16xf32>
        %broadcast_in_dim3A_557 = vector.broadcast %jit3A_555 : f32 to vector<16xf32>
        %select_n3A_558 = arith.select %and3A_543, %broadcast_in_dim3A_556, %broadcast_in_dim3A_557 : vector<16xi1>, vector<16xf32>
        %add3A_559 = arith.addf %add3A_496, %select_n3A_558 : vector<16xf32>
        %sub3A_560 = arith.subf %get3A_515, %get3A_529 : vector<16xf32>
        %abs3A_561 = math.absf %sub3A_560 : vector<16xf32>
        %jit3A_562 = arith.constant 0.000000e+00 : f32
        %broadcast_in_dim3A_563 = vector.broadcast %jit3A_562 : f32 to vector<16xf32>
        %select_n3A_564 = arith.select %and3A_547, %abs3A_561, %broadcast_in_dim3A_563 : vector<16xi1>, vector<16xf32>
        %add3A_565 = arith.addf %add3A_502, %select_n3A_564 : vector<16xf32>
        %jit3A_566 = arith.constant 1.000000e+00 : f32
        %jit3A_567 = arith.constant 0.000000e+00 : f32
        %broadcast_in_dim3A_568 = vector.broadcast %jit3A_566 : f32 to vector<16xf32>
        %broadcast_in_dim3A_569 = vector.broadcast %jit3A_567 : f32 to vector<16xf32>
        %select_n3A_570 = arith.select %and3A_547, %broadcast_in_dim3A_568, %broadcast_in_dim3A_569 : vector<16xi1>, vector<16xf32>
        %add3A_571 = arith.addf %add3A_508, %select_n3A_570 : vector<16xf32>
        scf.yield %add3A_553, %add3A_559, %add3A_565, %add3A_571 : vector<16xf32>, vector<16xf32>, vector<16xf32>, vector<16xf32>
      }
      %scan3A_313 = arith.constant 32 : i32
      %scan3A_314 = arith.constant 0 : i32
      %scan3A_315 = arith.constant 32 : i32
      %scan3A_316 = arith.addi %scan3A_314, %scan3A_315 : i32
      %scan3A_317 = arith.constant 1 : i32
      %scan3A_318:4 = scf.for %scan3A_320 = %scan3A_314 to %scan3A_316 step %scan3A_317 iter_args(%scan3A_321 = %scan3A_312#0, %scan3A_322 = %scan3A_312#1, %scan3A_323 = %scan3A_312#2, %scan3A_324 = %scan3A_312#3) -> (vector<16xf32>, vector<16xf32>, vector<16xf32>, vector<16xf32>)  : i32 {
        %mul3A_325 = arith.constant 16 : i32
        %mul3A_326 = arith.muli %scan3A_320, %mul3A_325 : i32
        %get3A = arith.constant 1 : i32
        %get3A_327 = arith.constant 12 : i32
        %get3A_328 = arith.index_cast %get3A : i32 to index
        %get3A_329 = arith.index_cast %get3A_327 : i32 to index
        %get3A_330 = arith.index_cast %mul3A_326 : i32 to index
        %get3A_331 = tpu.vector_load %arg7[%get3A_328, %get3A_329, %get3A_330] {strides = array<i32>} : memref<2x16x512xf32, #tpu.memory_space<vmem>>, vector<1x1x16xf32>,
        %get3A_332 = vector.shape_cast %get3A_331 : vector<1x1x16xf32> to vector<16xf32>
        %get3A_333 = arith.constant 1 : i32
        %get3A_334 = arith.constant 12 : i32
        %get3A_335 = arith.index_cast %get3A_333 : i32 to index
        %get3A_336 = arith.index_cast %get3A_334 : i32 to index
        %get3A_337 = arith.index_cast %mul3A_326 : i32 to index
        %get3A_338 = tpu.vector_load %arg8[%get3A_335, %get3A_336, %get3A_337] {strides = array<i32>} : memref<2x16x512xf32, #tpu.memory_space<vmem>>, vector<1x1x16xf32>,
        %get3A_339 = vector.shape_cast %get3A_338 : vector<1x1x16xf32> to vector<16xf32>
        %get3A_340 = arith.constant 1 : i32
        %get3A_341 = arith.constant 12 : i32
        %get3A_342 = arith.index_cast %get3A_340 : i32 to index
        %get3A_343 = arith.index_cast %get3A_341 : i32 to index
        %get3A_344 = arith.index_cast %mul3A_326 : i32 to index
        %get3A_345 = tpu.vector_load %arg9[%get3A_342, %get3A_343, %get3A_344] {strides = array<i32>} : memref<2x16x512xf32, #tpu.memory_space<vmem>>, vector<1x1x16xf32>,
        %get3A_346 = vector.shape_cast %get3A_345 : vector<1x1x16xf32> to vector<16xf32>
        %get3A_347 = arith.constant 1 : i32
        %get3A_348 = arith.constant 12 : i32
        %get3A_349 = arith.index_cast %get3A_347 : i32 to index
        %get3A_350 = arith.index_cast %get3A_348 : i32 to index
        %get3A_351 = arith.index_cast %mul3A_326 : i32 to index
        %get3A_352 = tpu.vector_load %arg10[%get3A_349, %get3A_350, %get3A_351] {strides = array<i32>} : memref<2x16x512xi32, #tpu.memory_space<vmem>>, vector<1x1x16xi32>,
        %get3A_353 = vector.shape_cast %get3A_352 : vector<1x1x16xi32> to vector<16xi32>
        %gt3A = arith.constant 0 : i32
        %gt3A_354 = vector.broadcast %gt3A : i32 to vector<16xi32>
        %gt3A_355 = arith.cmpi sgt, %get3A_353, %gt3A_354 : vector<16xi32>
        %gt3A_356 = arith.constant 0.000000e+00 : f32
        %gt3A_357 = vector.broadcast %gt3A_356 : f32 to vector<16xf32>
        %gt3A_358 = arith.cmpf ogt, %get3A_339, %gt3A_357 : vector<16xf32>
        %and3A = arith.andi %gt3A_355, %gt3A_358 : vector<16xi1>
        %gt3A_359 = arith.constant 0.000000e+00 : f32
        %gt3A_360 = vector.broadcast %gt3A_359 : f32 to vector<16xf32>
        %gt3A_361 = arith.cmpf ogt, %get3A_346, %gt3A_360 : vector<16xf32>
        %and3A_362 = arith.andi %gt3A_355, %gt3A_361 : vector<16xi1>
        %sub3A = arith.subf %get3A_332, %get3A_339 : vector<16xf32>
        %abs3A = math.absf %sub3A : vector<16xf32>
        %jit3A = arith.constant 0.000000e+00 : f32
        %broadcast_in_dim3A_363 = vector.broadcast %jit3A : f32 to vector<16xf32>
        %select_n3A = arith.select %and3A, %abs3A, %broadcast_in_dim3A_363 : vector<16xi1>, vector<16xf32>
        %add3A_364 = arith.addf %scan3A_321, %select_n3A : vector<16xf32>
        %jit3A_365 = arith.constant 1.000000e+00 : f32
        %jit3A_366 = arith.constant 0.000000e+00 : f32
        %broadcast_in_dim3A_367 = vector.broadcast %jit3A_365 : f32 to vector<16xf32>
        %broadcast_in_dim3A_368 = vector.broadcast %jit3A_366 : f32 to vector<16xf32>
        %select_n3A_369 = arith.select %and3A, %broadcast_in_dim3A_367, %broadcast_in_dim3A_368 : vector<16xi1>, vector<16xf32>
        %add3A_370 = arith.addf %scan3A_322, %select_n3A_369 : vector<16xf32>
        %sub3A_371 = arith.subf %get3A_332, %get3A_346 : vector<16xf32>
        %abs3A_372 = math.absf %sub3A_371 : vector<16xf32>
        %jit3A_373 = arith.constant 0.000000e+00 : f32
        %broadcast_in_dim3A_374 = vector.broadcast %jit3A_373 : f32 to vector<16xf32>
        %select_n3A_375 = arith.select %and3A_362, %abs3A_372, %broadcast_in_dim3A_374 : vector<16xi1>, vector<16xf32>
        %add3A_376 = arith.addf %scan3A_323, %select_n3A_375 : vector<16xf32>
        %jit3A_377 = arith.constant 1.000000e+00 : f32
        %jit3A_378 = arith.constant 0.000000e+00 : f32
        %broadcast_in_dim3A_379 = vector.broadcast %jit3A_377 : f32 to vector<16xf32>
        %broadcast_in_dim3A_380 = vector.broadcast %jit3A_378 : f32 to vector<16xf32>
        %select_n3A_381 = arith.select %and3A_362, %broadcast_in_dim3A_379, %broadcast_in_dim3A_380 : vector<16xi1>, vector<16xf32>
        %add3A_382 = arith.addf %scan3A_324, %select_n3A_381 : vector<16xf32>
        %get3A_383 = arith.constant 1 : i32
        %get3A_384 = arith.constant 13 : i32
        %get3A_385 = arith.index_cast %get3A_383 : i32 to index
        %get3A_386 = arith.index_cast %get3A_384 : i32 to index
        %get3A_387 = arith.index_cast %mul3A_326 : i32 to index
        %get3A_388 = tpu.vector_load %arg7[%get3A_385, %get3A_386, %get3A_387] {strides = array<i32>} : memref<2x16x512xf32, #tpu.memory_space<vmem>>, vector<1x1x16xf32>,
        %get3A_389 = vector.shape_cast %get3A_388 : vector<1x1x16xf32> to vector<16xf32>
        %get3A_390 = arith.constant 1 : i32
        %get3A_391 = arith.constant 13 : i32
        %get3A_392 = arith.index_cast %get3A_390 : i32 to index
        %get3A_393 = arith.index_cast %get3A_391 : i32 to index
        %get3A_394 = arith.index_cast %mul3A_326 : i32 to index
        %get3A_395 = tpu.vector_load %arg8[%get3A_392, %get3A_393, %get3A_394] {strides = array<i32>} : memref<2x16x512xf32, #tpu.memory_space<vmem>>, vector<1x1x16xf32>,
        %get3A_396 = vector.shape_cast %get3A_395 : vector<1x1x16xf32> to vector<16xf32>
        %get3A_397 = arith.constant 1 : i32
        %get3A_398 = arith.constant 13 : i32
        %get3A_399 = arith.index_cast %get3A_397 : i32 to index
        %get3A_400 = arith.index_cast %get3A_398 : i32 to index
        %get3A_401 = arith.index_cast %mul3A_326 : i32 to index
        %get3A_402 = tpu.vector_load %arg9[%get3A_399, %get3A_400, %get3A_401] {strides = array<i32>} : memref<2x16x512xf32, #tpu.memory_space<vmem>>, vector<1x1x16xf32>,
        %get3A_403 = vector.shape_cast %get3A_402 : vector<1x1x16xf32> to vector<16xf32>
        %get3A_404 = arith.constant 1 : i32
        %get3A_405 = arith.constant 13 : i32
        %get3A_406 = arith.index_cast %get3A_404 : i32 to index
        %get3A_407 = arith.index_cast %get3A_405 : i32 to index
        %get3A_408 = arith.index_cast %mul3A_326 : i32 to index
        %get3A_409 = tpu.vector_load %arg10[%get3A_406, %get3A_407, %get3A_408] {strides = array<i32>} : memref<2x16x512xi32, #tpu.memory_space<vmem>>, vector<1x1x16xi32>,
        %get3A_410 = vector.shape_cast %get3A_409 : vector<1x1x16xi32> to vector<16xi32>
        %gt3A_411 = arith.constant 0 : i32
        %gt3A_412 = vector.broadcast %gt3A_411 : i32 to vector<16xi32>
        %gt3A_413 = arith.cmpi sgt, %get3A_410, %gt3A_412 : vector<16xi32>
        %gt3A_414 = arith.constant 0.000000e+00 : f32
        %gt3A_415 = vector.broadcast %gt3A_414 : f32 to vector<16xf32>
        %gt3A_416 = arith.cmpf ogt, %get3A_396, %gt3A_415 : vector<16xf32>
        %and3A_417 = arith.andi %gt3A_413, %gt3A_416 : vector<16xi1>
        %gt3A_418 = arith.constant 0.000000e+00 : f32
        %gt3A_419 = vector.broadcast %gt3A_418 : f32 to vector<16xf32>
        %gt3A_420 = arith.cmpf ogt, %get3A_403, %gt3A_419 : vector<16xf32>
        %and3A_421 = arith.andi %gt3A_413, %gt3A_420 : vector<16xi1>
        %sub3A_422 = arith.subf %get3A_389, %get3A_396 : vector<16xf32>
        %abs3A_423 = math.absf %sub3A_422 : vector<16xf32>
        %jit3A_424 = arith.constant 0.000000e+00 : f32
        %broadcast_in_dim3A_425 = vector.broadcast %jit3A_424 : f32 to vector<16xf32>
        %select_n3A_426 = arith.select %and3A_417, %abs3A_423, %broadcast_in_dim3A_425 : vector<16xi1>, vector<16xf32>
        %add3A_427 = arith.addf %add3A_364, %select_n3A_426 : vector<16xf32>
        %jit3A_428 = arith.constant 1.000000e+00 : f32
        %jit3A_429 = arith.constant 0.000000e+00 : f32
        %broadcast_in_dim3A_430 = vector.broadcast %jit3A_428 : f32 to vector<16xf32>
        %broadcast_in_dim3A_431 = vector.broadcast %jit3A_429 : f32 to vector<16xf32>
        %select_n3A_432 = arith.select %and3A_417, %broadcast_in_dim3A_430, %broadcast_in_dim3A_431 : vector<16xi1>, vector<16xf32>
        %add3A_433 = arith.addf %add3A_370, %select_n3A_432 : vector<16xf32>
        %sub3A_434 = arith.subf %get3A_389, %get3A_403 : vector<16xf32>
        %abs3A_435 = math.absf %sub3A_434 : vector<16xf32>
        %jit3A_436 = arith.constant 0.000000e+00 : f32
        %broadcast_in_dim3A_437 = vector.broadcast %jit3A_436 : f32 to vector<16xf32>
        %select_n3A_438 = arith.select %and3A_421, %abs3A_435, %broadcast_in_dim3A_437 : vector<16xi1>, vector<16xf32>
        %add3A_439 = arith.addf %add3A_376, %select_n3A_438 : vector<16xf32>
        %jit3A_440 = arith.constant 1.000000e+00 : f32
        %jit3A_441 = arith.constant 0.000000e+00 : f32
        %broadcast_in_dim3A_442 = vector.broadcast %jit3A_440 : f32 to vector<16xf32>
        %broadcast_in_dim3A_443 = vector.broadcast %jit3A_441 : f32 to vector<16xf32>
        %select_n3A_444 = arith.select %and3A_421, %broadcast_in_dim3A_442, %broadcast_in_dim3A_443 : vector<16xi1>, vector<16xf32>
        %add3A_445 = arith.addf %add3A_382, %select_n3A_444 : vector<16xf32>
        %get3A_446 = arith.constant 1 : i32
        %get3A_447 = arith.constant 14 : i32
        %get3A_448 = arith.index_cast %get3A_446 : i32 to index
        %get3A_449 = arith.index_cast %get3A_447 : i32 to index
        %get3A_450 = arith.index_cast %mul3A_326 : i32 to index
        %get3A_451 = tpu.vector_load %arg7[%get3A_448, %get3A_449, %get3A_450] {strides = array<i32>} : memref<2x16x512xf32, #tpu.memory_space<vmem>>, vector<1x1x16xf32>,
        %get3A_452 = vector.shape_cast %get3A_451 : vector<1x1x16xf32> to vector<16xf32>
        %get3A_453 = arith.constant 1 : i32
        %get3A_454 = arith.constant 14 : i32
        %get3A_455 = arith.index_cast %get3A_453 : i32 to index
        %get3A_456 = arith.index_cast %get3A_454 : i32 to index
        %get3A_457 = arith.index_cast %mul3A_326 : i32 to index
        %get3A_458 = tpu.vector_load %arg8[%get3A_455, %get3A_456, %get3A_457] {strides = array<i32>} : memref<2x16x512xf32, #tpu.memory_space<vmem>>, vector<1x1x16xf32>,
        %get3A_459 = vector.shape_cast %get3A_458 : vector<1x1x16xf32> to vector<16xf32>
        %get3A_460 = arith.constant 1 : i32
        %get3A_461 = arith.constant 14 : i32
        %get3A_462 = arith.index_cast %get3A_460 : i32 to index
        %get3A_463 = arith.index_cast %get3A_461 : i32 to index
        %get3A_464 = arith.index_cast %mul3A_326 : i32 to index
        %get3A_465 = tpu.vector_load %arg9[%get3A_462, %get3A_463, %get3A_464] {strides = array<i32>} : memref<2x16x512xf32, #tpu.memory_space<vmem>>, vector<1x1x16xf32>,
        %get3A_466 = vector.shape_cast %get3A_465 : vector<1x1x16xf32> to vector<16xf32>
        %get3A_467 = arith.constant 1 : i32
        %get3A_468 = arith.constant 14 : i32
        %get3A_469 = arith.index_cast %get3A_467 : i32 to index
        %get3A_470 = arith.index_cast %get3A_468 : i32 to index
        %get3A_471 = arith.index_cast %mul3A_326 : i32 to index
        %get3A_472 = tpu.vector_load %arg10[%get3A_469, %get3A_470, %get3A_471] {strides = array<i32>} : memref<2x16x512xi32, #tpu.memory_space<vmem>>, vector<1x1x16xi32>,
        %get3A_473 = vector.shape_cast %get3A_472 : vector<1x1x16xi32> to vector<16xi32>
        %gt3A_474 = arith.constant 0 : i32
        %gt3A_475 = vector.broadcast %gt3A_474 : i32 to vector<16xi32>
        %gt3A_476 = arith.cmpi sgt, %get3A_473, %gt3A_475 : vector<16xi32>
        %gt3A_477 = arith.constant 0.000000e+00 : f32
        %gt3A_478 = vector.broadcast %gt3A_477 : f32 to vector<16xf32>
        %gt3A_479 = arith.cmpf ogt, %get3A_459, %gt3A_478 : vector<16xf32>
        %and3A_480 = arith.andi %gt3A_476, %gt3A_479 : vector<16xi1>
        %gt3A_481 = arith.constant 0.000000e+00 : f32
        %gt3A_482 = vector.broadcast %gt3A_481 : f32 to vector<16xf32>
        %gt3A_483 = arith.cmpf ogt, %get3A_466, %gt3A_482 : vector<16xf32>
        %and3A_484 = arith.andi %gt3A_476, %gt3A_483 : vector<16xi1>
        %sub3A_485 = arith.subf %get3A_452, %get3A_459 : vector<16xf32>
        %abs3A_486 = math.absf %sub3A_485 : vector<16xf32>
        %jit3A_487 = arith.constant 0.000000e+00 : f32
        %broadcast_in_dim3A_488 = vector.broadcast %jit3A_487 : f32 to vector<16xf32>
        %select_n3A_489 = arith.select %and3A_480, %abs3A_486, %broadcast_in_dim3A_488 : vector<16xi1>, vector<16xf32>
        %add3A_490 = arith.addf %add3A_427, %select_n3A_489 : vector<16xf32>
        %jit3A_491 = arith.constant 1.000000e+00 : f32
        %jit3A_492 = arith.constant 0.000000e+00 : f32
        %broadcast_in_dim3A_493 = vector.broadcast %jit3A_491 : f32 to vector<16xf32>
        %broadcast_in_dim3A_494 = vector.broadcast %jit3A_492 : f32 to vector<16xf32>
        %select_n3A_495 = arith.select %and3A_480, %broadcast_in_dim3A_493, %broadcast_in_dim3A_494 : vector<16xi1>, vector<16xf32>
        %add3A_496 = arith.addf %add3A_433, %select_n3A_495 : vector<16xf32>
        %sub3A_497 = arith.subf %get3A_452, %get3A_466 : vector<16xf32>
        %abs3A_498 = math.absf %sub3A_497 : vector<16xf32>
        %jit3A_499 = arith.constant 0.000000e+00 : f32
        %broadcast_in_dim3A_500 = vector.broadcast %jit3A_499 : f32 to vector<16xf32>
        %select_n3A_501 = arith.select %and3A_484, %abs3A_498, %broadcast_in_dim3A_500 : vector<16xi1>, vector<16xf32>
        %add3A_502 = arith.addf %add3A_439, %select_n3A_501 : vector<16xf32>
        %jit3A_503 = arith.constant 1.000000e+00 : f32
        %jit3A_504 = arith.constant 0.000000e+00 : f32
        %broadcast_in_dim3A_505 = vector.broadcast %jit3A_503 : f32 to vector<16xf32>
        %broadcast_in_dim3A_506 = vector.broadcast %jit3A_504 : f32 to vector<16xf32>
        %select_n3A_507 = arith.select %and3A_484, %broadcast_in_dim3A_505, %broadcast_in_dim3A_506 : vector<16xi1>, vector<16xf32>
        %add3A_508 = arith.addf %add3A_445, %select_n3A_507 : vector<16xf32>
        %get3A_509 = arith.constant 1 : i32
        %get3A_510 = arith.constant 15 : i32
        %get3A_511 = arith.index_cast %get3A_509 : i32 to index
        %get3A_512 = arith.index_cast %get3A_510 : i32 to index
        %get3A_513 = arith.index_cast %mul3A_326 : i32 to index
        %get3A_514 = tpu.vector_load %arg7[%get3A_511, %get3A_512, %get3A_513] {strides = array<i32>} : memref<2x16x512xf32, #tpu.memory_space<vmem>>, vector<1x1x16xf32>,
        %get3A_515 = vector.shape_cast %get3A_514 : vector<1x1x16xf32> to vector<16xf32>
        %get3A_516 = arith.constant 1 : i32
        %get3A_517 = arith.constant 15 : i32
        %get3A_518 = arith.index_cast %get3A_516 : i32 to index
        %get3A_519 = arith.index_cast %get3A_517 : i32 to index
        %get3A_520 = arith.index_cast %mul3A_326 : i32 to index
        %get3A_521 = tpu.vector_load %arg8[%get3A_518, %get3A_519, %get3A_520] {strides = array<i32>} : memref<2x16x512xf32, #tpu.memory_space<vmem>>, vector<1x1x16xf32>,
        %get3A_522 = vector.shape_cast %get3A_521 : vector<1x1x16xf32> to vector<16xf32>
        %get3A_523 = arith.constant 1 : i32
        %get3A_524 = arith.constant 15 : i32
        %get3A_525 = arith.index_cast %get3A_523 : i32 to index
        %get3A_526 = arith.index_cast %get3A_524 : i32 to index
        %get3A_527 = arith.index_cast %mul3A_326 : i32 to index
        %get3A_528 = tpu.vector_load %arg9[%get3A_525, %get3A_526, %get3A_527] {strides = array<i32>} : memref<2x16x512xf32, #tpu.memory_space<vmem>>, vector<1x1x16xf32>,
        %get3A_529 = vector.shape_cast %get3A_528 : vector<1x1x16xf32> to vector<16xf32>
        %get3A_530 = arith.constant 1 : i32
        %get3A_531 = arith.constant 15 : i32
        %get3A_532 = arith.index_cast %get3A_530 : i32 to index
        %get3A_533 = arith.index_cast %get3A_531 : i32 to index
        %get3A_534 = arith.index_cast %mul3A_326 : i32 to index
        %get3A_535 = tpu.vector_load %arg10[%get3A_532, %get3A_533, %get3A_534] {strides = array<i32>} : memref<2x16x512xi32, #tpu.memory_space<vmem>>, vector<1x1x16xi32>,
        %get3A_536 = vector.shape_cast %get3A_535 : vector<1x1x16xi32> to vector<16xi32>
        %gt3A_537 = arith.constant 0 : i32
        %gt3A_538 = vector.broadcast %gt3A_537 : i32 to vector<16xi32>
        %gt3A_539 = arith.cmpi sgt, %get3A_536, %gt3A_538 : vector<16xi32>
        %gt3A_540 = arith.constant 0.000000e+00 : f32
        %gt3A_541 = vector.broadcast %gt3A_540 : f32 to vector<16xf32>
        %gt3A_542 = arith.cmpf ogt, %get3A_522, %gt3A_541 : vector<16xf32>
        %and3A_543 = arith.andi %gt3A_539, %gt3A_542 : vector<16xi1>
        %gt3A_544 = arith.constant 0.000000e+00 : f32
        %gt3A_545 = vector.broadcast %gt3A_544 : f32 to vector<16xf32>
        %gt3A_546 = arith.cmpf ogt, %get3A_529, %gt3A_545 : vector<16xf32>
        %and3A_547 = arith.andi %gt3A_539, %gt3A_546 : vector<16xi1>
        %sub3A_548 = arith.subf %get3A_515, %get3A_522 : vector<16xf32>
        %abs3A_549 = math.absf %sub3A_548 : vector<16xf32>
        %jit3A_550 = arith.constant 0.000000e+00 : f32
        %broadcast_in_dim3A_551 = vector.broadcast %jit3A_550 : f32 to vector<16xf32>
        %select_n3A_552 = arith.select %and3A_543, %abs3A_549, %broadcast_in_dim3A_551 : vector<16xi1>, vector<16xf32>
        %add3A_553 = arith.addf %add3A_490, %select_n3A_552 : vector<16xf32>
        %jit3A_554 = arith.constant 1.000000e+00 : f32
        %jit3A_555 = arith.constant 0.000000e+00 : f32
        %broadcast_in_dim3A_556 = vector.broadcast %jit3A_554 : f32 to vector<16xf32>
        %broadcast_in_dim3A_557 = vector.broadcast %jit3A_555 : f32 to vector<16xf32>
        %select_n3A_558 = arith.select %and3A_543, %broadcast_in_dim3A_556, %broadcast_in_dim3A_557 : vector<16xi1>, vector<16xf32>
        %add3A_559 = arith.addf %add3A_496, %select_n3A_558 : vector<16xf32>
        %sub3A_560 = arith.subf %get3A_515, %get3A_529 : vector<16xf32>
        %abs3A_561 = math.absf %sub3A_560 : vector<16xf32>
        %jit3A_562 = arith.constant 0.000000e+00 : f32
        %broadcast_in_dim3A_563 = vector.broadcast %jit3A_562 : f32 to vector<16xf32>
        %select_n3A_564 = arith.select %and3A_547, %abs3A_561, %broadcast_in_dim3A_563 : vector<16xi1>, vector<16xf32>
        %add3A_565 = arith.addf %add3A_502, %select_n3A_564 : vector<16xf32>
        %jit3A_566 = arith.constant 1.000000e+00 : f32
        %jit3A_567 = arith.constant 0.000000e+00 : f32
        %broadcast_in_dim3A_568 = vector.broadcast %jit3A_566 : f32 to vector<16xf32>
        %broadcast_in_dim3A_569 = vector.broadcast %jit3A_567 : f32 to vector<16xf32>
        %select_n3A_570 = arith.select %and3A_547, %broadcast_in_dim3A_568, %broadcast_in_dim3A_569 : vector<16xi1>, vector<16xf32>
        %add3A_571 = arith.addf %add3A_508, %select_n3A_570 : vector<16xf32>
        scf.yield %add3A_553, %add3A_559, %add3A_565, %add3A_571 : vector<16xf32>, vector<16xf32>, vector<16xf32>, vector<16xf32>
      }
      %scan3A_319 = arith.constant 32 : i32
      scf.yield %scan3A_318#0, %scan3A_318#1, %scan3A_318#2, %scan3A_318#3 : vector<16xf32>, vector<16xf32>, vector<16xf32>, vector<16xf32>
    }
    %scan3A_61 = arith.constant 4 : i32
    %swap3A = arith.constant 0 : i32
    %swap3A_62 = arith.index_cast %swap3A : i32 to index
    %swap3A_63 = arith.constant 0 : index
    %swap3A_64 = tpu.vector_load %arg11[%swap3A_62, %swap3A_63] {strides = array<i32>} : memref<4x16xf32, #tpu.memory_space<vmem>>, vector<1x16xf32>,
    %swap3A_65 = vector.shape_cast %swap3A_64 : vector<1x16xf32> to vector<16xf32>
    %swap3A_66 = vector.shape_cast %scan3A_60#0 : vector<16xf32> to vector<1x16xf32>
    tpu.vector_store %arg11[%swap3A_62, %swap3A_63], %swap3A_66 {strides = array<i32>} : memref<4x16xf32, #tpu.memory_space<vmem>>, vector<1x16xf32>,
    %swap3A_67 = arith.constant 1 : i32
    %swap3A_68 = arith.index_cast %swap3A_67 : i32 to index
    %swap3A_69 = arith.constant 0 : index
    %swap3A_70 = tpu.vector_load %arg11[%swap3A_68, %swap3A_69] {strides = array<i32>} : memref<4x16xf32, #tpu.memory_space<vmem>>, vector<1x16xf32>,
    %swap3A_71 = vector.shape_cast %swap3A_70 : vector<1x16xf32> to vector<16xf32>
    %swap3A_72 = vector.shape_cast %scan3A_60#1 : vector<16xf32> to vector<1x16xf32>
    tpu.vector_store %arg11[%swap3A_68, %swap3A_69], %swap3A_72 {strides = array<i32>} : memref<4x16xf32, #tpu.memory_space<vmem>>, vector<1x16xf32>,
    %swap3A_73 = arith.constant 2 : i32
    %swap3A_74 = arith.index_cast %swap3A_73 : i32 to index
    %swap3A_75 = arith.constant 0 : index
    %swap3A_76 = tpu.vector_load %arg11[%swap3A_74, %swap3A_75] {strides = array<i32>} : memref<4x16xf32, #tpu.memory_space<vmem>>, vector<1x16xf32>,
    %swap3A_77 = vector.shape_cast %swap3A_76 : vector<1x16xf32> to vector<16xf32>
    %swap3A_78 = vector.shape_cast %scan3A_60#2 : vector<16xf32> to vector<1x16xf32>
    tpu.vector_store %arg11[%swap3A_74, %swap3A_75], %swap3A_78 {strides = array<i32>} : memref<4x16xf32, #tpu.memory_space<vmem>>, vector<1x16xf32>,
    %swap3A_79 = arith.constant 3 : i32
    %swap3A_80 = arith.index_cast %swap3A_79 : i32 to index
    %swap3A_81 = arith.constant 0 : index
    %swap3A_82 = tpu.vector_load %arg11[%swap3A_80, %swap3A_81] {strides = array<i32>} : memref<4x16xf32, #tpu.memory_space<vmem>>, vector<1x16xf32>,
    %swap3A_83 = vector.shape_cast %swap3A_82 : vector<1x16xf32> to vector<16xf32>
    %swap3A_84 = vector.shape_cast %scan3A_60#3 : vector<16xf32> to vector<1x16xf32>
    tpu.vector_store %arg11[%swap3A_80, %swap3A_81], %swap3A_84 {strides = array<i32>} : memref<4x16xf32, #tpu.memory_space<vmem>>, vector<1x16xf32>,
    "tpu.region"() ({
      %run_scoped3A = tpu.sem_alloc : memref<!tpu.dma_semaphore, #tpu.memory_space<semaphore_mem>>
      %dma_start3A_85 = arith.constant 0 : i32
      %dma_start3A_86 = arith.constant 0 : i32
      %dma_start3A_87 = tpu.memref_slice %arg6[%add3A, %dma_start3A_85, %dma_start3A_86] : memref<32x4x16xf32, #tpu.memory_space<hbm>> -> memref<1x4x16xf32, #tpu.memory_space<hbm>>
      %dma_start3A_88 = tpu.memref_squeeze %dma_start3A_87 : memref<1x4x16xf32, #tpu.memory_space<hbm>> -> memref<4x16xf32, #tpu.memory_space<hbm>>
      %dma_start3A_89 = arith.constant 0 : i32
      %dma_start3A_90 = arith.constant 0 : i32
      %dma_start3A_91 = tpu.memref_slice %arg6[%add3A, %dma_start3A_89, %dma_start3A_90] : memref<32x4x16xf32, #tpu.memory_space<hbm>> -> memref<1x4x16xf32, #tpu.memory_space<hbm>>
      %dma_start3A_92 = tpu.memref_squeeze %dma_start3A_91 : memref<1x4x16xf32, #tpu.memory_space<hbm>> -> memref<4x16xf32, #tpu.memory_space<hbm>>
      tpu.enqueue_dma source(%arg11 : memref<4x16xf32, #tpu.memory_space<vmem>>) target(%dma_start3A_92 : memref<4x16xf32, #tpu.memory_space<hbm>>) target_semaphore(%run_scoped3A : memref<!tpu.dma_semaphore, #tpu.memory_space<semaphore_mem>>)
      %dma_wait3A = arith.constant 0 : i32
      %dma_wait3A_93 = arith.constant 0 : i32
      %dma_wait3A_94 = tpu.memref_slice %arg6[%add3A, %dma_wait3A, %dma_wait3A_93] : memref<32x4x16xf32, #tpu.memory_space<hbm>> -> memref<1x4x16xf32, #tpu.memory_space<hbm>>
      %dma_wait3A_95 = tpu.memref_squeeze %dma_wait3A_94 : memref<1x4x16xf32, #tpu.memory_space<hbm>> -> memref<4x16xf32, #tpu.memory_space<hbm>>
      %dma_wait3A_96 = arith.constant 0 : i32
      %dma_wait3A_97 = arith.constant 0 : i32
      %dma_wait3A_98 = tpu.memref_slice %arg6[%add3A, %dma_wait3A_96, %dma_wait3A_97] : memref<32x4x16xf32, #tpu.memory_space<hbm>> -> memref<1x4x16xf32, #tpu.memory_space<hbm>>
      %dma_wait3A_99 = tpu.memref_squeeze %dma_wait3A_98 : memref<1x4x16xf32, #tpu.memory_space<hbm>> -> memref<4x16xf32, #tpu.memory_space<hbm>>
      tpu.wait_dma2 semaphore(%run_scoped3A : memref<!tpu.dma_semaphore, #tpu.memory_space<semaphore_mem>>) src(%arg11 : memref<4x16xf32, #tpu.memory_space<vmem>>) dst(%dma_wait3A_99 : memref<4x16xf32, #tpu.memory_space<hbm>>)
      tpu.yield
    }) : () -> ()
    return
  }
}

module attributes {stable_mosaic.version = 14 : i64} {
  func.func @_ce_kernel(%arg0: i32, %arg1: i32, %arg2: memref<1x16x128x512xf32, #tpu.memory_space<vmem>>, %arg3: memref<1x128x512xi32, #tpu.memory_space<vmem>>, %arg4: memref<1x128xf32, #tpu.memory_space<vmem>>) attributes {dimension_semantics = [#tpu.dimension_semantics<arbitrary>, #tpu.dimension_semantics<arbitrary>], iteration_bounds = array<i64: 8, 4>, scalar_prefetch = 0 : i64, scratch_operands = 0 : i64, tpu.core_type = #tpu.core_type<tc>, window_params = [{transform_indices = @transform_0, window_bounds = array<i64: 1, 16, 128, 512>}, {transform_indices = @transform_1, window_bounds = array<i64: 1, 128, 512>}, {pipeline_mode = #tpu.pipeline_mode<synchronous>, transform_indices = @transform_2, window_bounds = array<i64: 1, 128>}]} {
    %get3A = arith.constant 0 : index
    %get3A_0 = arith.constant 0 : index
    %get3A_1 = arith.constant 0 : index
    %get3A_2 = vector.load %arg3[%get3A, %get3A_0, %get3A_1] : memref<1x128x512xi32, #tpu.memory_space<vmem>>, vector<1x128x512xi32>
    %get3A_3 = vector.shape_cast %get3A_2 : vector<1x128x512xi32> to vector<128x512xi32>
    %get3A_4 = arith.constant 0 : index
    %get3A_5 = arith.constant 0 : index
    %get3A_6 = arith.constant 0 : index
    %get3A_7 = arith.constant 0 : index
    %get3A_8 = vector.load %arg2[%get3A_4, %get3A_5, %get3A_6, %get3A_7] : memref<1x16x128x512xf32, #tpu.memory_space<vmem>>, vector<1x16x128x512xf32>
    %get3A_9 = vector.shape_cast %get3A_8 : vector<1x16x128x512xf32> to vector<16x128x512xf32>
    %convert_element_type3A = arith.truncf %get3A_9 : vector<16x128x512xf32> to vector<16x128x512xbf16>
    %reduce_max3A = arith.constant dense<0xFF80> : vector<128x512xbf16>
    %reduce_max3A_10 = vector.multi_reduction <maximumf>, %convert_element_type3A, %reduce_max3A [0] : vector<16x128x512xbf16> to vector<128x512xbf16>
    %broadcast_in_dim3A = vector.shape_cast %reduce_max3A_10 : vector<128x512xbf16> to vector<1x128x512xbf16>
    %sub3A = vector.broadcast %broadcast_in_dim3A : vector<1x128x512xbf16> to vector<16x128x512xbf16>
    %sub3A_11 = arith.subf %convert_element_type3A, %sub3A : vector<16x128x512xbf16>
    %mul3A = arith.constant 1.445310e+00 : bf16
    %mul3A_12 = vector.broadcast %mul3A : bf16 to vector<16x128x512xbf16>
    %mul3A_13 = arith.mulf %sub3A_11, %mul3A_12 : vector<16x128x512xbf16>
    %exp23A = math.exp2 %mul3A_13 : vector<16x128x512xbf16>
    %slice3A = vector.extract_strided_slice %exp23A {offsets = [0, 0, 0], sizes = [1, 128, 512], strides = [1, 1, 1]} : vector<16x128x512xbf16> to vector<1x128x512xbf16>
    %squeeze3A = vector.shape_cast %slice3A : vector<1x128x512xbf16> to vector<128x512xbf16>
    %slice3A_14 = vector.extract_strided_slice %exp23A {offsets = [1, 0, 0], sizes = [1, 128, 512], strides = [1, 1, 1]} : vector<16x128x512xbf16> to vector<1x128x512xbf16>
    %squeeze3A_15 = vector.shape_cast %slice3A_14 : vector<1x128x512xbf16> to vector<128x512xbf16>
    %add3A = arith.addf %squeeze3A, %squeeze3A_15 : vector<128x512xbf16>
    %slice3A_16 = vector.extract_strided_slice %exp23A {offsets = [2, 0, 0], sizes = [1, 128, 512], strides = [1, 1, 1]} : vector<16x128x512xbf16> to vector<1x128x512xbf16>
    %squeeze3A_17 = vector.shape_cast %slice3A_16 : vector<1x128x512xbf16> to vector<128x512xbf16>
    %add3A_18 = arith.addf %add3A, %squeeze3A_17 : vector<128x512xbf16>
    %slice3A_19 = vector.extract_strided_slice %exp23A {offsets = [3, 0, 0], sizes = [1, 128, 512], strides = [1, 1, 1]} : vector<16x128x512xbf16> to vector<1x128x512xbf16>
    %squeeze3A_20 = vector.shape_cast %slice3A_19 : vector<1x128x512xbf16> to vector<128x512xbf16>
    %add3A_21 = arith.addf %add3A_18, %squeeze3A_20 : vector<128x512xbf16>
    %slice3A_22 = vector.extract_strided_slice %exp23A {offsets = [4, 0, 0], sizes = [1, 128, 512], strides = [1, 1, 1]} : vector<16x128x512xbf16> to vector<1x128x512xbf16>
    %squeeze3A_23 = vector.shape_cast %slice3A_22 : vector<1x128x512xbf16> to vector<128x512xbf16>
    %add3A_24 = arith.addf %add3A_21, %squeeze3A_23 : vector<128x512xbf16>
    %slice3A_25 = vector.extract_strided_slice %exp23A {offsets = [5, 0, 0], sizes = [1, 128, 512], strides = [1, 1, 1]} : vector<16x128x512xbf16> to vector<1x128x512xbf16>
    %squeeze3A_26 = vector.shape_cast %slice3A_25 : vector<1x128x512xbf16> to vector<128x512xbf16>
    %add3A_27 = arith.addf %add3A_24, %squeeze3A_26 : vector<128x512xbf16>
    %slice3A_28 = vector.extract_strided_slice %exp23A {offsets = [6, 0, 0], sizes = [1, 128, 512], strides = [1, 1, 1]} : vector<16x128x512xbf16> to vector<1x128x512xbf16>
    %squeeze3A_29 = vector.shape_cast %slice3A_28 : vector<1x128x512xbf16> to vector<128x512xbf16>
    %add3A_30 = arith.addf %add3A_27, %squeeze3A_29 : vector<128x512xbf16>
    %slice3A_31 = vector.extract_strided_slice %exp23A {offsets = [7, 0, 0], sizes = [1, 128, 512], strides = [1, 1, 1]} : vector<16x128x512xbf16> to vector<1x128x512xbf16>
    %squeeze3A_32 = vector.shape_cast %slice3A_31 : vector<1x128x512xbf16> to vector<128x512xbf16>
    %add3A_33 = arith.addf %add3A_30, %squeeze3A_32 : vector<128x512xbf16>
    %slice3A_34 = vector.extract_strided_slice %exp23A {offsets = [8, 0, 0], sizes = [1, 128, 512], strides = [1, 1, 1]} : vector<16x128x512xbf16> to vector<1x128x512xbf16>
    %squeeze3A_35 = vector.shape_cast %slice3A_34 : vector<1x128x512xbf16> to vector<128x512xbf16>
    %add3A_36 = arith.addf %add3A_33, %squeeze3A_35 : vector<128x512xbf16>
    %slice3A_37 = vector.extract_strided_slice %exp23A {offsets = [9, 0, 0], sizes = [1, 128, 512], strides = [1, 1, 1]} : vector<16x128x512xbf16> to vector<1x128x512xbf16>
    %squeeze3A_38 = vector.shape_cast %slice3A_37 : vector<1x128x512xbf16> to vector<128x512xbf16>
    %add3A_39 = arith.addf %add3A_36, %squeeze3A_38 : vector<128x512xbf16>
    %slice3A_40 = vector.extract_strided_slice %exp23A {offsets = [10, 0, 0], sizes = [1, 128, 512], strides = [1, 1, 1]} : vector<16x128x512xbf16> to vector<1x128x512xbf16>
    %squeeze3A_41 = vector.shape_cast %slice3A_40 : vector<1x128x512xbf16> to vector<128x512xbf16>
    %add3A_42 = arith.addf %add3A_39, %squeeze3A_41 : vector<128x512xbf16>
    %slice3A_43 = vector.extract_strided_slice %exp23A {offsets = [11, 0, 0], sizes = [1, 128, 512], strides = [1, 1, 1]} : vector<16x128x512xbf16> to vector<1x128x512xbf16>
    %squeeze3A_44 = vector.shape_cast %slice3A_43 : vector<1x128x512xbf16> to vector<128x512xbf16>
    %add3A_45 = arith.addf %add3A_42, %squeeze3A_44 : vector<128x512xbf16>
    %slice3A_46 = vector.extract_strided_slice %exp23A {offsets = [12, 0, 0], sizes = [1, 128, 512], strides = [1, 1, 1]} : vector<16x128x512xbf16> to vector<1x128x512xbf16>
    %squeeze3A_47 = vector.shape_cast %slice3A_46 : vector<1x128x512xbf16> to vector<128x512xbf16>
    %add3A_48 = arith.addf %add3A_45, %squeeze3A_47 : vector<128x512xbf16>
    %slice3A_49 = vector.extract_strided_slice %exp23A {offsets = [13, 0, 0], sizes = [1, 128, 512], strides = [1, 1, 1]} : vector<16x128x512xbf16> to vector<1x128x512xbf16>
    %squeeze3A_50 = vector.shape_cast %slice3A_49 : vector<1x128x512xbf16> to vector<128x512xbf16>
    %add3A_51 = arith.addf %add3A_48, %squeeze3A_50 : vector<128x512xbf16>
    %slice3A_52 = vector.extract_strided_slice %exp23A {offsets = [14, 0, 0], sizes = [1, 128, 512], strides = [1, 1, 1]} : vector<16x128x512xbf16> to vector<1x128x512xbf16>
    %squeeze3A_53 = vector.shape_cast %slice3A_52 : vector<1x128x512xbf16> to vector<128x512xbf16>
    %add3A_54 = arith.addf %add3A_51, %squeeze3A_53 : vector<128x512xbf16>
    %slice3A_55 = vector.extract_strided_slice %exp23A {offsets = [15, 0, 0], sizes = [1, 128, 512], strides = [1, 1, 1]} : vector<16x128x512xbf16> to vector<1x128x512xbf16>
    %squeeze3A_56 = vector.shape_cast %slice3A_55 : vector<1x128x512xbf16> to vector<128x512xbf16>
    %add3A_57 = arith.addf %add3A_54, %squeeze3A_56 : vector<128x512xbf16>
    %convert_element_type3A_58 = arith.extf %add3A_57 : vector<128x512xbf16> to vector<128x512xf32>
    %convert_element_type3A_59 = arith.extf %reduce_max3A_10 : vector<128x512xbf16> to vector<128x512xf32>
    %and3A = arith.constant 1 : i32
    %and3A_60 = vector.broadcast %and3A : i32 to vector<128x512xi32>
    %and3A_61 = arith.andi %get3A_3, %and3A_60 : vector<128x512xi32>
    %ne3A = arith.constant 0 : i32
    %ne3A_62 = vector.broadcast %ne3A : i32 to vector<128x512xi32>
    %ne3A_63 = arith.cmpi ne, %and3A_61, %ne3A_62 : vector<128x512xi32>
    %and3A_64 = arith.constant 2 : i32
    %and3A_65 = vector.broadcast %and3A_64 : i32 to vector<128x512xi32>
    %and3A_66 = arith.andi %get3A_3, %and3A_65 : vector<128x512xi32>
    %ne3A_67 = arith.constant 0 : i32
    %ne3A_68 = vector.broadcast %ne3A_67 : i32 to vector<128x512xi32>
    %ne3A_69 = arith.cmpi ne, %and3A_66, %ne3A_68 : vector<128x512xi32>
    %and3A_70 = arith.constant 4 : i32
    %and3A_71 = vector.broadcast %and3A_70 : i32 to vector<128x512xi32>
    %and3A_72 = arith.andi %get3A_3, %and3A_71 : vector<128x512xi32>
    %ne3A_73 = arith.constant 0 : i32
    %ne3A_74 = vector.broadcast %ne3A_73 : i32 to vector<128x512xi32>
    %ne3A_75 = arith.cmpi ne, %and3A_72, %ne3A_74 : vector<128x512xi32>
    %and3A_76 = arith.constant 8 : i32
    %and3A_77 = vector.broadcast %and3A_76 : i32 to vector<128x512xi32>
    %and3A_78 = arith.andi %get3A_3, %and3A_77 : vector<128x512xi32>
    %ne3A_79 = arith.constant 0 : i32
    %ne3A_80 = vector.broadcast %ne3A_79 : i32 to vector<128x512xi32>
    %ne3A_81 = arith.cmpi ne, %and3A_78, %ne3A_80 : vector<128x512xi32>
    %slice3A_82 = vector.extract_strided_slice %convert_element_type3A {offsets = [1, 0, 0], sizes = [1, 128, 512], strides = [1, 1, 1]} : vector<16x128x512xbf16> to vector<1x128x512xbf16>
    %squeeze3A_83 = vector.shape_cast %slice3A_82 : vector<1x128x512xbf16> to vector<128x512xbf16>
    %slice3A_84 = vector.extract_strided_slice %convert_element_type3A {offsets = [0, 0, 0], sizes = [1, 128, 512], strides = [1, 1, 1]} : vector<16x128x512xbf16> to vector<1x128x512xbf16>
    %squeeze3A_85 = vector.shape_cast %slice3A_84 : vector<1x128x512xbf16> to vector<128x512xbf16>
    %select_n3A = arith.select %ne3A_63, %squeeze3A_83, %squeeze3A_85 : vector<128x512xi1>, vector<128x512xbf16>
    %slice3A_86 = vector.extract_strided_slice %convert_element_type3A {offsets = [3, 0, 0], sizes = [1, 128, 512], strides = [1, 1, 1]} : vector<16x128x512xbf16> to vector<1x128x512xbf16>
    %squeeze3A_87 = vector.shape_cast %slice3A_86 : vector<1x128x512xbf16> to vector<128x512xbf16>
    %slice3A_88 = vector.extract_strided_slice %convert_element_type3A {offsets = [2, 0, 0], sizes = [1, 128, 512], strides = [1, 1, 1]} : vector<16x128x512xbf16> to vector<1x128x512xbf16>
    %squeeze3A_89 = vector.shape_cast %slice3A_88 : vector<1x128x512xbf16> to vector<128x512xbf16>
    %select_n3A_90 = arith.select %ne3A_63, %squeeze3A_87, %squeeze3A_89 : vector<128x512xi1>, vector<128x512xbf16>
    %slice3A_91 = vector.extract_strided_slice %convert_element_type3A {offsets = [5, 0, 0], sizes = [1, 128, 512], strides = [1, 1, 1]} : vector<16x128x512xbf16> to vector<1x128x512xbf16>
    %squeeze3A_92 = vector.shape_cast %slice3A_91 : vector<1x128x512xbf16> to vector<128x512xbf16>
    %slice3A_93 = vector.extract_strided_slice %convert_element_type3A {offsets = [4, 0, 0], sizes = [1, 128, 512], strides = [1, 1, 1]} : vector<16x128x512xbf16> to vector<1x128x512xbf16>
    %squeeze3A_94 = vector.shape_cast %slice3A_93 : vector<1x128x512xbf16> to vector<128x512xbf16>
    %select_n3A_95 = arith.select %ne3A_63, %squeeze3A_92, %squeeze3A_94 : vector<128x512xi1>, vector<128x512xbf16>
    %slice3A_96 = vector.extract_strided_slice %convert_element_type3A {offsets = [7, 0, 0], sizes = [1, 128, 512], strides = [1, 1, 1]} : vector<16x128x512xbf16> to vector<1x128x512xbf16>
    %squeeze3A_97 = vector.shape_cast %slice3A_96 : vector<1x128x512xbf16> to vector<128x512xbf16>
    %slice3A_98 = vector.extract_strided_slice %convert_element_type3A {offsets = [6, 0, 0], sizes = [1, 128, 512], strides = [1, 1, 1]} : vector<16x128x512xbf16> to vector<1x128x512xbf16>
    %squeeze3A_99 = vector.shape_cast %slice3A_98 : vector<1x128x512xbf16> to vector<128x512xbf16>
    %select_n3A_100 = arith.select %ne3A_63, %squeeze3A_97, %squeeze3A_99 : vector<128x512xi1>, vector<128x512xbf16>
    %slice3A_101 = vector.extract_strided_slice %convert_element_type3A {offsets = [9, 0, 0], sizes = [1, 128, 512], strides = [1, 1, 1]} : vector<16x128x512xbf16> to vector<1x128x512xbf16>
    %squeeze3A_102 = vector.shape_cast %slice3A_101 : vector<1x128x512xbf16> to vector<128x512xbf16>
    %slice3A_103 = vector.extract_strided_slice %convert_element_type3A {offsets = [8, 0, 0], sizes = [1, 128, 512], strides = [1, 1, 1]} : vector<16x128x512xbf16> to vector<1x128x512xbf16>
    %squeeze3A_104 = vector.shape_cast %slice3A_103 : vector<1x128x512xbf16> to vector<128x512xbf16>
    %select_n3A_105 = arith.select %ne3A_63, %squeeze3A_102, %squeeze3A_104 : vector<128x512xi1>, vector<128x512xbf16>
    %slice3A_106 = vector.extract_strided_slice %convert_element_type3A {offsets = [11, 0, 0], sizes = [1, 128, 512], strides = [1, 1, 1]} : vector<16x128x512xbf16> to vector<1x128x512xbf16>
    %squeeze3A_107 = vector.shape_cast %slice3A_106 : vector<1x128x512xbf16> to vector<128x512xbf16>
    %slice3A_108 = vector.extract_strided_slice %convert_element_type3A {offsets = [10, 0, 0], sizes = [1, 128, 512], strides = [1, 1, 1]} : vector<16x128x512xbf16> to vector<1x128x512xbf16>
    %squeeze3A_109 = vector.shape_cast %slice3A_108 : vector<1x128x512xbf16> to vector<128x512xbf16>
    %select_n3A_110 = arith.select %ne3A_63, %squeeze3A_107, %squeeze3A_109 : vector<128x512xi1>, vector<128x512xbf16>
    %slice3A_111 = vector.extract_strided_slice %convert_element_type3A {offsets = [13, 0, 0], sizes = [1, 128, 512], strides = [1, 1, 1]} : vector<16x128x512xbf16> to vector<1x128x512xbf16>
    %squeeze3A_112 = vector.shape_cast %slice3A_111 : vector<1x128x512xbf16> to vector<128x512xbf16>
    %slice3A_113 = vector.extract_strided_slice %convert_element_type3A {offsets = [12, 0, 0], sizes = [1, 128, 512], strides = [1, 1, 1]} : vector<16x128x512xbf16> to vector<1x128x512xbf16>
    %squeeze3A_114 = vector.shape_cast %slice3A_113 : vector<1x128x512xbf16> to vector<128x512xbf16>
    %select_n3A_115 = arith.select %ne3A_63, %squeeze3A_112, %squeeze3A_114 : vector<128x512xi1>, vector<128x512xbf16>
    %slice3A_116 = vector.extract_strided_slice %convert_element_type3A {offsets = [15, 0, 0], sizes = [1, 128, 512], strides = [1, 1, 1]} : vector<16x128x512xbf16> to vector<1x128x512xbf16>
    %squeeze3A_117 = vector.shape_cast %slice3A_116 : vector<1x128x512xbf16> to vector<128x512xbf16>
    %slice3A_118 = vector.extract_strided_slice %convert_element_type3A {offsets = [14, 0, 0], sizes = [1, 128, 512], strides = [1, 1, 1]} : vector<16x128x512xbf16> to vector<1x128x512xbf16>
    %squeeze3A_119 = vector.shape_cast %slice3A_118 : vector<1x128x512xbf16> to vector<128x512xbf16>
    %select_n3A_120 = arith.select %ne3A_63, %squeeze3A_117, %squeeze3A_119 : vector<128x512xi1>, vector<128x512xbf16>
    %select_n3A_121 = arith.select %ne3A_69, %select_n3A_90, %select_n3A : vector<128x512xi1>, vector<128x512xbf16>
    %select_n3A_122 = arith.select %ne3A_69, %select_n3A_100, %select_n3A_95 : vector<128x512xi1>, vector<128x512xbf16>
    %select_n3A_123 = arith.select %ne3A_69, %select_n3A_110, %select_n3A_105 : vector<128x512xi1>, vector<128x512xbf16>
    %select_n3A_124 = arith.select %ne3A_69, %select_n3A_120, %select_n3A_115 : vector<128x512xi1>, vector<128x512xbf16>
    %select_n3A_125 = arith.select %ne3A_75, %select_n3A_122, %select_n3A_121 : vector<128x512xi1>, vector<128x512xbf16>
    %select_n3A_126 = arith.select %ne3A_75, %select_n3A_124, %select_n3A_123 : vector<128x512xi1>, vector<128x512xbf16>
    %select_n3A_127 = arith.select %ne3A_81, %select_n3A_126, %select_n3A_125 : vector<128x512xi1>, vector<128x512xbf16>
    %convert_element_type3A_128 = arith.extf %select_n3A_127 : vector<128x512xbf16> to vector<128x512xf32>
    %log3A = math.log %convert_element_type3A_58 : vector<128x512xf32>
    %add3A_129 = arith.addf %log3A, %convert_element_type3A_59 : vector<128x512xf32>
    %sub3A_130 = arith.subf %add3A_129, %convert_element_type3A_128 : vector<128x512xf32>
    %gt3A = arith.constant 0 : i32
    %gt3A_131 = vector.broadcast %gt3A : i32 to vector<128x512xi32>
    %gt3A_132 = arith.cmpi sgt, %get3A_3, %gt3A_131 : vector<128x512xi32>
    %convert_element_type3A_133 = arith.extui %gt3A_132 : vector<128x512xi1> to vector<128x512xi32>
    %convert_element_type3A_134 = arith.sitofp %convert_element_type3A_133 : vector<128x512xi32> to vector<128x512xf32>
    %mul3A_135 = arith.mulf %sub3A_130, %convert_element_type3A_134 : vector<128x512xf32>
    %reduce_sum3A = vector.shape_cast %mul3A_135 : vector<128x512xf32> to vector<1x128x512xf32>
    %reduce_sum3A_136 = arith.constant dense<0.000000e+00> : vector<1xf32>
    %reduce_sum3A_137 = vector.multi_reduction <add>, %reduce_sum3A, %reduce_sum3A_136 [1, 2] : vector<1x128x512xf32> to vector<1xf32>
    %reduce_sum3A_138 = vector.shape_cast %reduce_sum3A_137 : vector<1xf32> to vector<1x1x1xf32>
    %reduce_sum3A_139 = vector.extract %reduce_sum3A_138[0, 0, 0] : f32 from vector<1x1x1xf32>
    %reduce_sum3A_140 = vector.shape_cast %convert_element_type3A_134 : vector<128x512xf32> to vector<1x128x512xf32>
    %reduce_sum3A_141 = arith.constant dense<0.000000e+00> : vector<1xf32>
    %reduce_sum3A_142 = vector.multi_reduction <add>, %reduce_sum3A_140, %reduce_sum3A_141 [1, 2] : vector<1x128x512xf32> to vector<1xf32>
    %reduce_sum3A_143 = vector.shape_cast %reduce_sum3A_142 : vector<1xf32> to vector<1x1x1xf32>
    %reduce_sum3A_144 = vector.extract %reduce_sum3A_143[0, 0, 0] : f32 from vector<1x1x1xf32>
    %iota3A = tpu.iota {dimensions = array<i32: 1>} : vector<1x128xi32>
    %eq3A = arith.constant 0 : i32
    %eq3A_145 = vector.broadcast %eq3A : i32 to vector<1x128xi32>
    %eq3A_146 = arith.cmpi eq, %iota3A, %eq3A_145 : vector<1x128xi32>
    %jit3A = arith.constant 0.000000e+00 : f32
    %broadcast_in_dim3A_147 = vector.broadcast %reduce_sum3A_139 : f32 to vector<1x128xf32>
    %broadcast_in_dim3A_148 = vector.broadcast %jit3A : f32 to vector<1x128xf32>
    %select_n3A_149 = arith.select %eq3A_146, %broadcast_in_dim3A_147, %broadcast_in_dim3A_148 : vector<1x128xi1>, vector<1x128xf32>
    %eq3A_150 = arith.constant 1 : i32
    %eq3A_151 = vector.broadcast %eq3A_150 : i32 to vector<1x128xi32>
    %eq3A_152 = arith.cmpi eq, %iota3A, %eq3A_151 : vector<1x128xi32>
    %jit3A_153 = arith.constant 0.000000e+00 : f32
    %broadcast_in_dim3A_154 = vector.broadcast %reduce_sum3A_144 : f32 to vector<1x128xf32>
    %broadcast_in_dim3A_155 = vector.broadcast %jit3A_153 : f32 to vector<1x128xf32>
    %select_n3A_156 = arith.select %eq3A_152, %broadcast_in_dim3A_154, %broadcast_in_dim3A_155 : vector<1x128xi1>, vector<1x128xf32>
    %add3A_157 = arith.addf %select_n3A_149, %select_n3A_156 : vector<1x128xf32>
    %eq3A_158 = arith.constant 0 : i32
    %eq3A_159 = arith.cmpi eq, %arg0, %eq3A_158 : i32
    %eq3A_160 = arith.constant 0 : i32
    %eq3A_161 = arith.cmpi eq, %arg1, %eq3A_160 : i32
    %and3A_162 = arith.andi %eq3A_159, %eq3A_161 : i1
    %convert_element_type3A_163 = arith.extui %and3A_162 : i1 to i32
    %cond3A = arith.constant 0 : i32
    %cond3A_164 = arith.cmpi ne, %convert_element_type3A_163, %cond3A : i32
    scf.if %cond3A_164 {
      %swap3A = arith.constant 0 : index
      %swap3A_169 = arith.constant 0 : index
      %swap3A_170 = vector.load %arg4[%swap3A, %swap3A_169] : memref<1x128xf32, #tpu.memory_space<vmem>>, vector<1x128xf32>
      tpu.vector_store %arg4[%swap3A, %swap3A_169], %add3A_157 {strides = array<i32>} : memref<1x128xf32, #tpu.memory_space<vmem>>, vector<1x128xf32>,
    } else {
    }
    %not3A = arith.constant true
    %not3A_165 = arith.xori %and3A_162, %not3A : i1
    %convert_element_type3A_166 = arith.extui %not3A_165 : i1 to i32
    %cond3A_167 = arith.constant 0 : i32
    %cond3A_168 = arith.cmpi ne, %convert_element_type3A_166, %cond3A_167 : i32
    scf.if %cond3A_168 {
      %get3A_169 = arith.constant 0 : index
      %get3A_170 = arith.constant 0 : index
      %get3A_171 = vector.load %arg4[%get3A_169, %get3A_170] : memref<1x128xf32, #tpu.memory_space<vmem>>, vector<1x128xf32>
      %add3A_172 = arith.addf %get3A_171, %add3A_157 : vector<1x128xf32>
      %swap3A = arith.constant 0 : index
      %swap3A_173 = arith.constant 0 : index
      %swap3A_174 = vector.load %arg4[%swap3A, %swap3A_173] : memref<1x128xf32, #tpu.memory_space<vmem>>, vector<1x128xf32>
      tpu.vector_store %arg4[%swap3A, %swap3A_173], %add3A_172 {strides = array<i32>} : memref<1x128xf32, #tpu.memory_space<vmem>>, vector<1x128xf32>,
    } else {
    }
    return
  }
  func.func @transform_0(%arg0: i32, %arg1: i32) -> (i32, i32, i32, i32) {
    %c0_i32 = arith.constant 0 : i32
    %c0_i32_0 = arith.constant 0 : i32
    %c0_i32_1 = arith.constant 0 : i32
    return %arg0, %c0_i32, %arg1, %c0_i32_0 : i32, i32, i32, i32
  }
  func.func @transform_1(%arg0: i32, %arg1: i32) -> (i32, i32, i32) {
    %c0_i32 = arith.constant 0 : i32
    %c0_i32_0 = arith.constant 0 : i32
    return %arg0, %arg1, %c0_i32 : i32, i32, i32
  }
  func.func @transform_2(%arg0: i32, %arg1: i32) -> (i32, i32) {
    %c0_i32 = arith.constant 0 : i32
    %c0_i32_0 = arith.constant 0 : i32
    %c0_i32_1 = arith.constant 0 : i32
    return %c0_i32, %c0_i32_0 : i32, i32
  }
}

</mosaic_0001>

<sc_bundles>
// kernel: kernel.4.cloned.1.call-start
scs
__scs_entry_jumppad:
0x0: {  	(pc) =	sbr.rel $0x88, $3  }
0x1: {  	(tag) =	ssettag $0x0;
	lr =	simm.s32 $0x1  }
0x2: {  	[smem:$0x3F9C] =	sst lr;
	_ =	strace $0xD0000000  }
0x3: {  	_ = 	snop  }
0x4: {  	_ = 	snop  }
0x5: {  	_ = 	snop  }
0x6: {  	_ = 	snop  }
0x7: {  	_ = 	snop  }
__scs_overlays_trampoline_lowered:
0x8: {  	[smem:$0x3FAB] =	sst s0  }
0x9: {  	[smem:$0x3FAC] =	sst s1  }
0xa: {  	[smem:$0x3FAD] =	sst s2  }
0xb: {  	[smem:$0x3FAE] =	sst s3  }
0xc: {  	[smem:$0x3FAF] =	sst s4  }
0xd: {  	[smem:$0x3FB0] =	sst s5  }
0xe: {  	[smem:$0x3FB1] =	sst s6  }
0xf: {  	[smem:$0x3FB2] =	sst s7  }
0x10: {  	[smem:$0x3FB3] =	sst s8  }
0x11: {  	[smem:$0x3FB4] =	sst s9;
	s0 =	simm.s32 @!p0 $0x0  }
0x12: {  	s1 =	sld [smem:$0x3F9A];
	s0 =	simm.s32 @p0 $0x1  }
0x13: {  	[smem:$0x3FB5] =	sst s0;
	s0 =	simm.s32 @!p1 $0x0  }
0x14: {  	s2 =	sld [smem:$0x3F99];
	s0 =	simm.s32 @p1 $0x1  }
0x15: {  	[smem:$0x3FB6] =	sst s0;
	s0 =	simm.s32 @!p2 $0x0  }
0x16: {  	s3 =	sld [smem:$0x3FDB];
	s0 =	simm.s32 @p2 $0x1  }
0x17: {  	s4 =	simm.s32 $0x1BF5;
	[smem:$0x3FB8] =	sst s0  }
0x18: {  	s0 =	sld [smem:$0x3F9B];
	_ =	swait.ge [sflag:s4], $0x0  }
0x19: {  	s7 =	sld [smem:$0x3F9C]  }
0x1a: {  	s8 =	sadd.s32 $0xFFFFE003, lr  }
0x1b: {  	s9 =	sadd.s32 $0xFFFFFEF7, lr;
	s5 =	simm.s32 $0xFFFFFFFF;
	p2 =	slt.u32 s8, $0xFFFFF086  }
0x1c: {  	p1 =	slt.u32 s9, $0xF7A;
	s5 =	simm.s32 @!p2 $0x0  }
0x1d: {  	s5 =	simm.s32 @p1 $0x1;
	p0 =	seq.s32 s7, s2  }
0x1e: {  	s7 =	smul.u32 @!p0 $0xF7A, s2;
	p2 =	seq.s32 @!p0 s5, $0x0  }
0x1f: {  	s9 =	smul.u32 $0xF7A, s1;
	s8 =	simm.s32 @!p0 $0x1BF5;
	p2 =	por !p2, p0  }
0x20: {  	[sflag:s8] =	ssyncset.s32 @!p0 $0xFFFFF086;
	s6 =	sadd.s32 @!p0 s3, s7;
	s7 =	simm.s32 @!p0 $0x108  }
0x21: {  	s3 =	sadd.s32 s3, s9;
	s6 =	sadd.s32 @!p0 $0x88, s6;
	s7 =	simm.s32 @p2 $0x1082  }
0x22: {  	[simem:s7], [sflag:s8] =	dma.local @!p0 [hbm:s6], $0xF7A  }
0x23: {  	s9 =	sor.u32 $0xD0000000, s2;
	s6 =	simm.s32 $0x108;
	_ =	swait.ge @!p0 [sflag:s8], $0x0  }
0x24: {  	s3 =	sadd.s32 $0x88, s3;
	s6 =	simm.s32 @!p1 $0x1082;
	[sflag:s4] =	ssyncset.s32 $0xFFFFF086  }
0x25: {  	[simem:s6], [sflag:s4] =	dma.local [hbm:s3], $0xF7A  }
0x26: {  	[smem:$0x3F9C] =	sst s1;
	(tag) =	ssettag s2;
	_ =	strace s9  }
0x27: {  	s1 =	sld [smem:$0x3FAC]  }
0x28: {  	s2 =	sld [smem:$0x3FAD]  }
0x29: {  	s4 =	sld [smem:$0x3FAF]  }
0x2a: {  	p0 =	seq.s32 s5, $0x0;
	s5 =	sld [smem:$0x3FB0]  }
0x2b: {  	s6 =	sld [smem:$0x3FB1]  }
0x2c: {  	s7 =	sld [smem:$0x3FB2]  }
0x2d: {  	s3 =	simm.s32 $0x108;
	s8 =	sld [smem:$0x3FB3]  }
0x2e: {  	s3 =	simm.s32 @!p0 $0x1082;
	s9 =	sld [smem:$0x3FB4]  }
0x2f: {  	lr =	sadd.s32 s0, s3;
	s0 =	sld [smem:$0x3FAB]  }
0x30: {  	s3 =	sld [smem:$0x3FAE]  }
0x31: {  	[smem:$0x3FB7] =	sst s10  }
0x32: {  	s10 =	sld [smem:$0x3FB5];
	_ =	sdelay $0x3  }
0x33: {  	p0 =	seq.s32 s10, $0x1;
	s10 =	sld [smem:$0x3FB7];
	_ =	sdelay $0x3  }
0x34: {  	[smem:$0x3FB7] =	sst s10  }
0x35: {  	s10 =	sld [smem:$0x3FB6];
	_ =	sdelay $0x3  }
0x36: {  	p1 =	seq.s32 s10, $0x1;
	s10 =	sld [smem:$0x3FB7];
	_ =	sdelay $0x3  }
0x37: {  	[smem:$0x3FB7] =	sst s10  }
0x38: {  	s10 =	sld [smem:$0x3FB8]  }
0x39: {  	_ = 	snop;
	(pc) =	sbr.ind lr, $3  }
0x3a: {  	_ = 	snop  }
0x3b: {  	_ = 	snop  }
0x3c: {  	p2 =	seq.s32 s10, $0x1;
	s10 =	sld [smem:$0x3FB7]  }
0x3d: {  	_ =	shalt  }
0x3e: {  	_ =	shalt  }
0x3f: {  	_ =	shalt  }
0x40: {  	_ =	shalt  }
0x41: {  	_ =	shalt  }
0x42: {  	_ =	shalt  }
0x43: {  	_ =	shalt  }
0x44: {  	_ =	shalt  }
0x45: {  	_ =	shalt  }
0x46: {  	_ =	shalt  }
0x47: {  	_ =	shalt  }
0x48: {  	_ =	shalt  }
0x49: {  	_ =	shalt  }
0x4a: {  	_ =	shalt  }
0x4b: {  	_ =	shalt  }
0x4c: {  	_ =	shalt  }
0x4d: {  	_ =	shalt  }
0x4e: {  	_ =	shalt  }
0x4f: {  	_ =	shalt  }
0x50: {  	_ =	shalt  }
0x51: {  	_ =	shalt  }
0x52: {  	_ =	shalt  }
0x53: {  	_ =	shalt  }
0x54: {  	_ =	shalt  }
0x55: {  	_ =	shalt  }
0x56: {  	_ =	shalt  }
0x57: {  	_ =	shalt  }
0x58: {  	_ =	shalt  }
0x59: {  	_ =	shalt  }
0x5a: {  	_ =	shalt  }
0x5b: {  	_ =	shalt  }
0x5c: {  	_ =	shalt  }
0x5d: {  	_ =	shalt  }
0x5e: {  	_ =	shalt  }
0x5f: {  	_ =	shalt  }
0x60: {  	_ =	shalt  }
0x61: {  	_ =	shalt  }
0x62: {  	_ =	shalt  }
0x63: {  	_ =	shalt  }
0x64: {  	_ =	shalt  }
0x65: {  	_ =	shalt  }
0x66: {  	_ =	shalt  }
0x67: {  	_ =	shalt  }
0x68: {  	_ =	shalt  }
0x69: {  	_ =	shalt  }
0x6a: {  	_ =	shalt  }
0x6b: {  	_ =	shalt  }
0x6c: {  	_ =	shalt  }
0x6d: {  	_ =	shalt  }
0x6e: {  	_ =	shalt  }
0x6f: {  	_ =	shalt  }
0x70: {  	_ =	shalt  }
0x71: {  	_ =	shalt  }
0x72: {  	_ =	shalt  }
0x73: {  	_ =	shalt  }
0x74: {  	_ =	shalt  }
0x75: {  	_ =	shalt  }
0x76: {  	_ =	shalt  }
0x77: {  	_ =	shalt  }
0x78: {  	_ =	shalt  }
0x79: {  	_ =	shalt  }
0x7a: {  	_ =	shalt  }
0x7b: {  	_ =	shalt  }
0x7c: {  	_ =	shalt  }
0x7d: {  	_ =	shalt  }
0x7e: {  	_ =	shalt  }
0x7f: {  	_ =	shalt  }
0x80: {  	_ =	shalt  }
0x81: {  	_ =	shalt  }
0x82: {  	_ =	shalt  }
0x83: {  	_ =	shalt  }
0x84: {  	_ =	shalt  }
0x85: {  	_ =	shalt  }
0x86: {  	_ =	shalt  }
0x87: {  	_ =	shalt  }
.Lfunc_end0:
.L_simem_size_0:
called_computation_lowered:
.L_overlay_start_0:
0x88: {  	s2 =	sld [smem:$0x3FD9]  }
0x89: {  	s3 =	sld [smem:$0x3FFE];
	_ =	sdelay $0x1  }
0x8a: {  	s1 =	srdreg.scid  }
0x8b: {  	s0 =	sand.u32 $0x1, s1  }
0x8c: {  	s17 =	sshll.u32 s0, $0xA;
	s2 =	sadd.s32 s3, s2  }
0x8d: {  	s2 =	sadd.s32 s2, s17  }
0x8e: {  	[smem:$0x3FC3] =	sst s2  }
0x8f: {  	_ = 	snop  }
0x90: {  	s2 =	sld [smem:$0x3FC9]  }
0x91: {  	s18 =	sld [smem:$0x3FC7]  }
0x92: {  	s4 =	sld [smem:$0x3FC6]  }
0x93: {  	s5 =	sld [smem:$0x3FC5];
	(tm) =	ssettm $0x1  }
0x94: {  	s6 =	sld [smem:$0x3FFB];
	_ =	sdelay $0x3  }
0x95: {  	_ =	strace s6  }
0x96: {  	s6 =	sld [smem:$0x3FFC];
	_ =	sdelay $0x3  }
0x97: {  	_ =	strace s6  }
0x98: {  	s6 =	sld [smem:$0x3FFD];
	_ =	sdelay $0x3  }
0x99: {  	_ =	strace s6  }
0x9a: {  	_ =	strace $0x8FFFFFFF  }
0x9b: {  	s19 =	sld [smem:$0x3FDB];
	_ =	sdelay $0x1  }
0x9c: {  	s7 =	simm.s32 $_scs_section_size  }
0x9d: {  	s8 =	simm.s32 $_size__tile_overlayer_lowered;
	s9 =	simm.s32 $_tile_overlayer_lowered  }
0x9e: {  	s22 =	simm.s32 $0x1BFF;
	s21 =	sshll.u32 s9, $0x1;
	s6 =	sadd.s32 s7, s19  }
0x9f: {  	s10 =	simm.s32 $0x0;
	s20 =	sshll.u32 s8, $0x1;
	s8 =	sadd.s32 s21, s6  }
0xa0: {  	[timem:s10], [sflag:s22] =	dma.local [hbm:s8], s20  }
0xa1: {  	_ =	swait.ge [sflag:s22], s20  }
0xa2: {  	s7 =	ssub.s32 $0x0, s20;
	[sflag:s22] =	ssyncset.done $0x0  }
0xa3: {  	[sflag:s22] =	ssyncadd.s32 s7;
	_ =	sdelay $0x1  }
0xa4: {  	s23 =	simm.s32 $0x1B8B  }
0xa5: {  	_ =	swait.ge [sflag:s23], $0x1  }
0xa6: {  	[sflag:s23] =	ssyncset.done $0x0  }
0xa7: {  	s25 =	simm.s32 $0x1B8E;
	s24 =	sld [smem:$0x3FFE];
	[sflag:s23] =	ssyncadd.s32 $0xFFFFFFFF  }
0xa8: {  	s26 =	simm.s32 $execute0_lowered;
	[smem:$0x3FD2] =	sst s25  }
0xa9: {  	s8 =	sshll.u32 s26, $0x1;
	_ =	strace $0x80000046;
	[dreg:$0x1] =	wrdreg $0xFFFFFFFF  }
0xaa: {  	s28 =	simm.s32 $_size_execute0_lowered;
	s6 =	sadd.s32 s6, s8;
	[dreg:$0x0] =	wrdreg $0x0  }
0xab: {  	s8 =	sshll.u32 s28, $0x1;
	[dreg:$0x2] =	wrdreg s6  }
0xac: {  	[dreg:$0x3] =	wrdreg s8  }
0xad: {  	[dreg:$0x4] =	wrdreg $0xC0  }
0xae: {  	_ =	task [dreg:s10], $0x5FFFF  }
0xaf: {  	[dreg:$0x1] =	wrdreg $0xFFFFFFFF  }
0xb0: {  	[dreg:$0x0] =	wrdreg $0x60  }
0xb1: {  	[dreg:$0x2] =	wrdreg s2  }
0xb2: {  	[dreg:$0x3] =	wrdreg s18  }
0xb3: {  	[dreg:$0x4] =	wrdreg s4  }
0xb4: {  	[dreg:$0x5] =	wrdreg s5  }
0xb5: {  	[dreg:$0x6] =	wrdreg s24  }
0xb6: {  	[dreg:$0x7] =	wrdreg $0x9  }
0xb7: {  	_ =	task.clear_ibuf [dreg:s10], $0x8FFFF;
	_ =	strace $0x90000046  }
0xb8: {  	s29 =	simm.s32 $0x9;
	_ =	strace $0x80000048  }
0xb9: {  	_ =	swait.ge [sflag:s29], $0x1  }
0xba: {  	[sflag:s29] =	ssyncadd.s32 $0xFFFFFFFF  }
0xbb: {  	_ =	strace $0x90000048  }
0xbc: {  	_ =	sfence  }
0xbd: {  	s30 =	sld [smem:$0x0];
	_ =	sdelay $0x2  }
0xbe: {  	s31 =	sshll.u32 s1, $0xD;
	s1 =	sshrl.u32 s1, $0x2  }
0xbf: {  	s3 =	sand.u32 $0x4000, s31;
	s1 =	sadd.s32 s1, s30  }
0xc0: {  	s0 =	sor.u32 s3, s0;
	s1 =	sshll.u32 s1, $0x11  }
0xc1: {  	s0 =	sor.u32 s1, s0  }
0xc2: {  	s0 =	sadd.s32 $0x8F2B, s0  }
0xc3: {  	[sflag:s0] =	ssyncadd.remote.s32 $0x1  }
0xc4: {  	_ =	sfence.sel $0xFFFF  }
0xc5: {  	[dreg:$0x0] =	wrdreg $0xFFFFFFFF;
	(pc) =	sbr.abs _section_cstart, $3  }
0xc6: {  	[dreg:$0x1] =	wrdreg $0xFFFFFFFF  }
0xc7: {  	_ =	task.clear_ibuf [dreg:s10], $0x2FFFF;
	_ =	strace $0x9FFFFFFF  }
0xc8: {  	(tm) =	ssettm $0x7FFFFFFF  }
0xc9: {  	_ =	shalt  }
tec
execute0_lowered:
.L_overlay_start_1:
0x0: {  	(tag) =	ssettag $0x1  }
0x1: {  	s1 =	rddreg [dreg:$0x0]  }
0x2: {  	s2 =	rddreg [dreg:$0x1]  }
0x3: {  	s3 =	rddreg [dreg:$0x2]  }
0x4: {  	s5 =	rddreg [dreg:$0x3]  }
0x5: {  	s0 =	rddreg [dreg:$0x4]  }
0x6: {  	s4 =	srdreg.scid;
	s7 =	stileid.u32  }
0x7: {  	s6 =	simm.s32 $0x0;
	s17 =	simm.s32 $0xC000;
	s18 =	simm.s32 $0x2000  }
0x8: {  	s19 =	simm.s32 $0x6000;
	s20 =	simm.s32 $0xA000;
	s21 =	simm.s32 $0xE000  }
0x9: {  	s22 =	simm.s32 $0x1;
	s23 =	simm.s32 $0x2;
	s24 =	simm.s32 $0x10000  }
0xa: {  	s25 =	simm.s32 $0x3;
	s4 =	sand.u32 $0x1, s4;
	s7 =	sshll.u32 s7, $0x1  }
0xb: {  	s26 =	simm.s32 $0x0;
	[smem:$0x7FF] =	sst s6;
	s7 =	sor.u32 s4, s7  }
0xc: {  	_ =	strace $0x80000047;
	s4 =	ssub.s32 $0x2, s4;
	s8 =	sshll.u32 s7, $0x6  }
0xd: {  	s31 =	sshrl.u32 s4, $0x1;
	s14 =	sshll.u32 s7, $0xD;
	s0 =	sadd.s32 s8, s0  }
0xe: {  	s4 =	ssub.s32 s4, s31;
	s7 =	sadd.s32 s1, s14;
	s8 =	sadd.s32 s2, s14  }
0xf: {  	s9 =	sadd.s32 s3, s14;
	s10 =	sadd.s32 s5, s14;
	s11 =	sor.u32 $0x800, s14  }
0x10: {  	v0 =	vimm.f32 $0.0e+00;
	s14 =	sor.u32 $0x400, s14;
	s12 =	sadd.s32 $0x600, s0;
	s13 =	smax.u32 s4, $0x1  }
.LBB2_1:
0x11: {  	[tilespmem:s6], [sflag:$0x1] =	stream.linear.gather [hbm4b:s7+s6], $0x2000, $0x38;
	[tilespmem:$0x10200] =	vst v63  }
0x12: {  	s0 =	simm.s32 $0x4000  }
0x13: {  	[tilespmem:s0], [sflag:$0x1] =	stream.linear.gather [hbm4b:s8+s6], $0x2000, $0x38;
	[tilespmem:$0x10200] =	vst v63  }
0x14: {  	s31 =	simm.s32 $0x8000  }
0x15: {  	[tilespmem:s31], [sflag:$0x1] =	stream.linear.gather [hbm4b:s9+s6], $0x2000, $0x38;
	[tilespmem:$0x10200] =	vst v63  }
0x16: {  	v1 =	vimm.f32 $0.0e+00;
	s28 =	simm.s32 $0x0  }
0x17: {  	v2 =	vimm.f32 $0.0e+00;
	v3 =	vimm.f32 $0.0e+00;
	v4 =	vimm.f32 $0.0e+00;
	[tilespmem:s17], [sflag:$0x1] =	stream.linear.gather [hbm4b:s10+s6], $0x2000, $0x38;
	[tilespmem:$0x10200] =	vst v63  }
.LBB2_2:
0x18: {  	s29 =	sshll.u32 s28, $0xB  }
0x19: {  	s0 =	sor.u32 s14, s29  }
0x1a: {  	s30 =	simm.s32 $0x0;
	s4 =	sadd.s32 s1, s0  }
0x1b: {  	[tilespmem:s18], [sflag:$0x2] =	stream.linear.gather [hbm4b:s4+s30], $0x2000, $0x38;
	[tilespmem:$0x10200] =	vst v63  }
0x1c: {  	s15 =	sadd.s32 s2, s0  }
0x1d: {  	[tilespmem:s19], [sflag:$0x2] =	stream.linear.gather [hbm4b:s15+s30], $0x2000, $0x38;
	[tilespmem:$0x10200] =	vst v63  }
0x1e: {  	s16 =	sadd.s32 s3, s0  }
0x1f: {  	[tilespmem:s20], [sflag:$0x2] =	stream.linear.gather [hbm4b:s16+s30], $0x2000, $0x38;
	[tilespmem:$0x10200] =	vst v63  }
0x20: {  	s0 =	sadd.s32 s5, s0  }
0x21: {  	[tilespmem:s21], [sflag:$0x2] =	stream.linear.gather [hbm4b:s0+s30], $0x2000, $0x38;
	[tilespmem:$0x10200] =	vst v63  }
0x22: {  	_ =	swait.ge [sflag:s22], $0x2000  }
0x23: {  	[sflag:s22] =	ssyncset.done $0x0  }
0x24: {  	[sflag:s22] =	ssyncadd.s32 $0xFFFFE000  }
0x25: {  	_ =	swait.ge [sflag:s22], $0x2000  }
0x26: {  	[sflag:s22] =	ssyncset.done $0x0  }
0x27: {  	[sflag:s22] =	ssyncadd.s32 $0xFFFFE000  }
0x28: {  	_ =	swait.ge [sflag:s22], $0x2000  }
0x29: {  	[sflag:s22] =	ssyncset.done $0x0  }
0x2a: {  	[sflag:s22] =	ssyncadd.s32 $0xFFFFE000  }
0x2b: {  	_ =	swait.ge [sflag:s22], $0x2000  }
0x2c: {  	s4 =	sand.u32 $0x70, s30;
	s15 =	sand.u32 $0xC00, s30;
	[sflag:s22] =	ssyncset.done $0x0  }
0x2d: {  	s31 =	sor.u32 s4, s15;
	[sflag:s22] =	ssyncadd.s32 $0xFFFFE000  }
0x2e: {  	v5 =	vld [tilespmem:s31+$0xC100]  }
0x2f: {  	v6 =	vld [tilespmem:s31+$0x100]  }
0x30: {  	v7 =	vld [tilespmem:s31+$0x4100]  }
0x31: {  	v8 =	vld [tilespmem:s31+$0x8100]  }
0x32: {  	v9 =	vld [tilespmem:s31+$0xC080]  }
0x33: {  	v10 =	vld [tilespmem:s31+$0x80]  }
0x34: {  	v13 =	vld [tilespmem:s31+$0x4080]  }
0x35: {  	v14 =	vld [tilespmem:s31+$0x8080]  }
0x36: {  	v15 =	vld [tilespmem:s31+$0xC000]  }
0x37: {  	v16 =	vld [tilespmem:s31+$0x0]  }
0x38: {  	s16 =	sor.u32 s15, s30;
	v17 =	vld [tilespmem:s31+$0x4000]  }
0x39: {  	s0 =	sor.u32 $0x180, s16;
	v18 =	vld [tilespmem:s31+$0x8000]  }
0x3a: {  	v19 =	vld [tilespmem:s0+$0xC000]  }
0x3b: {  	v11 =	vld [tilespmem:s0+$0x4000]  }
0x3c: {  	v12 =	vld [tilespmem:s0+$0x8000];
	vm0 =	vgt.s32 v5, $0x0;
	vm3 =	vgt.f32 v8, $0.0e+00;
	v5 =	vsub.f32 v6, v7  }
0x3d: {  	v6 =	vsub.f32 v6, v8;
	vm4 =	vgt.f32 v13, $0.0e+00;
	v8 =	vsub.f32 v10, v13;
	v13 =	vld [tilespmem:s0+$0x0]  }
0x3e: {  	vm1 =	vgt.f32 v7, $0.0e+00;
	vm2 =	vgt.s32 v9, $0x0;
	vm7 =	vgt.f32 v14, $0.0e+00  }
0x3f: {  	vm5 =	vgt.s32 v15, $0x0;
	vm8 =	vgt.f32 v17, $0.0e+00;
	v9 =	vsub.f32 v10, v14  }
0x40: {  	vm10 =	vgt.f32 v18, $0.0e+00;
	v10 =	vsub.f32 v16, v17;
	v7 =	vsub.f32 v16, v18  }
0x41: {  	s4 =	simm.s32 $0x0;
	vm9 =	vgt.s32 v19, $0x0;
	vm12 =	vgt.f32 v11, $0.0e+00;
	vm11 =	vgt.f32 v12, $0.0e+00;
	s0 =	simm.s32 $0x10  }
.LBB2_3:
0x42: {  	p0 =	sne.s32 s0, $0x1F0;
	vm1 =	vmand vm1, vm0;
	vm0 =	vmand vm3, vm0;
	v11 =	vsub.f32 v13, v11;
	s4 =	sadd.s32 $0x80, s4  }
0x43: {  	s15 =	sand.u32 $0x70, s0;
	vm6 =	vmand vm4, vm2;
	vm4 =	vmand vm7, vm2;
	v12 =	vsub.f32 v13, v12;
	s16 =	sand.u32 $0xC00, s4  }
0x44: {  	vm7 =	vmand vm8, vm5;
	vm5 =	vmand vm10, vm5;
	vm2 =	vmand vm12, vm9;
	s15 =	sor.u32 s15, s16  }
0x45: {  	vm3 =	vmand vm11, vm9;
	v14 =	vsel vm1, $0x3F800000, v0;
	v15 =	vsel vm0, $0x3F800000, v0;
	v13 =	vld [tilespmem:s15+$0xC100]  }
0x46: {  	v5 =	vand.u32 $0x7FFFFFFF, v5;
	v6 =	vand.u32 $0x7FFFFFFF, v6;
	v17 =	vsel vm6, $0x3F800000, v0;
	v16 =	vld [tilespmem:s15+$0x100]  }
0x47: {  	v8 =	vand.u32 $0x7FFFFFFF, v8;
	v9 =	vand.u32 $0x7FFFFFFF, v9;
	v19 =	vsel vm4, $0x3F800000, v0;
	v18 =	vld [tilespmem:s15+$0x4100]  }
0x48: {  	v10 =	vand.u32 $0x7FFFFFFF, v10;
	v21 =	vsel vm7, $0x3F800000, v0;
	v22 =	vsel vm5, $0x3F800000, v0;
	v20 =	vld [tilespmem:s15+$0x8100]  }
0x49: {  	v7 =	vand.u32 $0x7FFFFFFF, v7;
	v24 =	vsel vm2, $0x3F800000, v0;
	v25 =	vsel vm3, $0x3F800000, v0;
	v23 =	vld [tilespmem:s15+$0xC080]  }
0x4a: {  	v10 =	vnsel vm7, $0x0, v10;
	v11 =	vand.u32 $0x7FFFFFFF, v11;
	v12 =	vand.u32 $0x7FFFFFFF, v12;
	v26 =	vld [tilespmem:s15+$0x80]  }
0x4b: {  	v7 =	vnsel vm5, $0x0, v7;
	v4 =	vadd.f32 v10, v4;
	v3 =	vadd.f32 v21, v3;
	v27 =	vld [tilespmem:s15+$0x4080]  }
0x4c: {  	v2 =	vadd.f32 v7, v2;
	v1 =	vadd.f32 v22, v1;
	v7 =	vnsel vm6, $0x0, v8;
	v10 =	vld [tilespmem:s15+$0x8080]  }
0x4d: {  	v4 =	vadd.f32 v7, v4;
	v3 =	vadd.f32 v17, v3;
	v7 =	vnsel vm4, $0x0, v9;
	v21 =	vld [tilespmem:s15+$0xC000]  }
0x4e: {  	v5 =	vnsel vm1, $0x0, v5;
	v1 =	vadd.f32 v19, v1;
	v2 =	vadd.f32 v7, v2;
	v17 =	vld [tilespmem:s15+$0x0]  }
0x4f: {  	s16 =	sor.u32 s16, s0;
	v4 =	vadd.f32 v5, v4;
	v3 =	vadd.f32 v14, v3;
	v5 =	vnsel vm0, $0x0, v6;
	v7 =	vld [tilespmem:s15+$0x4000]  }
0x50: {  	v1 =	vadd.f32 v15, v1;
	v2 =	vadd.f32 v5, v2;
	v5 =	vnsel vm2, $0x0, v11;
	v14 =	vld [tilespmem:s15+$0x8000];
	s15 =	sor.u32 $0x180, s16  }
0x51: {  	v4 =	vadd.f32 v5, v4;
	v3 =	vadd.f32 v24, v3;
	v5 =	vnsel vm3, $0x0, v12;
	v15 =	vld [tilespmem:s15+$0xC000]  }
0x52: {  	v1 =	vadd.f32 v25, v1;
	v2 =	vadd.f32 v5, v2;
	v11 =	vld [tilespmem:s15+$0x4000]  }
0x53: {  	vm0 =	vgt.s32 v13, $0x0;
	vm1 =	vgt.f32 v18, $0.0e+00;
	vm3 =	vgt.f32 v20, $0.0e+00;
	v12 =	vld [tilespmem:s15+$0x8000]  }
.Ltmp0:
0x54: {  	v5 =	vsub.f32 v16, v18;
	v6 =	vsub.f32 v16, v20;
	vm2 =	vgt.s32 v23, $0x0;
	v13 =	vld [tilespmem:s15+$0x0];
	(pc) =	sbr.rel @p0 .LBB2_3-.Ltmp0, $4  }
0x55: {  	vm4 =	vgt.f32 v27, $0.0e+00;
	v8 =	vsub.f32 v26, v27;
	vm7 =	vgt.f32 v10, $0.0e+00  }
0x56: {  	v9 =	vsub.f32 v26, v10;
	vm5 =	vgt.s32 v21, $0x0;
	vm8 =	vgt.f32 v7, $0.0e+00  }
0x57: {  	v10 =	vsub.f32 v17, v7;
	vm10 =	vgt.f32 v14, $0.0e+00;
	v7 =	vsub.f32 v17, v14  }
0x58: {  	s0 =	sadd.s32 $0x10, s0;
	vm9 =	vgt.s32 v15, $0x0;
	vm12 =	vgt.f32 v11, $0.0e+00;
	vm11 =	vgt.f32 v12, $0.0e+00  }
0x59: {  	vm6 =	vmand vm1, vm0;
	vm0 =	vmand vm3, vm0;
	v11 =	vsub.f32 v13, v11  }
0x5a: {  	vm4 =	vmand vm4, vm2;
	vm3 =	vmand vm7, vm2;
	v12 =	vsub.f32 v13, v12  }
0x5b: {  	vm7 =	vmand vm8, vm5;
	vm5 =	vmand vm10, vm5;
	vm1 =	vmand vm12, vm9  }
0x5c: {  	vm2 =	vmand vm11, vm9;
	v5 =	vand.u32 $0x7FFFFFFF, v5;
	v6 =	vand.u32 $0x7FFFFFFF, v6;
	v62 =	vld [tilespmem:s31+$0xC280]  }
0x5d: {  	s0 =	sor.u32 s30, s30;
	v8 =	vand.u32 $0x7FFFFFFF, v8;
	v9 =	vand.u32 $0x7FFFFFFF, v9;
	v10 =	vand.u32 $0x7FFFFFFF, v10;
	v21 =	vld [tilespmem:s31+$0x4280]  }
0x5e: {  	v7 =	vand.u32 $0x7FFFFFFF, v7;
	v63 =	vld [tilespmem:s31+$0xC200];
	s0 =	sor.u32 $0x380, s0;
	v13 =	vsel vm6, $0x3F800000, v0;
	v14 =	vsel vm0, $0x3F800000, v0  }
0x5f: {  	v16 =	vsel vm4, $0x3F800000, v0;
	v19 =	vsel vm7, $0x3F800000, v0;
	v10 =	vnsel vm7, $0x0, v10;
	v15 =	vld [tilespmem:s0+$0xC000]  }
0x60: {  	v7 =	vnsel vm5, $0x0, v7;
	v59 =	vsel vm5, $0x3F800000, v0;
	v60 =	vsel vm3, $0x3F800000, v0;
	v17 =	vld [tilespmem:s0+$0x0]  }
0x61: {  	v5 =	vnsel vm6, $0x0, v5;
	v4 =	vadd.f32 v10, v4;
	v3 =	vadd.f32 v19, v3;
	v10 =	vld [tilespmem:s31+$0xC300]  }
0x62: {  	v2 =	vadd.f32 v7, v2;
	v7 =	vnsel vm4, $0x0, v8;
	v8 =	vld [tilespmem:s31+$0x300];
	v1 =	vadd.f32 v59, v1  }
0x63: {  	v4 =	vadd.f32 v7, v4;
	v7 =	vnsel vm3, $0x0, v9;
	v9 =	vld [tilespmem:s31+$0x4300];
	v3 =	vadd.f32 v16, v3  }
0x64: {  	v11 =	vand.u32 $0x7FFFFFFF, v11;
	v1 =	vadd.f32 v60, v1;
	v2 =	vadd.f32 v7, v2;
	v7 =	vld [tilespmem:s31+$0x8300]  }
0x65: {  	v4 =	vadd.f32 v5, v4;
	v3 =	vadd.f32 v13, v3;
	v5 =	vnsel vm0, $0x0, v6;
	v13 =	vld [tilespmem:s31+$0x280]  }
0x66: {  	v2 =	vadd.f32 v5, v2;
	v5 =	vand.u32 $0x7FFFFFFF, v12;
	v12 =	vadd.f32 v14, v1;
	v14 =	vld [tilespmem:s31+$0x8280]  }
0x67: {  	v61 =	vsel vm1, $0x3F800000, v0;
	v18 =	vld [tilespmem:s0+$0x4000];
	v6 =	vsel vm2, $0x3F800000, v0;
	v1 =	vnsel vm1, $0x0, v11  }
0x68: {  	v20 =	vld [tilespmem:s0+$0x8000];
	v4 =	vadd.f32 v1, v4;
	v1 =	vadd.f32 v61, v3;
	v3 =	vnsel vm2, $0x0, v5  }
0x69: {  	v11 =	vld [tilespmem:s31+$0x4200];
	v2 =	vadd.f32 v3, v2;
	v3 =	vadd.f32 v6, v12;
	vm4 =	vgt.f32 v9, $0.0e+00  }
0x6a: {  	v12 =	vld [tilespmem:s31+$0x8200];
	v9 =	vsub.f32 v8, v9;
	vm8 =	vgt.f32 v7, $0.0e+00;
	v7 =	vsub.f32 v8, v7  }
0x6b: {  	vm5 =	vgt.s32 v10, $0x0;
	v10 =	vsub.f32 v13, v21;
	v8 =	vsub.f32 v13, v14;
	v13 =	vld [tilespmem:s31+$0x200]  }
0x6c: {  	vm6 =	vgt.s32 v62, $0x0;
	vm7 =	vgt.f32 v21, $0.0e+00  }
0x6d: {  	vm11 =	vgt.s32 v63, $0x0;
	vm1 =	vgt.s32 v15, $0x0;
	vm0 =	vgt.f32 v18, $0.0e+00  }
0x6e: {  	vm3 =	vgt.f32 v20, $0.0e+00;
	v5 =	vsub.f32 v17, v20;
	v6 =	vsub.f32 v17, v18  }
0x6f: {  	s0 =	simm.s32 $0x10;
	vm9 =	vgt.f32 v14, $0.0e+00;
	vm13 =	vgt.f32 v11, $0.0e+00;
	vm12 =	vgt.f32 v12, $0.0e+00  }
.LBB2_5:
0x70: {  	p0 =	sne.s32 s0, $0x1F0;
	v11 =	vsub.f32 v13, v11;
	v12 =	vsub.f32 v13, v12;
	vm0 =	vmand vm0, vm1;
	s30 =	sadd.s32 $0x80, s30  }
0x71: {  	vm4 =	vmand vm4, vm5;
	vm2 =	vmand vm8, vm5;
	vm1 =	vmand vm3, vm1;
	s4 =	sor.u32 s30, s0  }
0x72: {  	vm8 =	vmand vm13, vm11;
	vm5 =	vmand vm7, vm6;
	vm3 =	vmand vm9, vm6;
	s4 =	sor.u32 $0x380, s4  }
0x73: {  	vm6 =	vmand vm12, vm11;
	v14 =	vsel vm0, $0x3F800000, v0;
	v15 =	vsel vm1, $0x3F800000, v0;
	v13 =	vld [tilespmem:s4+$0xC000]  }
0x74: {  	v6 =	vand.u32 $0x7FFFFFFF, v6;
	v5 =	vand.u32 $0x7FFFFFFF, v5;
	v17 =	vsel vm4, $0x3F800000, v0;
	v16 =	vld [tilespmem:s4+$0x0]  }
0x75: {  	s15 =	sand.u32 $0x70, s0;
	v9 =	vand.u32 $0x7FFFFFFF, v9;
	v7 =	vand.u32 $0x7FFFFFFF, v7;
	s16 =	sand.u32 $0xC00, s30;
	v19 =	vsel vm2, $0x3F800000, v0;
	v18 =	vld [tilespmem:s4+$0x4000]  }
0x76: {  	v10 =	vand.u32 $0x7FFFFFFF, v10;
	v21 =	vsel vm5, $0x3F800000, v0;
	v22 =	vsel vm3, $0x3F800000, v0;
	s15 =	sor.u32 s15, s16;
	v20 =	vld [tilespmem:s4+$0x8000]  }
0x77: {  	v8 =	vand.u32 $0x7FFFFFFF, v8;
	v24 =	vsel vm8, $0x3F800000, v0;
	v11 =	vand.u32 $0x7FFFFFFF, v11;
	v23 =	vld [tilespmem:s15+$0xC300]  }
0x78: {  	v26 =	vsel vm6, $0x3F800000, v0;
	v12 =	vand.u32 $0x7FFFFFFF, v12;
	v11 =	vnsel vm8, $0x0, v11;
	v25 =	vld [tilespmem:s15+$0x300]  }
0x79: {  	v1 =	vadd.f32 v24, v1;
	v4 =	vadd.f32 v11, v4;
	v11 =	vnsel vm6, $0x0, v12;
	v27 =	vld [tilespmem:s15+$0x4300]  }
0x7a: {  	v10 =	vnsel vm5, $0x0, v10;
	v3 =	vadd.f32 v26, v3;
	v2 =	vadd.f32 v11, v2;
	v24 =	vld [tilespmem:s15+$0x8300]  }
0x7b: {  	v8 =	vnsel vm3, $0x0, v8;
	v1 =	vadd.f32 v21, v1;
	v4 =	vadd.f32 v10, v4;
	v26 =	vld [tilespmem:s15+$0xC280]  }
0x7c: {  	v3 =	vadd.f32 v22, v3;
	v2 =	vadd.f32 v8, v2;
	v8 =	vnsel vm4, $0x0, v9;
	v21 =	vld [tilespmem:s15+$0x280]  }
0x7d: {  	v7 =	vnsel vm2, $0x0, v7;
	v1 =	vadd.f32 v17, v1;
	v4 =	vadd.f32 v8, v4;
	v10 =	vld [tilespmem:s15+$0x4280]  }
0x7e: {  	v6 =	vnsel vm0, $0x0, v6;
	v3 =	vadd.f32 v19, v3;
	v2 =	vadd.f32 v7, v2;
	v8 =	vld [tilespmem:s15+$0x8280]  }
0x7f: {  	v5 =	vnsel vm1, $0x0, v5;
	v1 =	vadd.f32 v14, v1;
	v4 =	vadd.f32 v6, v4;
	v17 =	vld [tilespmem:s15+$0xC200]  }
0x80: {  	v3 =	vadd.f32 v15, v3;
	v2 =	vadd.f32 v5, v2;
	v11 =	vld [tilespmem:s15+$0x4200]  }
0x81: {  	vm1 =	vgt.s32 v13, $0x0;
	vm0 =	vgt.f32 v18, $0.0e+00;
	vm3 =	vgt.f32 v20, $0.0e+00;
	v12 =	vld [tilespmem:s15+$0x8200]  }
.Ltmp1:
0x82: {  	v6 =	vsub.f32 v16, v18;
	v5 =	vsub.f32 v16, v20;
	vm5 =	vgt.s32 v23, $0x0;
	v13 =	vld [tilespmem:s15+$0x200];
	(pc) =	sbr.rel @p0 .LBB2_5-.Ltmp1, $4  }
0x83: {  	vm4 =	vgt.f32 v27, $0.0e+00;
	v9 =	vsub.f32 v25, v27;
	vm8 =	vgt.f32 v24, $0.0e+00  }
0x84: {  	v7 =	vsub.f32 v25, v24;
	vm6 =	vgt.s32 v26, $0x0;
	vm7 =	vgt.f32 v10, $0.0e+00  }
0x85: {  	v10 =	vsub.f32 v21, v10;
	vm9 =	vgt.f32 v8, $0.0e+00;
	v8 =	vsub.f32 v21, v8  }
0x86: {  	s0 =	sadd.s32 $0x10, s0;
	vm11 =	vgt.s32 v17, $0x0;
	vm13 =	vgt.f32 v11, $0.0e+00;
	vm12 =	vgt.f32 v12, $0.0e+00  }
0x87: {  	v11 =	vsub.f32 v13, v11;
	v12 =	vsub.f32 v13, v12;
	s30 =	simm.s32 $0x0  }
0x88: {  	vm2 =	vmand vm0, vm1;
	vm10 =	vmand vm4, vm5;
	vm4 =	vmand vm8, vm5;
	s0 =	sand.u32 $0x70, s30;
	s4 =	sand.u32 $0xC00, s30  }
0x89: {  	vm0 =	vmand vm3, vm1;
	vm1 =	vmand vm13, vm11;
	vm3 =	vmand vm7, vm6;
	s31 =	sor.u32 s0, s4  }
0x8a: {  	vm5 =	vmand vm9, vm6;
	vm6 =	vmand vm12, vm11;
	v9 =	vand.u32 $0x7FFFFFFF, v9;
	v15 =	vld [tilespmem:s31+$0xD100]  }
0x8b: {  	v10 =	vand.u32 $0x7FFFFFFF, v10;
	v8 =	vand.u32 $0x7FFFFFFF, v8;
	v7 =	vand.u32 $0x7FFFFFFF, v7;
	v17 =	vld [tilespmem:s31+$0x1100]  }
0x8c: {  	v6 =	vand.u32 $0x7FFFFFFF, v6;
	v5 =	vand.u32 $0x7FFFFFFF, v5;
	v13 =	vsel vm2, $0x3F800000, v0;
	v19 =	vld [tilespmem:s31+$0x5100]  }
0x8d: {  	v14 =	vsel vm0, $0x3F800000, v0;
	v16 =	vsel vm10, $0x3F800000, v0;
	v18 =	vsel vm1, $0x3F800000, v0;
	v20 =	vld [tilespmem:s31+$0x9100]  }
0x8e: {  	v10 =	vnsel vm3, $0x0, v10;
	v8 =	vnsel vm5, $0x0, v8;
	v11 =	vand.u32 $0x7FFFFFFF, v11;
	v62 =	vld [tilespmem:s31+$0xD080]  }
0x8f: {  	v12 =	vand.u32 $0x7FFFFFFF, v12;
	v1 =	vadd.f32 v18, v1;
	v11 =	vnsel vm1, $0x0, v11;
	v21 =	vld [tilespmem:s31+$0x1080]  }
0x90: {  	s16 =	sor.u32 s4, s30;
	v12 =	vnsel vm6, $0x0, v12;
	v22 =	vld [tilespmem:s31+$0x9080];
	v4 =	vadd.f32 v11, v4;
	v11 =	vsel vm6, $0x3F800000, v0  }
0x91: {  	v63 =	vld [tilespmem:s31+$0x9000];
	s0 =	sor.u32 $0x1180, s16;
	v2 =	vadd.f32 v12, v2;
	v3 =	vadd.f32 v11, v3;
	v11 =	vsel vm3, $0x3F800000, v0  }
0x92: {  	v24 =	vld [tilespmem:s0+$0xC000];
	v4 =	vadd.f32 v10, v4;
	v1 =	vadd.f32 v11, v1;
	v11 =	vsel vm5, $0x3F800000, v0  }
0x93: {  	v12 =	vld [tilespmem:s0+$0x8000];
	v2 =	vadd.f32 v8, v2;
	v8 =	vnsel vm10, $0x0, v9;
	v3 =	vadd.f32 v11, v3  }
0x94: {  	v7 =	vnsel vm4, $0x0, v7;
	v23 =	vld [tilespmem:s31+$0x1000];
	v4 =	vadd.f32 v8, v4;
	v1 =	vadd.f32 v16, v1  }
0x95: {  	v10 =	vld [tilespmem:s31+$0x5080];
	v8 =	vsel vm4, $0x3F800000, v0;
	v2 =	vadd.f32 v7, v2;
	vm1 =	vgt.f32 v19, $0.0e+00  }
0x96: {  	v9 =	vld [tilespmem:s31+$0xD000];
	vm3 =	vgt.f32 v20, $0.0e+00;
	vm7 =	vgt.f32 v22, $0.0e+00;
	vm10 =	vgt.f32 v63, $0.0e+00  }
0x97: {  	v11 =	vld [tilespmem:s0+$0x4000];
	v8 =	vadd.f32 v8, v3;
	v3 =	vnsel vm2, $0x0, v6;
	vm2 =	vgt.s32 v62, $0x0  }
0x98: {  	v7 =	vld [tilespmem:s31+$0x5000];
	v6 =	vsub.f32 v17, v20;
	vm9 =	vgt.s32 v24, $0x0;
	vm11 =	vgt.f32 v12, $0.0e+00  }
0x99: {  	v3 =	vadd.f32 v3, v4;
	v4 =	vadd.f32 v13, v1;
	v1 =	vnsel vm0, $0x0, v5;
	v13 =	vld [tilespmem:s0+$0x0]  }
0x9a: {  	vm0 =	vgt.s32 v15, $0x0;
	v5 =	vsub.f32 v17, v19;
	v2 =	vadd.f32 v1, v2  }
0x9b: {  	v1 =	vadd.f32 v14, v8;
	vm4 =	vgt.f32 v10, $0.0e+00;
	v8 =	vsub.f32 v21, v10  }
0x9c: {  	vm5 =	vgt.s32 v9, $0x0;
	v9 =	vsub.f32 v21, v22;
	vm12 =	vgt.f32 v11, $0.0e+00  }
0x9d: {  	s4 =	simm.s32 $0x0;
	s0 =	simm.s32 $0x10;
	vm8 =	vgt.f32 v7, $0.0e+00;
	v10 =	vsub.f32 v23, v7;
	v7 =	vsub.f32 v23, v63  }
.LBB2_7:
0x9e: {  	p0 =	sne.s32 s0, $0x1F0;
	vm1 =	vmand vm1, vm0;
	vm0 =	vmand vm3, vm0;
	v11 =	vsub.f32 v13, v11;
	s4 =	sadd.s32 $0x80, s4  }
0x9f: {  	s15 =	sand.u32 $0x70, s0;
	vm6 =	vmand vm4, vm2;
	vm4 =	vmand vm7, vm2;
	v12 =	vsub.f32 v13, v12;
	s16 =	sand.u32 $0xC00, s4  }
0xa0: {  	vm7 =	vmand vm8, vm5;
	vm5 =	vmand vm10, vm5;
	vm2 =	vmand vm12, vm9;
	s15 =	sor.u32 s15, s16  }
0xa1: {  	vm3 =	vmand vm11, vm9;
	v14 =	vsel vm1, $0x3F800000, v0;
	v15 =	vsel vm0, $0x3F800000, v0;
	v13 =	vld [tilespmem:s15+$0xD100]  }
0xa2: {  	v5 =	vand.u32 $0x7FFFFFFF, v5;
	v6 =	vand.u32 $0x7FFFFFFF, v6;
	v17 =	vsel vm6, $0x3F800000, v0;
	v16 =	vld [tilespmem:s15+$0x1100]  }
0xa3: {  	v8 =	vand.u32 $0x7FFFFFFF, v8;
	v9 =	vand.u32 $0x7FFFFFFF, v9;
	v19 =	vsel vm4, $0x3F800000, v0;
	v18 =	vld [tilespmem:s15+$0x5100]  }
0xa4: {  	v10 =	vand.u32 $0x7FFFFFFF, v10;
	v21 =	vsel vm7, $0x3F800000, v0;
	v22 =	vsel vm5, $0x3F800000, v0;
	v20 =	vld [tilespmem:s15+$0x9100]  }
0xa5: {  	v7 =	vand.u32 $0x7FFFFFFF, v7;
	v24 =	vsel vm2, $0x3F800000, v0;
	v25 =	vsel vm3, $0x3F800000, v0;
	v23 =	vld [tilespmem:s15+$0xD080]  }
0xa6: {  	v10 =	vnsel vm7, $0x0, v10;
	v11 =	vand.u32 $0x7FFFFFFF, v11;
	v12 =	vand.u32 $0x7FFFFFFF, v12;
	v26 =	vld [tilespmem:s15+$0x1080]  }
0xa7: {  	v7 =	vnsel vm5, $0x0, v7;
	v3 =	vadd.f32 v10, v3;
	v4 =	vadd.f32 v21, v4;
	v27 =	vld [tilespmem:s15+$0x5080]  }
0xa8: {  	v2 =	vadd.f32 v7, v2;
	v1 =	vadd.f32 v22, v1;
	v7 =	vnsel vm6, $0x0, v8;
	v10 =	vld [tilespmem:s15+$0x9080]  }
0xa9: {  	v3 =	vadd.f32 v7, v3;
	v4 =	vadd.f32 v17, v4;
	v7 =	vnsel vm4, $0x0, v9;
	v21 =	vld [tilespmem:s15+$0xD000]  }
0xaa: {  	v5 =	vnsel vm1, $0x0, v5;
	v1 =	vadd.f32 v19, v1;
	v2 =	vadd.f32 v7, v2;
	v17 =	vld [tilespmem:s15+$0x1000]  }
0xab: {  	s16 =	sor.u32 s16, s0;
	v3 =	vadd.f32 v5, v3;
	v4 =	vadd.f32 v14, v4;
	v5 =	vnsel vm0, $0x0, v6;
	v7 =	vld [tilespmem:s15+$0x5000]  }
0xac: {  	v1 =	vadd.f32 v15, v1;
	v2 =	vadd.f32 v5, v2;
	v5 =	vnsel vm2, $0x0, v11;
	v14 =	vld [tilespmem:s15+$0x9000];
	s15 =	sor.u32 $0x1180, s16  }
0xad: {  	v3 =	vadd.f32 v5, v3;
	v4 =	vadd.f32 v24, v4;
	v5 =	vnsel vm3, $0x0, v12;
	v15 =	vld [tilespmem:s15+$0xC000]  }
0xae: {  	v1 =	vadd.f32 v25, v1;
	v2 =	vadd.f32 v5, v2;
	v11 =	vld [tilespmem:s15+$0x4000]  }
0xaf: {  	vm0 =	vgt.s32 v13, $0x0;
	vm1 =	vgt.f32 v18, $0.0e+00;
	vm3 =	vgt.f32 v20, $0.0e+00;
	v12 =	vld [tilespmem:s15+$0x8000]  }
.Ltmp2:
0xb0: {  	v5 =	vsub.f32 v16, v18;
	v6 =	vsub.f32 v16, v20;
	vm2 =	vgt.s32 v23, $0x0;
	v13 =	vld [tilespmem:s15+$0x0];
	(pc) =	sbr.rel @p0 .LBB2_7-.Ltmp2, $4  }
0xb1: {  	vm4 =	vgt.f32 v27, $0.0e+00;
	v8 =	vsub.f32 v26, v27;
	vm7 =	vgt.f32 v10, $0.0e+00  }
0xb2: {  	v9 =	vsub.f32 v26, v10;
	vm5 =	vgt.s32 v21, $0x0;
	vm8 =	vgt.f32 v7, $0.0e+00  }
0xb3: {  	v10 =	vsub.f32 v17, v7;
	vm10 =	vgt.f32 v14, $0.0e+00;
	v7 =	vsub.f32 v17, v14  }
0xb4: {  	s0 =	sadd.s32 $0x10, s0;
	vm9 =	vgt.s32 v15, $0x0;
	vm12 =	vgt.f32 v11, $0.0e+00;
	vm11 =	vgt.f32 v12, $0.0e+00  }
0xb5: {  	vm6 =	vmand vm1, vm0;
	vm0 =	vmand vm3, vm0  }
0xb6: {  	v11 =	vsub.f32 v13, v11;
	vm4 =	vmand vm4, vm2;
	vm3 =	vmand vm7, vm2  }
0xb7: {  	v12 =	vsub.f32 v13, v12;
	vm7 =	vmand vm8, vm5;
	vm5 =	vmand vm10, vm5  }
0xb8: {  	vm1 =	vmand vm12, vm9;
	vm2 =	vmand vm11, vm9;
	v5 =	vand.u32 $0x7FFFFFFF, v5;
	v62 =	vld [tilespmem:s31+$0xD280]  }
0xb9: {  	v6 =	vand.u32 $0x7FFFFFFF, v6;
	v8 =	vand.u32 $0x7FFFFFFF, v8;
	v9 =	vand.u32 $0x7FFFFFFF, v9;
	v21 =	vld [tilespmem:s31+$0x5280]  }
0xba: {  	s0 =	sor.u32 s30, s30;
	v10 =	vand.u32 $0x7FFFFFFF, v10;
	v7 =	vand.u32 $0x7FFFFFFF, v7;
	v22 =	vld [tilespmem:s31+$0x9280];
	v13 =	vsel vm6, $0x3F800000, v0  }
0xbb: {  	v63 =	vld [tilespmem:s31+$0xD200];
	s0 =	sor.u32 $0x1380, s0;
	v14 =	vsel vm0, $0x3F800000, v0;
	v16 =	vsel vm4, $0x3F800000, v0;
	v19 =	vsel vm7, $0x3F800000, v0  }
0xbc: {  	v10 =	vnsel vm7, $0x0, v10;
	v7 =	vnsel vm5, $0x0, v7;
	v59 =	vsel vm5, $0x3F800000, v0;
	v15 =	vld [tilespmem:s0+$0xC000]  }
0xbd: {  	v60 =	vsel vm3, $0x3F800000, v0;
	v61 =	vsel vm1, $0x3F800000, v0;
	v17 =	vld [tilespmem:s0+$0x0];
	v3 =	vadd.f32 v10, v3  }
0xbe: {  	v5 =	vnsel vm6, $0x0, v5;
	v4 =	vadd.f32 v19, v4;
	v10 =	vld [tilespmem:s31+$0xD300];
	v2 =	vadd.f32 v7, v2  }
0xbf: {  	v7 =	vnsel vm4, $0x0, v8;
	v8 =	vld [tilespmem:s31+$0x1300];
	v1 =	vadd.f32 v59, v1;
	v11 =	vand.u32 $0x7FFFFFFF, v11  }
0xc0: {  	v3 =	vadd.f32 v7, v3;
	v7 =	vnsel vm3, $0x0, v9;
	v9 =	vld [tilespmem:s31+$0x5300];
	v4 =	vadd.f32 v16, v4  }
0xc1: {  	v12 =	vand.u32 $0x7FFFFFFF, v12;
	v1 =	vadd.f32 v60, v1;
	v2 =	vadd.f32 v7, v2;
	v7 =	vld [tilespmem:s31+$0x9300]  }
0xc2: {  	vm3 =	vgt.s32 v62, $0x0;
	v3 =	vadd.f32 v5, v3;
	v5 =	vadd.f32 v13, v4;
	v13 =	vld [tilespmem:s31+$0x1280]  }
0xc3: {  	v18 =	vld [tilespmem:s0+$0x4000];
	vm5 =	vgt.f32 v21, $0.0e+00;
	v4 =	vnsel vm0, $0x0, v6;
	v6 =	vsel vm2, $0x3F800000, v0  }
0xc4: {  	v20 =	vld [tilespmem:s0+$0x8000];
	v14 =	vadd.f32 v14, v1;
	v1 =	vnsel vm1, $0x0, v11;
	v2 =	vadd.f32 v4, v2  }
0xc5: {  	v11 =	vld [tilespmem:s31+$0x5200];
	v4 =	vadd.f32 v1, v3;
	v3 =	vnsel vm2, $0x0, v12;
	vm7 =	vgt.f32 v9, $0.0e+00  }
0xc6: {  	v12 =	vld [tilespmem:s31+$0x9200];
	v9 =	vsub.f32 v8, v9;
	vm8 =	vgt.f32 v7, $0.0e+00;
	v7 =	vsub.f32 v8, v7  }
0xc7: {  	vm2 =	vgt.s32 v10, $0x0;
	v10 =	vsub.f32 v13, v21;
	v8 =	vsub.f32 v13, v22;
	v13 =	vld [tilespmem:s31+$0x1200]  }
0xc8: {  	vm6 =	vgt.f32 v22, $0.0e+00;
	vm9 =	vgt.s32 v63, $0x0;
	vm0 =	vgt.s32 v15, $0x0  }
0xc9: {  	vm4 =	vgt.f32 v18, $0.0e+00;
	v1 =	vadd.f32 v61, v5;
	v5 =	vsub.f32 v17, v20  }
0xca: {  	vm1 =	vgt.f32 v20, $0.0e+00;
	v2 =	vadd.f32 v3, v2;
	v3 =	vadd.f32 v6, v14  }
0xcb: {  	s0 =	simm.s32 $0x10;
	v6 =	vsub.f32 v17, v18;
	vm11 =	vgt.f32 v11, $0.0e+00;
	vm10 =	vgt.f32 v12, $0.0e+00  }
.LBB2_9:
0xcc: {  	p0 =	sne.s32 s0, $0x1F0;
	v11 =	vsub.f32 v13, v11;
	v12 =	vsub.f32 v13, v12;
	vm4 =	vmand vm4, vm0;
	s30 =	sadd.s32 $0x80, s30  }
0xcd: {  	vm7 =	vmand vm7, vm2;
	vm2 =	vmand vm8, vm2;
	vm0 =	vmand vm1, vm0;
	s4 =	sor.u32 s30, s0  }
0xce: {  	vm8 =	vmand vm11, vm9;
	vm5 =	vmand vm5, vm3;
	vm1 =	vmand vm6, vm3;
	s4 =	sor.u32 $0x1380, s4  }
0xcf: {  	vm3 =	vmand vm10, vm9;
	v14 =	vsel vm4, $0x3F800000, v0;
	v15 =	vsel vm0, $0x3F800000, v0;
	v13 =	vld [tilespmem:s4+$0xC000]  }
0xd0: {  	v6 =	vand.u32 $0x7FFFFFFF, v6;
	v5 =	vand.u32 $0x7FFFFFFF, v5;
	v17 =	vsel vm7, $0x3F800000, v0;
	v16 =	vld [tilespmem:s4+$0x0]  }
0xd1: {  	s15 =	sand.u32 $0x70, s0;
	v9 =	vand.u32 $0x7FFFFFFF, v9;
	v7 =	vand.u32 $0x7FFFFFFF, v7;
	s16 =	sand.u32 $0xC00, s30;
	v19 =	vsel vm2, $0x3F800000, v0;
	v18 =	vld [tilespmem:s4+$0x4000]  }
0xd2: {  	v10 =	vand.u32 $0x7FFFFFFF, v10;
	v21 =	vsel vm5, $0x3F800000, v0;
	v22 =	vsel vm1, $0x3F800000, v0;
	s15 =	sor.u32 s15, s16;
	v20 =	vld [tilespmem:s4+$0x8000]  }
0xd3: {  	v8 =	vand.u32 $0x7FFFFFFF, v8;
	v24 =	vsel vm8, $0x3F800000, v0;
	v11 =	vand.u32 $0x7FFFFFFF, v11;
	v23 =	vld [tilespmem:s15+$0xD300]  }
0xd4: {  	v26 =	vsel vm3, $0x3F800000, v0;
	v12 =	vand.u32 $0x7FFFFFFF, v12;
	v11 =	vnsel vm8, $0x0, v11;
	v25 =	vld [tilespmem:s15+$0x1300]  }
0xd5: {  	v1 =	vadd.f32 v24, v1;
	v4 =	vadd.f32 v11, v4;
	v11 =	vnsel vm3, $0x0, v12;
	v27 =	vld [tilespmem:s15+$0x5300]  }
0xd6: {  	v10 =	vnsel vm5, $0x0, v10;
	v3 =	vadd.f32 v26, v3;
	v2 =	vadd.f32 v11, v2;
	v24 =	vld [tilespmem:s15+$0x9300]  }
0xd7: {  	v8 =	vnsel vm1, $0x0, v8;
	v1 =	vadd.f32 v21, v1;
	v4 =	vadd.f32 v10, v4;
	v26 =	vld [tilespmem:s15+$0xD280]  }
0xd8: {  	v3 =	vadd.f32 v22, v3;
	v2 =	vadd.f32 v8, v2;
	v8 =	vnsel vm7, $0x0, v9;
	v21 =	vld [tilespmem:s15+$0x1280]  }
0xd9: {  	v7 =	vnsel vm2, $0x0, v7;
	v1 =	vadd.f32 v17, v1;
	v4 =	vadd.f32 v8, v4;
	v10 =	vld [tilespmem:s15+$0x5280]  }
0xda: {  	v6 =	vnsel vm4, $0x0, v6;
	v3 =	vadd.f32 v19, v3;
	v2 =	vadd.f32 v7, v2;
	v8 =	vld [tilespmem:s15+$0x9280]  }
0xdb: {  	v5 =	vnsel vm0, $0x0, v5;
	v1 =	vadd.f32 v14, v1;
	v4 =	vadd.f32 v6, v4;
	v17 =	vld [tilespmem:s15+$0xD200]  }
0xdc: {  	v3 =	vadd.f32 v15, v3;
	v2 =	vadd.f32 v5, v2;
	v11 =	vld [tilespmem:s15+$0x5200]  }
0xdd: {  	vm0 =	vgt.s32 v13, $0x0;
	vm4 =	vgt.f32 v18, $0.0e+00;
	vm1 =	vgt.f32 v20, $0.0e+00;
	v12 =	vld [tilespmem:s15+$0x9200]  }
.Ltmp3:
0xde: {  	v6 =	vsub.f32 v16, v18;
	v5 =	vsub.f32 v16, v20;
	vm2 =	vgt.s32 v23, $0x0;
	v13 =	vld [tilespmem:s15+$0x1200];
	(pc) =	sbr.rel @p0 .LBB2_9-.Ltmp3, $4  }
0xdf: {  	vm7 =	vgt.f32 v27, $0.0e+00;
	v9 =	vsub.f32 v25, v27;
	vm8 =	vgt.f32 v24, $0.0e+00  }
0xe0: {  	v7 =	vsub.f32 v25, v24;
	vm3 =	vgt.s32 v26, $0x0;
	vm5 =	vgt.f32 v10, $0.0e+00  }
0xe1: {  	v10 =	vsub.f32 v21, v10;
	vm6 =	vgt.f32 v8, $0.0e+00;
	v8 =	vsub.f32 v21, v8  }
0xe2: {  	s0 =	sadd.s32 $0x10, s0;
	vm9 =	vgt.s32 v17, $0x0;
	vm11 =	vgt.f32 v11, $0.0e+00;
	vm10 =	vgt.f32 v12, $0.0e+00  }
0xe3: {  	p0 =	seq.s32 s28, $0x3  }
0xe4: {  	s0 =	sadd.s32 @!p0 s29, s11  }
0xe5: {  	s15 =	simm.s32 @!p0 $0x0;
	s4 =	sadd.s32 @!p0 s1, s0  }
0xe6: {  	[tilespmem:s15], [sflag:$0x1] =	stream.linear.gather @!p0 [hbm4b:s4+s15], $0x2000, $0x38;
	[tilespmem:$0x10200] =	vst v63  }
0xe7: {  	s16 =	simm.s32 @!p0 $0x4000;
	s4 =	sadd.s32 @!p0 s2, s0  }
0xe8: {  	[tilespmem:s16], [sflag:$0x1] =	stream.linear.gather @!p0 [hbm4b:s4+s15], $0x2000, $0x38;
	[tilespmem:$0x10200] =	vst v63  }
0xe9: {  	s4 =	sadd.s32 @!p0 s3, s0;
	s16 =	simm.s32 @!p0 $0x8000  }
0xea: {  	[tilespmem:s16], [sflag:$0x1] =	stream.linear.gather @!p0 [hbm4b:s4+s15], $0x2000, $0x38;
	[tilespmem:$0x10200] =	vst v63  }
0xeb: {  	s0 =	sadd.s32 @!p0 s5, s0;
	s4 =	simm.s32 @!p0 $0xC000  }
0xec: {  	[tilespmem:s4], [sflag:$0x1] =	stream.linear.gather @!p0 [hbm4b:s0+s15], $0x2000, $0x38;
	[tilespmem:$0x10200] =	vst v63  }
0xed: {  	_ =	swait.ge [sflag:s23], $0x2000  }
0xee: {  	[sflag:s23] =	ssyncset.done $0x0  }
0xef: {  	[sflag:s23] =	ssyncadd.s32 $0xFFFFE000  }
0xf0: {  	_ =	swait.ge [sflag:s23], $0x2000  }
0xf1: {  	[sflag:s23] =	ssyncset.done $0x0  }
0xf2: {  	[sflag:s23] =	ssyncadd.s32 $0xFFFFE000  }
0xf3: {  	_ =	swait.ge [sflag:s23], $0x2000  }
0xf4: {  	[sflag:s23] =	ssyncset.done $0x0  }
0xf5: {  	[sflag:s23] =	ssyncadd.s32 $0xFFFFE000  }
0xf6: {  	v11 =	vsub.f32 v13, v11;
	v12 =	vsub.f32 v13, v12;
	vm4 =	vmand vm4, vm0;
	s29 =	simm.s32 $0x0;
	_ =	swait.ge [sflag:s23], $0x2000  }
0xf7: {  	vm7 =	vmand vm7, vm2;
	vm2 =	vmand vm8, vm2;
	vm0 =	vmand vm1, vm0;
	s16 =	sand.u32 $0xC00, s29;
	s15 =	sand.u32 $0x70, s29;
	[sflag:s23] =	ssyncset.done $0x0  }
0xf8: {  	vm1 =	vmand vm11, vm9;
	vm5 =	vmand vm5, vm3;
	vm3 =	vmand vm6, vm3;
	s30 =	sor.u32 s15, s16;
	[sflag:s23] =	ssyncadd.s32 $0xFFFFE000  }
0xf9: {  	vm6 =	vmand vm10, vm9;
	v9 =	vand.u32 $0x7FFFFFFF, v9;
	v10 =	vand.u32 $0x7FFFFFFF, v10;
	v15 =	vld [tilespmem:s30+$0xE100]  }
0xfa: {  	v8 =	vand.u32 $0x7FFFFFFF, v8;
	v7 =	vand.u32 $0x7FFFFFFF, v7;
	v6 =	vand.u32 $0x7FFFFFFF, v6;
	v17 =	vld [tilespmem:s30+$0x2100]  }
0xfb: {  	v5 =	vand.u32 $0x7FFFFFFF, v5;
	v13 =	vsel vm4, $0x3F800000, v0;
	v11 =	vand.u32 $0x7FFFFFFF, v11;
	v19 =	vld [tilespmem:s30+$0x6100]  }
0xfc: {  	v18 =	vsel vm1, $0x3F800000, v0;
	v12 =	vand.u32 $0x7FFFFFFF, v12;
	v11 =	vnsel vm1, $0x0, v11;
	v20 =	vld [tilespmem:s30+$0xA100]  }
0xfd: {  	v10 =	vnsel vm5, $0x0, v10;
	v12 =	vnsel vm6, $0x0, v12;
	v4 =	vadd.f32 v11, v4;
	v62 =	vld [tilespmem:s30+$0xE080]  }
0xfe: {  	v1 =	vadd.f32 v18, v1;
	v11 =	vsel vm6, $0x3F800000, v0;
	v2 =	vadd.f32 v12, v2;
	v21 =	vld [tilespmem:s30+$0x2080]  }
0xff: {  	v3 =	vadd.f32 v11, v3;
	v11 =	vsel vm5, $0x3F800000, v0;
	v4 =	vadd.f32 v10, v4;
	v10 =	vld [tilespmem:s30+$0x6080]  }
0x100: {  	v16 =	vsel vm7, $0x3F800000, v0;
	v8 =	vnsel vm3, $0x0, v8;
	v1 =	vadd.f32 v11, v1;
	v22 =	vld [tilespmem:s30+$0xA080]  }
0x101: {  	v11 =	vsel vm3, $0x3F800000, v0;
	v2 =	vadd.f32 v8, v2;
	v8 =	vnsel vm7, $0x0, v9;
	v9 =	vld [tilespmem:s30+$0xE000]  }
0x102: {  	v7 =	vnsel vm2, $0x0, v7;
	v3 =	vadd.f32 v11, v3;
	v4 =	vadd.f32 v8, v4;
	v23 =	vld [tilespmem:s30+$0x2000]  }
0x103: {  	v1 =	vadd.f32 v16, v1;
	v8 =	vsel vm2, $0x3F800000, v0;
	v2 =	vadd.f32 v7, v2;
	s31 =	sor.u32 s16, s29;
	v7 =	vld [tilespmem:s30+$0x6000]  }
0x104: {  	v14 =	vsel vm0, $0x3F800000, v0;
	v8 =	vadd.f32 v8, v3;
	v3 =	vnsel vm4, $0x0, v6;
	s0 =	sor.u32 $0x2180, s31;
	v63 =	vld [tilespmem:s30+$0xA000]  }
0x105: {  	v3 =	vadd.f32 v3, v4;
	v4 =	vadd.f32 v13, v1;
	v1 =	vnsel vm0, $0x0, v5;
	v24 =	vld [tilespmem:s0+$0xC000]  }
0x106: {  	v2 =	vadd.f32 v1, v2;
	v1 =	vadd.f32 v14, v8;
	v11 =	vld [tilespmem:s0+$0x4000]  }
0x107: {  	v12 =	vld [tilespmem:s0+$0x8000];
	vm0 =	vgt.s32 v15, $0x0;
	vm1 =	vgt.f32 v19, $0.0e+00;
	vm3 =	vgt.f32 v20, $0.0e+00  }
0x108: {  	v13 =	vld [tilespmem:s0+$0x0];
	vm2 =	vgt.s32 v62, $0x0;
	v5 =	vsub.f32 v17, v19;
	v6 =	vsub.f32 v17, v20  }
0x109: {  	vm4 =	vgt.f32 v10, $0.0e+00;
	vm7 =	vgt.f32 v22, $0.0e+00;
	v8 =	vsub.f32 v21, v10  }
0x10a: {  	vm5 =	vgt.s32 v9, $0x0;
	vm8 =	vgt.f32 v7, $0.0e+00;
	v9 =	vsub.f32 v21, v22  }
0x10b: {  	vm10 =	vgt.f32 v63, $0.0e+00;
	v10 =	vsub.f32 v23, v7;
	v7 =	vsub.f32 v23, v63  }
0x10c: {  	s4 =	simm.s32 $0x0;
	s0 =	simm.s32 $0x10;
	vm9 =	vgt.s32 v24, $0x0;
	vm12 =	vgt.f32 v11, $0.0e+00;
	vm11 =	vgt.f32 v12, $0.0e+00  }
.LBB2_11:
0x10d: {  	p0 =	sne.s32 s0, $0x1F0;
	vm1 =	vmand vm1, vm0;
	vm0 =	vmand vm3, vm0;
	v11 =	vsub.f32 v13, v11;
	s4 =	sadd.s32 $0x80, s4  }
0x10e: {  	s15 =	sand.u32 $0x70, s0;
	vm6 =	vmand vm4, vm2;
	vm4 =	vmand vm7, vm2;
	v12 =	vsub.f32 v13, v12;
	s16 =	sand.u32 $0xC00, s4  }
0x10f: {  	vm7 =	vmand vm8, vm5;
	vm5 =	vmand vm10, vm5;
	vm2 =	vmand vm12, vm9;
	s15 =	sor.u32 s15, s16  }
0x110: {  	vm3 =	vmand vm11, vm9;
	v14 =	vsel vm1, $0x3F800000, v0;
	v15 =	vsel vm0, $0x3F800000, v0;
	v13 =	vld [tilespmem:s15+$0xE100]  }
0x111: {  	v5 =	vand.u32 $0x7FFFFFFF, v5;
	v6 =	vand.u32 $0x7FFFFFFF, v6;
	v17 =	vsel vm6, $0x3F800000, v0;
	v16 =	vld [tilespmem:s15+$0x2100]  }
0x112: {  	v8 =	vand.u32 $0x7FFFFFFF, v8;
	v9 =	vand.u32 $0x7FFFFFFF, v9;
	v19 =	vsel vm4, $0x3F800000, v0;
	v18 =	vld [tilespmem:s15+$0x6100]  }
0x113: {  	v10 =	vand.u32 $0x7FFFFFFF, v10;
	v21 =	vsel vm7, $0x3F800000, v0;
	v22 =	vsel vm5, $0x3F800000, v0;
	v20 =	vld [tilespmem:s15+$0xA100]  }
0x114: {  	v7 =	vand.u32 $0x7FFFFFFF, v7;
	v24 =	vsel vm2, $0x3F800000, v0;
	v25 =	vsel vm3, $0x3F800000, v0;
	v23 =	vld [tilespmem:s15+$0xE080]  }
0x115: {  	v10 =	vnsel vm7, $0x0, v10;
	v11 =	vand.u32 $0x7FFFFFFF, v11;
	v12 =	vand.u32 $0x7FFFFFFF, v12;
	v26 =	vld [tilespmem:s15+$0x2080]  }
0x116: {  	v7 =	vnsel vm5, $0x0, v7;
	v3 =	vadd.f32 v10, v3;
	v4 =	vadd.f32 v21, v4;
	v27 =	vld [tilespmem:s15+$0x6080]  }
0x117: {  	v2 =	vadd.f32 v7, v2;
	v1 =	vadd.f32 v22, v1;
	v7 =	vnsel vm6, $0x0, v8;
	v10 =	vld [tilespmem:s15+$0xA080]  }
0x118: {  	v3 =	vadd.f32 v7, v3;
	v4 =	vadd.f32 v17, v4;
	v7 =	vnsel vm4, $0x0, v9;
	v21 =	vld [tilespmem:s15+$0xE000]  }
0x119: {  	v5 =	vnsel vm1, $0x0, v5;
	v1 =	vadd.f32 v19, v1;
	v2 =	vadd.f32 v7, v2;
	v17 =	vld [tilespmem:s15+$0x2000]  }
0x11a: {  	s16 =	sor.u32 s16, s0;
	v3 =	vadd.f32 v5, v3;
	v4 =	vadd.f32 v14, v4;
	v5 =	vnsel vm0, $0x0, v6;
	v7 =	vld [tilespmem:s15+$0x6000]  }
0x11b: {  	v1 =	vadd.f32 v15, v1;
	v2 =	vadd.f32 v5, v2;
	v5 =	vnsel vm2, $0x0, v11;
	v14 =	vld [tilespmem:s15+$0xA000];
	s15 =	sor.u32 $0x2180, s16  }
0x11c: {  	v3 =	vadd.f32 v5, v3;
	v4 =	vadd.f32 v24, v4;
	v5 =	vnsel vm3, $0x0, v12;
	v15 =	vld [tilespmem:s15+$0xC000]  }
0x11d: {  	v1 =	vadd.f32 v25, v1;
	v2 =	vadd.f32 v5, v2;
	v11 =	vld [tilespmem:s15+$0x4000]  }
0x11e: {  	vm0 =	vgt.s32 v13, $0x0;
	vm1 =	vgt.f32 v18, $0.0e+00;
	vm3 =	vgt.f32 v20, $0.0e+00;
	v12 =	vld [tilespmem:s15+$0x8000]  }
.Ltmp4:
0x11f: {  	v5 =	vsub.f32 v16, v18;
	v6 =	vsub.f32 v16, v20;
	vm2 =	vgt.s32 v23, $0x0;
	v13 =	vld [tilespmem:s15+$0x0];
	(pc) =	sbr.rel @p0 .LBB2_11-.Ltmp4, $4  }
0x120: {  	vm4 =	vgt.f32 v27, $0.0e+00;
	v8 =	vsub.f32 v26, v27;
	vm7 =	vgt.f32 v10, $0.0e+00  }
0x121: {  	v9 =	vsub.f32 v26, v10;
	vm5 =	vgt.s32 v21, $0x0;
	vm8 =	vgt.f32 v7, $0.0e+00  }
0x122: {  	v10 =	vsub.f32 v17, v7;
	vm10 =	vgt.f32 v14, $0.0e+00;
	v7 =	vsub.f32 v17, v14  }
0x123: {  	s0 =	sadd.s32 $0x10, s0;
	vm9 =	vgt.s32 v15, $0x0;
	vm12 =	vgt.f32 v11, $0.0e+00;
	vm11 =	vgt.f32 v12, $0.0e+00  }
0x124: {  	vm6 =	vmand vm1, vm0;
	vm0 =	vmand vm3, vm0  }
0x125: {  	v11 =	vsub.f32 v13, v11;
	vm4 =	vmand vm4, vm2;
	vm3 =	vmand vm7, vm2  }
0x126: {  	v12 =	vsub.f32 v13, v12;
	vm7 =	vmand vm8, vm5;
	vm5 =	vmand vm10, vm5  }
0x127: {  	vm1 =	vmand vm12, vm9;
	vm2 =	vmand vm11, vm9;
	v5 =	vand.u32 $0x7FFFFFFF, v5;
	v62 =	vld [tilespmem:s30+$0xE280]  }
0x128: {  	v6 =	vand.u32 $0x7FFFFFFF, v6;
	v8 =	vand.u32 $0x7FFFFFFF, v8;
	v9 =	vand.u32 $0x7FFFFFFF, v9;
	v21 =	vld [tilespmem:s30+$0x6280]  }
0x129: {  	s0 =	sor.u32 s29, s29;
	v10 =	vand.u32 $0x7FFFFFFF, v10;
	v7 =	vand.u32 $0x7FFFFFFF, v7;
	v22 =	vld [tilespmem:s30+$0xA280];
	v13 =	vsel vm6, $0x3F800000, v0  }
0x12a: {  	v63 =	vld [tilespmem:s30+$0xE200];
	s0 =	sor.u32 $0x2380, s0;
	v14 =	vsel vm0, $0x3F800000, v0;
	v16 =	vsel vm4, $0x3F800000, v0;
	v19 =	vsel vm7, $0x3F800000, v0  }
0x12b: {  	v10 =	vnsel vm7, $0x0, v10;
	v7 =	vnsel vm5, $0x0, v7;
	v59 =	vsel vm5, $0x3F800000, v0;
	v15 =	vld [tilespmem:s0+$0xC000]  }
0x12c: {  	v60 =	vsel vm3, $0x3F800000, v0;
	v61 =	vsel vm1, $0x3F800000, v0;
	v17 =	vld [tilespmem:s0+$0x0];
	v3 =	vadd.f32 v10, v3  }
0x12d: {  	v5 =	vnsel vm6, $0x0, v5;
	v4 =	vadd.f32 v19, v4;
	v10 =	vld [tilespmem:s30+$0xE300];
	v2 =	vadd.f32 v7, v2  }
0x12e: {  	v7 =	vnsel vm4, $0x0, v8;
	v8 =	vld [tilespmem:s30+$0x2300];
	v1 =	vadd.f32 v59, v1;
	v11 =	vand.u32 $0x7FFFFFFF, v11  }
0x12f: {  	v3 =	vadd.f32 v7, v3;
	v7 =	vnsel vm3, $0x0, v9;
	v9 =	vld [tilespmem:s30+$0x6300];
	v4 =	vadd.f32 v16, v4  }
0x130: {  	v12 =	vand.u32 $0x7FFFFFFF, v12;
	v1 =	vadd.f32 v60, v1;
	v2 =	vadd.f32 v7, v2;
	v7 =	vld [tilespmem:s30+$0xA300]  }
0x131: {  	vm6 =	vgt.s32 v62, $0x0;
	v3 =	vadd.f32 v5, v3;
	v5 =	vadd.f32 v13, v4;
	v13 =	vld [tilespmem:s30+$0x2280]  }
0x132: {  	v18 =	vld [tilespmem:s0+$0x4000];
	vm7 =	vgt.f32 v21, $0.0e+00;
	vm9 =	vgt.f32 v22, $0.0e+00;
	v4 =	vnsel vm0, $0x0, v6  }
0x133: {  	v20 =	vld [tilespmem:s0+$0x8000];
	v14 =	vadd.f32 v14, v1;
	v1 =	vnsel vm1, $0x0, v11;
	v2 =	vadd.f32 v4, v2  }
0x134: {  	v11 =	vld [tilespmem:s30+$0x6200];
	v4 =	vadd.f32 v1, v3;
	v3 =	vnsel vm2, $0x0, v12;
	vm4 =	vgt.f32 v9, $0.0e+00  }
0x135: {  	v12 =	vld [tilespmem:s30+$0xA200];
	v9 =	vsub.f32 v8, v9;
	vm8 =	vgt.f32 v7, $0.0e+00;
	v7 =	vsub.f32 v8, v7  }
0x136: {  	vm5 =	vgt.s32 v10, $0x0;
	v10 =	vsub.f32 v13, v21;
	v8 =	vsub.f32 v13, v22;
	v13 =	vld [tilespmem:s30+$0x2200]  }
0x137: {  	vm11 =	vgt.s32 v63, $0x0;
	v6 =	vsel vm2, $0x3F800000, v0;
	vm1 =	vgt.s32 v15, $0x0  }
0x138: {  	vm0 =	vgt.f32 v18, $0.0e+00;
	v1 =	vadd.f32 v61, v5;
	v5 =	vsub.f32 v17, v20  }
0x139: {  	vm3 =	vgt.f32 v20, $0.0e+00;
	v2 =	vadd.f32 v3, v2;
	v3 =	vadd.f32 v6, v14  }
0x13a: {  	s0 =	simm.s32 $0x10;
	v6 =	vsub.f32 v17, v18;
	vm13 =	vgt.f32 v11, $0.0e+00;
	vm12 =	vgt.f32 v12, $0.0e+00  }
.LBB2_13:
0x13b: {  	p0 =	sne.s32 s0, $0x1F0;
	v11 =	vsub.f32 v13, v11;
	v12 =	vsub.f32 v13, v12;
	vm0 =	vmand vm0, vm1;
	s29 =	sadd.s32 $0x80, s29  }
0x13c: {  	vm4 =	vmand vm4, vm5;
	vm2 =	vmand vm8, vm5;
	vm1 =	vmand vm3, vm1;
	s4 =	sor.u32 s29, s0  }
0x13d: {  	vm8 =	vmand vm13, vm11;
	vm5 =	vmand vm7, vm6;
	vm3 =	vmand vm9, vm6;
	s4 =	sor.u32 $0x2380, s4  }
0x13e: {  	vm6 =	vmand vm12, vm11;
	v14 =	vsel vm0, $0x3F800000, v0;
	v15 =	vsel vm1, $0x3F800000, v0;
	v13 =	vld [tilespmem:s4+$0xC000]  }
0x13f: {  	v6 =	vand.u32 $0x7FFFFFFF, v6;
	v5 =	vand.u32 $0x7FFFFFFF, v5;
	v17 =	vsel vm4, $0x3F800000, v0;
	v16 =	vld [tilespmem:s4+$0x0]  }
0x140: {  	s15 =	sand.u32 $0x70, s0;
	v9 =	vand.u32 $0x7FFFFFFF, v9;
	v7 =	vand.u32 $0x7FFFFFFF, v7;
	s16 =	sand.u32 $0xC00, s29;
	v19 =	vsel vm2, $0x3F800000, v0;
	v18 =	vld [tilespmem:s4+$0x4000]  }
0x141: {  	v10 =	vand.u32 $0x7FFFFFFF, v10;
	v21 =	vsel vm5, $0x3F800000, v0;
	v22 =	vsel vm3, $0x3F800000, v0;
	s15 =	sor.u32 s15, s16;
	v20 =	vld [tilespmem:s4+$0x8000]  }
0x142: {  	v8 =	vand.u32 $0x7FFFFFFF, v8;
	v24 =	vsel vm8, $0x3F800000, v0;
	v11 =	vand.u32 $0x7FFFFFFF, v11;
	v23 =	vld [tilespmem:s15+$0xE300]  }
0x143: {  	v26 =	vsel vm6, $0x3F800000, v0;
	v12 =	vand.u32 $0x7FFFFFFF, v12;
	v11 =	vnsel vm8, $0x0, v11;
	v25 =	vld [tilespmem:s15+$0x2300]  }
0x144: {  	v1 =	vadd.f32 v24, v1;
	v4 =	vadd.f32 v11, v4;
	v11 =	vnsel vm6, $0x0, v12;
	v27 =	vld [tilespmem:s15+$0x6300]  }
0x145: {  	v10 =	vnsel vm5, $0x0, v10;
	v3 =	vadd.f32 v26, v3;
	v2 =	vadd.f32 v11, v2;
	v24 =	vld [tilespmem:s15+$0xA300]  }
0x146: {  	v8 =	vnsel vm3, $0x0, v8;
	v1 =	vadd.f32 v21, v1;
	v4 =	vadd.f32 v10, v4;
	v26 =	vld [tilespmem:s15+$0xE280]  }
0x147: {  	v3 =	vadd.f32 v22, v3;
	v2 =	vadd.f32 v8, v2;
	v8 =	vnsel vm4, $0x0, v9;
	v21 =	vld [tilespmem:s15+$0x2280]  }
0x148: {  	v7 =	vnsel vm2, $0x0, v7;
	v1 =	vadd.f32 v17, v1;
	v4 =	vadd.f32 v8, v4;
	v10 =	vld [tilespmem:s15+$0x6280]  }
0x149: {  	v6 =	vnsel vm0, $0x0, v6;
	v3 =	vadd.f32 v19, v3;
	v2 =	vadd.f32 v7, v2;
	v8 =	vld [tilespmem:s15+$0xA280]  }
0x14a: {  	v5 =	vnsel vm1, $0x0, v5;
	v1 =	vadd.f32 v14, v1;
	v4 =	vadd.f32 v6, v4;
	v17 =	vld [tilespmem:s15+$0xE200]  }
0x14b: {  	v3 =	vadd.f32 v15, v3;
	v2 =	vadd.f32 v5, v2;
	v11 =	vld [tilespmem:s15+$0x6200]  }
0x14c: {  	vm1 =	vgt.s32 v13, $0x0;
	vm0 =	vgt.f32 v18, $0.0e+00;
	vm3 =	vgt.f32 v20, $0.0e+00;
	v12 =	vld [tilespmem:s15+$0xA200]  }
.Ltmp5:
0x14d: {  	v6 =	vsub.f32 v16, v18;
	v5 =	vsub.f32 v16, v20;
	vm5 =	vgt.s32 v23, $0x0;
	v13 =	vld [tilespmem:s15+$0x2200];
	(pc) =	sbr.rel @p0 .LBB2_13-.Ltmp5, $4  }
0x14e: {  	vm4 =	vgt.f32 v27, $0.0e+00;
	v9 =	vsub.f32 v25, v27;
	vm8 =	vgt.f32 v24, $0.0e+00  }
0x14f: {  	v7 =	vsub.f32 v25, v24;
	vm6 =	vgt.s32 v26, $0x0;
	vm7 =	vgt.f32 v10, $0.0e+00  }
0x150: {  	v10 =	vsub.f32 v21, v10;
	vm9 =	vgt.f32 v8, $0.0e+00;
	v8 =	vsub.f32 v21, v8  }
0x151: {  	s0 =	sadd.s32 $0x10, s0;
	vm11 =	vgt.s32 v17, $0x0;
	vm13 =	vgt.f32 v11, $0.0e+00;
	vm12 =	vgt.f32 v12, $0.0e+00  }
0x152: {  	v11 =	vsub.f32 v13, v11;
	v12 =	vsub.f32 v13, v12;
	s29 =	simm.s32 $0x0  }
0x153: {  	vm2 =	vmand vm0, vm1;
	vm10 =	vmand vm4, vm5;
	vm4 =	vmand vm8, vm5;
	s0 =	sand.u32 $0x70, s29;
	s4 =	sand.u32 $0xC00, s29  }
0x154: {  	vm0 =	vmand vm3, vm1;
	vm1 =	vmand vm13, vm11;
	vm3 =	vmand vm7, vm6;
	s30 =	sor.u32 s0, s4  }
0x155: {  	vm5 =	vmand vm9, vm6;
	vm6 =	vmand vm12, vm11;
	v9 =	vand.u32 $0x7FFFFFFF, v9;
	v15 =	vld [tilespmem:s30+$0xF100]  }
0x156: {  	v10 =	vand.u32 $0x7FFFFFFF, v10;
	v8 =	vand.u32 $0x7FFFFFFF, v8;
	v7 =	vand.u32 $0x7FFFFFFF, v7;
	v17 =	vld [tilespmem:s30+$0x3100]  }
0x157: {  	v6 =	vand.u32 $0x7FFFFFFF, v6;
	v5 =	vand.u32 $0x7FFFFFFF, v5;
	v13 =	vsel vm2, $0x3F800000, v0;
	v19 =	vld [tilespmem:s30+$0x7100]  }
0x158: {  	v14 =	vsel vm0, $0x3F800000, v0;
	v16 =	vsel vm10, $0x3F800000, v0;
	v18 =	vsel vm1, $0x3F800000, v0;
	v20 =	vld [tilespmem:s30+$0xB100]  }
0x159: {  	v10 =	vnsel vm3, $0x0, v10;
	v8 =	vnsel vm5, $0x0, v8;
	v11 =	vand.u32 $0x7FFFFFFF, v11;
	v62 =	vld [tilespmem:s30+$0xF080]  }
0x15a: {  	v12 =	vand.u32 $0x7FFFFFFF, v12;
	v1 =	vadd.f32 v18, v1;
	v11 =	vnsel vm1, $0x0, v11;
	v21 =	vld [tilespmem:s30+$0x3080]  }
0x15b: {  	s31 =	sor.u32 s4, s29;
	v12 =	vnsel vm6, $0x0, v12;
	v22 =	vld [tilespmem:s30+$0xB080];
	v4 =	vadd.f32 v11, v4;
	v11 =	vsel vm6, $0x3F800000, v0  }
0x15c: {  	v63 =	vld [tilespmem:s30+$0xB000];
	s0 =	sor.u32 $0x3180, s31;
	v2 =	vadd.f32 v12, v2;
	v3 =	vadd.f32 v11, v3;
	v11 =	vsel vm3, $0x3F800000, v0  }
0x15d: {  	v24 =	vld [tilespmem:s0+$0xC000];
	v4 =	vadd.f32 v10, v4;
	v1 =	vadd.f32 v11, v1;
	v11 =	vsel vm5, $0x3F800000, v0  }
0x15e: {  	v12 =	vld [tilespmem:s0+$0x8000];
	v2 =	vadd.f32 v8, v2;
	v8 =	vnsel vm10, $0x0, v9;
	v3 =	vadd.f32 v11, v3  }
0x15f: {  	v7 =	vnsel vm4, $0x0, v7;
	v23 =	vld [tilespmem:s30+$0x3000];
	v4 =	vadd.f32 v8, v4;
	v1 =	vadd.f32 v16, v1  }
0x160: {  	v10 =	vld [tilespmem:s30+$0x7080];
	v8 =	vsel vm4, $0x3F800000, v0;
	v2 =	vadd.f32 v7, v2;
	vm1 =	vgt.f32 v19, $0.0e+00  }
0x161: {  	v9 =	vld [tilespmem:s30+$0xF000];
	vm3 =	vgt.f32 v20, $0.0e+00;
	vm7 =	vgt.f32 v22, $0.0e+00;
	vm10 =	vgt.f32 v63, $0.0e+00  }
0x162: {  	v11 =	vld [tilespmem:s0+$0x4000];
	v8 =	vadd.f32 v8, v3;
	v3 =	vnsel vm2, $0x0, v6;
	vm2 =	vgt.s32 v62, $0x0  }
0x163: {  	v7 =	vld [tilespmem:s30+$0x7000];
	v6 =	vsub.f32 v17, v20;
	vm9 =	vgt.s32 v24, $0x0;
	vm11 =	vgt.f32 v12, $0.0e+00  }
0x164: {  	v3 =	vadd.f32 v3, v4;
	v4 =	vadd.f32 v13, v1;
	v1 =	vnsel vm0, $0x0, v5;
	v13 =	vld [tilespmem:s0+$0x0]  }
0x165: {  	vm0 =	vgt.s32 v15, $0x0;
	v5 =	vsub.f32 v17, v19;
	v2 =	vadd.f32 v1, v2  }
0x166: {  	v1 =	vadd.f32 v14, v8;
	vm4 =	vgt.f32 v10, $0.0e+00;
	v8 =	vsub.f32 v21, v10  }
0x167: {  	vm5 =	vgt.s32 v9, $0x0;
	v9 =	vsub.f32 v21, v22;
	vm12 =	vgt.f32 v11, $0.0e+00  }
0x168: {  	s4 =	simm.s32 $0x0;
	s0 =	simm.s32 $0x10;
	vm8 =	vgt.f32 v7, $0.0e+00;
	v10 =	vsub.f32 v23, v7;
	v7 =	vsub.f32 v23, v63  }
.LBB2_15:
0x169: {  	p0 =	sne.s32 s0, $0x1F0;
	vm1 =	vmand vm1, vm0;
	vm0 =	vmand vm3, vm0;
	v11 =	vsub.f32 v13, v11;
	s4 =	sadd.s32 $0x80, s4  }
0x16a: {  	s15 =	sand.u32 $0x70, s0;
	vm6 =	vmand vm4, vm2;
	vm4 =	vmand vm7, vm2;
	v12 =	vsub.f32 v13, v12;
	s16 =	sand.u32 $0xC00, s4  }
0x16b: {  	vm7 =	vmand vm8, vm5;
	vm5 =	vmand vm10, vm5;
	vm2 =	vmand vm12, vm9;
	s15 =	sor.u32 s15, s16  }
0x16c: {  	vm3 =	vmand vm11, vm9;
	v14 =	vsel vm1, $0x3F800000, v0;
	v15 =	vsel vm0, $0x3F800000, v0;
	v13 =	vld [tilespmem:s15+$0xF100]  }
0x16d: {  	v5 =	vand.u32 $0x7FFFFFFF, v5;
	v6 =	vand.u32 $0x7FFFFFFF, v6;
	v17 =	vsel vm6, $0x3F800000, v0;
	v16 =	vld [tilespmem:s15+$0x3100]  }
0x16e: {  	v8 =	vand.u32 $0x7FFFFFFF, v8;
	v9 =	vand.u32 $0x7FFFFFFF, v9;
	v19 =	vsel vm4, $0x3F800000, v0;
	v18 =	vld [tilespmem:s15+$0x7100]  }
0x16f: {  	v10 =	vand.u32 $0x7FFFFFFF, v10;
	v21 =	vsel vm7, $0x3F800000, v0;
	v22 =	vsel vm5, $0x3F800000, v0;
	v20 =	vld [tilespmem:s15+$0xB100]  }
0x170: {  	v7 =	vand.u32 $0x7FFFFFFF, v7;
	v24 =	vsel vm2, $0x3F800000, v0;
	v25 =	vsel vm3, $0x3F800000, v0;
	v23 =	vld [tilespmem:s15+$0xF080]  }
0x171: {  	v10 =	vnsel vm7, $0x0, v10;
	v11 =	vand.u32 $0x7FFFFFFF, v11;
	v12 =	vand.u32 $0x7FFFFFFF, v12;
	v26 =	vld [tilespmem:s15+$0x3080]  }
0x172: {  	v7 =	vnsel vm5, $0x0, v7;
	v3 =	vadd.f32 v10, v3;
	v4 =	vadd.f32 v21, v4;
	v27 =	vld [tilespmem:s15+$0x7080]  }
0x173: {  	v2 =	vadd.f32 v7, v2;
	v1 =	vadd.f32 v22, v1;
	v7 =	vnsel vm6, $0x0, v8;
	v10 =	vld [tilespmem:s15+$0xB080]  }
0x174: {  	v3 =	vadd.f32 v7, v3;
	v4 =	vadd.f32 v17, v4;
	v7 =	vnsel vm4, $0x0, v9;
	v21 =	vld [tilespmem:s15+$0xF000]  }
0x175: {  	v5 =	vnsel vm1, $0x0, v5;
	v1 =	vadd.f32 v19, v1;
	v2 =	vadd.f32 v7, v2;
	v17 =	vld [tilespmem:s15+$0x3000]  }
0x176: {  	s16 =	sor.u32 s16, s0;
	v3 =	vadd.f32 v5, v3;
	v4 =	vadd.f32 v14, v4;
	v5 =	vnsel vm0, $0x0, v6;
	v7 =	vld [tilespmem:s15+$0x7000]  }
0x177: {  	v1 =	vadd.f32 v15, v1;
	v2 =	vadd.f32 v5, v2;
	v5 =	vnsel vm2, $0x0, v11;
	v14 =	vld [tilespmem:s15+$0xB000];
	s15 =	sor.u32 $0x3180, s16  }
0x178: {  	v3 =	vadd.f32 v5, v3;
	v4 =	vadd.f32 v24, v4;
	v5 =	vnsel vm3, $0x0, v12;
	v15 =	vld [tilespmem:s15+$0xC000]  }
0x179: {  	v1 =	vadd.f32 v25, v1;
	v2 =	vadd.f32 v5, v2;
	v11 =	vld [tilespmem:s15+$0x4000]  }
0x17a: {  	vm0 =	vgt.s32 v13, $0x0;
	vm1 =	vgt.f32 v18, $0.0e+00;
	vm3 =	vgt.f32 v20, $0.0e+00;
	v12 =	vld [tilespmem:s15+$0x8000]  }
.Ltmp6:
0x17b: {  	v5 =	vsub.f32 v16, v18;
	v6 =	vsub.f32 v16, v20;
	vm2 =	vgt.s32 v23, $0x0;
	v13 =	vld [tilespmem:s15+$0x0];
	(pc) =	sbr.rel @p0 .LBB2_15-.Ltmp6, $4  }
0x17c: {  	vm4 =	vgt.f32 v27, $0.0e+00;
	v8 =	vsub.f32 v26, v27;
	vm7 =	vgt.f32 v10, $0.0e+00  }
0x17d: {  	v9 =	vsub.f32 v26, v10;
	vm5 =	vgt.s32 v21, $0x0;
	vm8 =	vgt.f32 v7, $0.0e+00  }
0x17e: {  	v10 =	vsub.f32 v17, v7;
	vm10 =	vgt.f32 v14, $0.0e+00;
	v7 =	vsub.f32 v17, v14  }
0x17f: {  	s0 =	sadd.s32 $0x10, s0;
	vm9 =	vgt.s32 v15, $0x0;
	vm12 =	vgt.f32 v11, $0.0e+00;
	vm11 =	vgt.f32 v12, $0.0e+00  }
0x180: {  	vm6 =	vmand vm1, vm0;
	vm0 =	vmand vm3, vm0  }
0x181: {  	v11 =	vsub.f32 v13, v11;
	vm4 =	vmand vm4, vm2;
	vm3 =	vmand vm7, vm2  }
0x182: {  	v12 =	vsub.f32 v13, v12;
	vm7 =	vmand vm8, vm5;
	vm5 =	vmand vm10, vm5  }
0x183: {  	vm1 =	vmand vm12, vm9;
	vm2 =	vmand vm11, vm9;
	v5 =	vand.u32 $0x7FFFFFFF, v5;
	v21 =	vld [tilespmem:s30+$0x3300]  }
0x184: {  	v6 =	vand.u32 $0x7FFFFFFF, v6;
	v8 =	vand.u32 $0x7FFFFFFF, v8;
	v9 =	vand.u32 $0x7FFFFFFF, v9;
	v62 =	vld [tilespmem:s30+$0xB300]  }
0x185: {  	v10 =	vand.u32 $0x7FFFFFFF, v10;
	v7 =	vand.u32 $0x7FFFFFFF, v7;
	v63 =	vld [tilespmem:s30+$0x7280];
	v13 =	vsel vm6, $0x3F800000, v0  }
0x186: {  	s0 =	sor.u32 s29, s29;
	v22 =	vld [tilespmem:s30+$0xB280];
	v14 =	vsel vm0, $0x3F800000, v0;
	v16 =	vsel vm4, $0x3F800000, v0;
	v19 =	vsel vm7, $0x3F800000, v0  }
0x187: {  	v23 =	vld [tilespmem:s30+$0xF200];
	s0 =	sor.u32 $0x3380, s0;
	v10 =	vnsel vm7, $0x0, v10;
	v7 =	vnsel vm5, $0x0, v7;
	v61 =	vsel vm5, $0x3F800000, v0  }
0x188: {  	v5 =	vnsel vm6, $0x0, v5;
	v15 =	vld [tilespmem:s0+$0xC000];
	v3 =	vadd.f32 v10, v3;
	v4 =	vadd.f32 v19, v4  }
0x189: {  	v17 =	vld [tilespmem:s0+$0x0];
	v2 =	vadd.f32 v7, v2;
	v7 =	vnsel vm4, $0x0, v8;
	v1 =	vadd.f32 v61, v1  }
0x18a: {  	v18 =	vld [tilespmem:s0+$0x4000];
	v11 =	vand.u32 $0x7FFFFFFF, v11;
	v12 =	vand.u32 $0x7FFFFFFF, v12;
	v3 =	vadd.f32 v7, v3  }
0x18b: {  	v20 =	vld [tilespmem:s0+$0x8000];
	v7 =	vnsel vm3, $0x0, v9;
	v9 =	vsel vm3, $0x3F800000, v0;
	v4 =	vadd.f32 v16, v4  }
0x18c: {  	v2 =	vadd.f32 v7, v2;
	v7 =	vsel vm1, $0x3F800000, v0;
	v1 =	vadd.f32 v9, v1;
	v9 =	vld [tilespmem:s30+$0xF280]  }
0x18d: {  	vm7 =	vgt.f32 v62, $0.0e+00;
	vm6 =	vgt.f32 v63, $0.0e+00;
	v4 =	vadd.f32 v13, v4;
	v13 =	vld [tilespmem:s30+$0x3280]  }
0x18e: {  	v8 =	vld [tilespmem:s30+$0x7300];
	vm8 =	vgt.f32 v22, $0.0e+00;
	v3 =	vadd.f32 v5, v3;
	v5 =	vnsel vm0, $0x0, v6  }
0x18f: {  	v10 =	vld [tilespmem:s30+$0xF300];
	v5 =	vadd.f32 v5, v2;
	v14 =	vadd.f32 v14, v1;
	v1 =	vnsel vm1, $0x0, v11  }
0x190: {  	vm10 =	vgt.s32 v23, $0x0;
	v11 =	vld [tilespmem:s30+$0x7200];
	v1 =	vadd.f32 v1, v3;
	v3 =	vnsel vm2, $0x0, v12  }
0x191: {  	v6 =	vsel vm2, $0x3F800000, v0;
	vm1 =	vgt.s32 v15, $0x0;
	v12 =	vld [tilespmem:s30+$0xB200];
	v3 =	vadd.f32 v3, v5  }
0x192: {  	vm5 =	vgt.s32 v9, $0x0;
	v9 =	vsub.f32 v13, v63;
	v5 =	vsub.f32 v13, v22;
	v13 =	vld [tilespmem:s30+$0x3200]  }
0x193: {  	vm0 =	vgt.f32 v18, $0.0e+00;
	vm3 =	vgt.f32 v8, $0.0e+00;
	v8 =	vsub.f32 v21, v8  }
0x194: {  	vm4 =	vgt.f32 v20, $0.0e+00;
	v2 =	vadd.f32 v7, v4;
	v7 =	vsub.f32 v17, v20  }
0x195: {  	vm2 =	vgt.s32 v10, $0x0;
	v10 =	vsub.f32 v21, v62;
	v4 =	vadd.f32 v6, v14  }
0x196: {  	s0 =	simm.s32 $0x10;
	v6 =	vsub.f32 v17, v18;
	vm12 =	vgt.f32 v11, $0.0e+00;
	vm11 =	vgt.f32 v12, $0.0e+00  }
.LBB2_17:
0x197: {  	p0 =	sne.s32 s0, $0x1F0;
	v11 =	vsub.f32 v13, v11;
	v12 =	vsub.f32 v13, v12;
	vm0 =	vmand vm0, vm1;
	s29 =	sadd.s32 $0x80, s29  }
0x198: {  	vm3 =	vmand vm3, vm2;
	vm2 =	vmand vm7, vm2;
	vm1 =	vmand vm4, vm1;
	s4 =	sor.u32 s29, s0  }
0x199: {  	vm7 =	vmand vm12, vm10;
	vm6 =	vmand vm6, vm5;
	vm4 =	vmand vm8, vm5;
	s4 =	sor.u32 $0x3380, s4  }
0x19a: {  	vm5 =	vmand vm11, vm10;
	v14 =	vsel vm0, $0x3F800000, v0;
	v15 =	vsel vm1, $0x3F800000, v0;
	v13 =	vld [tilespmem:s4+$0xC000]  }
0x19b: {  	v6 =	vand.u32 $0x7FFFFFFF, v6;
	v7 =	vand.u32 $0x7FFFFFFF, v7;
	v17 =	vsel vm3, $0x3F800000, v0;
	v16 =	vld [tilespmem:s4+$0x0]  }
0x19c: {  	s15 =	sand.u32 $0x70, s0;
	v8 =	vand.u32 $0x7FFFFFFF, v8;
	v10 =	vand.u32 $0x7FFFFFFF, v10;
	s16 =	sand.u32 $0xC00, s29;
	v19 =	vsel vm2, $0x3F800000, v0;
	v18 =	vld [tilespmem:s4+$0x4000]  }
0x19d: {  	v9 =	vand.u32 $0x7FFFFFFF, v9;
	v21 =	vsel vm6, $0x3F800000, v0;
	v22 =	vsel vm4, $0x3F800000, v0;
	s15 =	sor.u32 s15, s16;
	v20 =	vld [tilespmem:s4+$0x8000]  }
0x19e: {  	v5 =	vand.u32 $0x7FFFFFFF, v5;
	v24 =	vsel vm7, $0x3F800000, v0;
	v11 =	vand.u32 $0x7FFFFFFF, v11;
	v23 =	vld [tilespmem:s15+$0xF300]  }
0x19f: {  	v26 =	vsel vm5, $0x3F800000, v0;
	v12 =	vand.u32 $0x7FFFFFFF, v12;
	v11 =	vnsel vm7, $0x0, v11;
	v25 =	vld [tilespmem:s15+$0x3300]  }
0x1a0: {  	v2 =	vadd.f32 v24, v2;
	v1 =	vadd.f32 v11, v1;
	v11 =	vnsel vm5, $0x0, v12;
	v27 =	vld [tilespmem:s15+$0x7300]  }
0x1a1: {  	v9 =	vnsel vm6, $0x0, v9;
	v4 =	vadd.f32 v26, v4;
	v3 =	vadd.f32 v11, v3;
	v24 =	vld [tilespmem:s15+$0xB300]  }
0x1a2: {  	v5 =	vnsel vm4, $0x0, v5;
	v2 =	vadd.f32 v21, v2;
	v1 =	vadd.f32 v9, v1;
	v26 =	vld [tilespmem:s15+$0xF280]  }
0x1a3: {  	v4 =	vadd.f32 v22, v4;
	v3 =	vadd.f32 v5, v3;
	v5 =	vnsel vm3, $0x0, v8;
	v21 =	vld [tilespmem:s15+$0x3280]  }
0x1a4: {  	v2 =	vadd.f32 v17, v2;
	v1 =	vadd.f32 v5, v1;
	v5 =	vnsel vm2, $0x0, v10;
	v9 =	vld [tilespmem:s15+$0x7280]  }
0x1a5: {  	v4 =	vadd.f32 v19, v4;
	v3 =	vadd.f32 v5, v3;
	v5 =	vnsel vm0, $0x0, v6;
	v17 =	vld [tilespmem:s15+$0xB280]  }
0x1a6: {  	v2 =	vadd.f32 v14, v2;
	v1 =	vadd.f32 v5, v1;
	v5 =	vnsel vm1, $0x0, v7;
	v19 =	vld [tilespmem:s15+$0xF200]  }
0x1a7: {  	v4 =	vadd.f32 v15, v4;
	v3 =	vadd.f32 v5, v3;
	v11 =	vld [tilespmem:s15+$0x7200]  }
0x1a8: {  	vm1 =	vgt.s32 v13, $0x0;
	vm0 =	vgt.f32 v18, $0.0e+00;
	vm4 =	vgt.f32 v20, $0.0e+00;
	v12 =	vld [tilespmem:s15+$0xB200]  }
.Ltmp7:
0x1a9: {  	v6 =	vsub.f32 v16, v18;
	v7 =	vsub.f32 v16, v20;
	vm2 =	vgt.s32 v23, $0x0;
	v13 =	vld [tilespmem:s15+$0x3200];
	(pc) =	sbr.rel @p0 .LBB2_17-.Ltmp7, $4  }
0x1aa: {  	vm3 =	vgt.f32 v27, $0.0e+00;
	v8 =	vsub.f32 v25, v27;
	vm7 =	vgt.f32 v24, $0.0e+00  }
0x1ab: {  	v10 =	vsub.f32 v25, v24;
	vm5 =	vgt.s32 v26, $0x0;
	vm6 =	vgt.f32 v9, $0.0e+00  }
0x1ac: {  	v9 =	vsub.f32 v21, v9;
	vm8 =	vgt.f32 v17, $0.0e+00;
	v5 =	vsub.f32 v21, v17  }
0x1ad: {  	s0 =	sadd.s32 $0x10, s0;
	vm10 =	vgt.s32 v19, $0x0;
	vm12 =	vgt.f32 v11, $0.0e+00;
	vm11 =	vgt.f32 v12, $0.0e+00  }
0x1ae: {  	v11 =	vsub.f32 v13, v11;
	v12 =	vsub.f32 v13, v12;
	vm9 =	vmand vm0, vm1  }
0x1af: {  	vm3 =	vmand vm3, vm2;
	vm2 =	vmand vm7, vm2;
	vm0 =	vmand vm4, vm1  }
0x1b0: {  	vm12 =	vmand vm12, vm10;
	vm13 =	vmand vm6, vm5;
	vm14 =	vmand vm8, vm5  }
0x1b1: {  	vm15 =	vmand vm11, vm10;
	v6 =	vand.u32 $0x7FFFFFFF, v6;
	v7 =	vand.u32 $0x7FFFFFFF, v7  }
0x1b2: {  	v8 =	vand.u32 $0x7FFFFFFF, v8;
	v10 =	vand.u32 $0x7FFFFFFF, v10;
	v9 =	vand.u32 $0x7FFFFFFF, v9  }
0x1b3: {  	v5 =	vand.u32 $0x7FFFFFFF, v5;
	v61 =	vsel vm9, $0x3F800000, v0;
	v14 =	vsel vm0, $0x3F800000, v0  }
0x1b4: {  	v15 =	vsel vm3, $0x3F800000, v0;
	v16 =	vsel vm2, $0x3F800000, v0;
	v17 =	vsel vm13, $0x3F800000, v0  }
0x1b5: {  	v18 =	vsel vm14, $0x3F800000, v0;
	v19 =	vsel vm12, $0x3F800000, v0;
	v11 =	vand.u32 $0x7FFFFFFF, v11  }
0x1b6: {  	v20 =	vsel vm15, $0x3F800000, v0;
	v12 =	vand.u32 $0x7FFFFFFF, v12;
	v11 =	vnsel vm12, $0x0, v11  }
0x1b7: {  	v2 =	vadd.f32 v19, v2;
	v62 =	vnsel vm15, $0x0, v12;
	v1 =	vadd.f32 v11, v1  }
0x1b8: {  	s28 =	sadd.s32 $0x1, s28;
	v9 =	vnsel vm13, $0x0, v9;
	v4 =	vadd.f32 v20, v4;
	v3 =	vadd.f32 v62, v3  }
0x1b9: {  	v5 =	vnsel vm14, $0x0, v5;
	p0 =	sne.s32 s28, $0x4;
	v2 =	vadd.f32 v17, v2;
	v1 =	vadd.f32 v9, v1  }
.Ltmp8:
0x1ba: {  	v4 =	vadd.f32 v18, v4;
	v3 =	vadd.f32 v5, v3;
	v5 =	vnsel vm3, $0x0, v8;
	(pc) =	sbr.rel @p0 .LBB2_2-.Ltmp8, $4  }
0x1bb: {  	v2 =	vadd.f32 v15, v2;
	v1 =	vadd.f32 v5, v1;
	v5 =	vnsel vm2, $0x0, v10  }
0x1bc: {  	v63 =	vadd.f32 v16, v4;
	v5 =	vadd.f32 v5, v3;
	v3 =	vnsel vm9, $0x0, v6  }
0x1bd: {  	v4 =	vadd.f32 v3, v1;
	v3 =	vadd.f32 v61, v2;
	v1 =	vnsel vm0, $0x0, v7  }
0x1be: {  	v2 =	vadd.f32 v1, v5;
	v1 =	vadd.f32 v14, v63  }
0x1bf: {  	[tilespmem:$0x10000] =	vst v4  }
0x1c0: {  	[tilespmem:$0x10080] =	vst v3;
	s26 =	sadd.s32 $0x1, s26  }
0x1c1: {  	[tilespmem:$0x10100] =	vst v2;
	p0 =	sne.s32 s26, s13  }
.Ltmp9:
0x1c2: {  	[tilespmem:$0x10180] =	vst v1;
	(pc) =	sbr.rel @p0 .LBB2_1-.Ltmp9, $4  }
0x1c3: {  	[hbm4b:s12+s6] =	stream.linear.scatter [tilespmem:s24], [sflag:$0x3], $0x200, $0x38;
	[tilespmem:$0x10200] =	vst v63  }
0x1c4: {  	_ =	swait.ge [sflag:s25], $0x200  }
0x1c5: {  	[sflag:s25] =	ssyncset.done $0x0  }
0x1c6: {  	[sflag:s25] =	ssyncadd.s32 $0xFFFFFE00  }
0x1c7: {  	_ =	sfence.sel $0x180000  }
0x1c8: {  	[bflag:$0x0] =	sbarrier.arrive $0xFFFF  }
0x1c9: {  	_ =	strace $0x90000047  }
0x1ca: {  	s0 =	stileid.u32;
	[bflag:$0x2] =	sbarrier.arrive $0xFFFF  }
0x1cb: {  	p0 =	sne.s32 s0, $0x0;
	s0 =	rddreg [dreg:$0x5]  }
0x1cc: {  	s0 =	sadd.s32 @!p0 $0x100000, s0  }
0x1cd: {  	[sflag:s0] =	ssyncadd.tile.s32 @!p0 $0x1;
	_ =	shalt  }
.Lfunc_end2:
_tile_overlayer_lowered:
.L_overlay_start_2:
0x1ce: {  	(tag) =	ssettag $0x2  }
0x1cf: {  	s0 =	rddreg [dreg:$0x0];
	s2 =	stileid.u32  }
0x1d0: {  	s1 =	rddreg [dreg:$0x1];
	p0 =	sne.s32 s2, $0x0  }
0x1d1: {  	s3 =	rddreg [dreg:$0x2];
	[bflag:$0x3] =	sbarrier.arrive $0xFFFF;
	s2 =	simm.s32 @!p0 $0x1C03  }
0x1d2: {  	[timem:s3], [sflag:s2] =	dma.local @!p0 [hbm:s0], s1  }
0x1d3: {  	s0 =	simm.s32 @!p0 $0x3  }
0x1d4: {  	_ =	swait.ge @!p0 [sflag:s0], s1  }
0x1d5: {  	s1 =	ssub.s32 @!p0 $0x0, s1;
	[sflag:s0] =	ssyncset.done @!p0 $0x0  }
0x1d6: {  	[sflag:s0] =	ssyncadd.s32 @!p0 s1  }
0x1d7: {  	[bflag:$0x3] =	sbarrier.arrive $0xFFFF  }
0x1d8: {  	_ =	shalt  }

</sc_bundles>
